<compile_context>
chip_gen: v7x
topology: tpu7x:2x2x1
jax: 0.10.2.dev20260603
libtpu: 0.0.44.dev20260713+nightly
codegen_flags: <defaults>
</compile_context>

<pallas_src>
import functools

import jax
import jax.numpy as jnp
from jax import lax
from jax.experimental import pallas as pl
from jax.experimental.pallas import tpu as pltpu
from jax.experimental.pallas import tpu_sc as plsc

NC = 2
NS = 16
LANES = 16
C = 128
F32 = jnp.float32


def _mesh():
    return plsc.VectorSubcoreMesh(
        core_axis_name="c", subcore_axis_name="s", num_cores=NC, num_subcores=NS
    )


def _sc_degrees(sd2, np_rows):
    nch = sd2.shape[0]
    npt = np_rows // NS

    @functools.partial(
        pl.kernel,
        out_type=jax.ShapeDtypeStruct((2 * NC, np_rows), F32),
        mesh=_mesh(),
        scratch_types=[
            pltpu.VMEM((2, C), jnp.int32),
            pltpu.VMEM((C,), F32),
            pltpu.VMEM((npt,), F32),
            pltpu.VMEM_SHARED((np_rows,), F32),
            pltpu.VMEM_SHARED((np_rows,), F32),
        ],
    )
    def k(sd_hbm, out_hbm, idx_v, ones_v, stage_v, degs_sp, degd_sp):
        c = lax.axis_index("c")
        s = lax.axis_index("s")
        wid = s * NC + c
        for j in range(C // LANES):
            ones_v[pl.ds(j * LANES, LANES)] = jnp.full((LANES,), 1.0, F32)
        for j in range(npt // LANES):
            stage_v[pl.ds(j * LANES, LANES)] = jnp.zeros((LANES,), F32)
        pltpu.sync_copy(stage_v, degs_sp.at[pl.ds(s * npt, npt)])
        pltpu.sync_copy(stage_v, degd_sp.at[pl.ds(s * npt, npt)])
        plsc.subcore_barrier()

        @pl.loop(wid, nch, step=NC * NS)
        def _(ch):
            pltpu.sync_copy(sd_hbm.at[ch], idx_v)
            pltpu.sync_copy(ones_v, degs_sp.at[idx_v.at[0]], add=True)
            pltpu.sync_copy(ones_v, degd_sp.at[idx_v.at[1]], add=True)

        plsc.subcore_barrier()
        pltpu.sync_copy(degs_sp.at[pl.ds(s * npt, npt)], stage_v)
        pltpu.sync_copy(stage_v, out_hbm.at[c, pl.ds(s * npt, npt)])
        pltpu.sync_copy(degd_sp.at[pl.ds(s * npt, npt)], stage_v)
        pltpu.sync_copy(stage_v, out_hbm.at[NC + c, pl.ds(s * npt, npt)])

    return k(sd2)


def _sc_aggregate(feat, sd2):
    np_rows, d = feat.shape
    nch = sd2.shape[0]
    rpt = np_rows // NS
    sb = 64
    nsb = rpt // sb

    @functools.partial(
        pl.kernel,
        out_type=jax.ShapeDtypeStruct((NC, np_rows, d), F32),
        mesh=_mesh(),
        scratch_types=[
            pltpu.VMEM((2, C), jnp.int32),
            pltpu.VMEM((C, d), F32),
            pltpu.VMEM((sb, d), F32),
            pltpu.VMEM_SHARED((np_rows, d), F32),
        ],
    )
    def k(feat_hbm, sd_hbm, out_hbm, idx_v, rows_v, stage_v, acc_sp):
        c = lax.axis_index("c")
        s = lax.axis_index("s")
        wid = s * NC + c

        @pl.loop(0, sb)
        def _(i):
            for j in range(d // LANES):
                stage_v[i, pl.ds(j * LANES, LANES)] = jnp.zeros((LANES,), F32)

        @pl.loop(0, nsb)
        def _(t):
            pltpu.sync_copy(stage_v, acc_sp.at[pl.ds(s * rpt + t * sb, sb)])

        plsc.subcore_barrier()

        @pl.loop(wid, nch, step=NC * NS)
        def _(ch):
            pltpu.sync_copy(sd_hbm.at[ch], idx_v)
            pltpu.sync_copy(feat_hbm.at[idx_v.at[0]], rows_v)
            pltpu.sync_copy(rows_v, acc_sp.at[idx_v.at[1]], add=True)

        plsc.subcore_barrier()

        @pl.loop(0, nsb)
        def _(t):
            pltpu.sync_copy(acc_sp.at[pl.ds(s * rpt + t * sb, sb)], stage_v)
            pltpu.sync_copy(stage_v, out_hbm.at[c, pl.ds(s * rpt + t * sb, sb)])

    return k(feat, sd2)


def _sc_gather_rows(table, idx2):
    np_rows, d = table.shape
    nch = idx2.shape[0]
    rpt = np_rows // NS
    sb = 64
    nsb = rpt // sb

    @functools.partial(
        pl.kernel,
        out_type=jax.ShapeDtypeStruct((nch * C, d), F32),
        mesh=_mesh(),
        scratch_types=[
            pltpu.VMEM((C,), jnp.int32),
            pltpu.VMEM((C, d), F32),
            pltpu.VMEM_SHARED((np_rows, d), F32),
        ],
    )
    def k(tab_hbm, idx_hbm, out_hbm, idx_v, rows_v, tab_sp):
        c = lax.axis_index("c")
        s = lax.axis_index("s")
        wid = s * NC + c

        @pl.loop(0, nsb)
        def _(t):
            pltpu.sync_copy(tab_hbm.at[pl.ds(s * rpt + t * sb, sb)], rows_v.at[pl.ds(0, sb)])
            pltpu.sync_copy(rows_v.at[pl.ds(0, sb)], tab_sp.at[pl.ds(s * rpt + t * sb, sb)])

        plsc.subcore_barrier()

        @pl.loop(wid, nch, step=NC * NS)
        def _(ch):
            pltpu.sync_copy(idx_hbm.at[ch], idx_v)
            pltpu.sync_copy(tab_sp.at[idx_v], rows_v)
            pltpu.sync_copy(rows_v, out_hbm.at[pl.ds(ch * C, C)])

    return k(table, idx2)


def _tc_norms_feat(degparts, h_pad):
    np_rows, d = h_pad.shape

    def body(dp_ref, h_ref, feat_ref, norms_ref):
        deg_s = dp_ref[0, :] + dp_ref[1, :]
        deg_d = dp_ref[2, :] + dp_ref[3, :]
        ns = lax.rsqrt(jnp.maximum(deg_s, 1.0))
        nd = lax.rsqrt(jnp.maximum(deg_d, 1.0))
        feat_ref[...] = h_ref[...] * ns[:, None]
        norms_ref[0, :] = ns
        norms_ref[1, :] = nd

    return pl.pallas_call(
        body,
        out_shape=(
            jax.ShapeDtypeStruct((np_rows, d), F32),
            jax.ShapeDtypeStruct((2, np_rows), F32),
        ),
    )(degparts, h_pad)


def _tc_layer(parts, norms, w, b2d, scale_src):
    np_rows, d = parts.shape[1], parts.shape[2]

    def body(p_ref, n_ref, w_ref, b_ref, o_ref):
        agg = (p_ref[0] + p_ref[1]) * n_ref[1, :][:, None]
        out = jnp.dot(agg, w_ref[...], preferred_element_type=F32,
                      precision=lax.Precision.HIGHEST)
        out = jnp.maximum(out + b_ref[...], 0.0)
        if scale_src:
            out = out * n_ref[0, :][:, None]
        o_ref[...] = out

    return pl.pallas_call(
        body,
        out_shape=jax.ShapeDtypeStruct((np_rows, w.shape[1]), F32),
    )(parts, norms, w, b2d)


def _tc_pairs(g, w3, b3_2d, p_count):
    d = g.shape[1]
    ncls = w3.shape[1]
    bp = 2000
    nblk = p_count // bp
    off2 = p_count // bp

    def body(h1_ref, h2_ref, w_ref, b_ref, o_ref):
        h1 = h1_ref[...]
        h2 = h2_ref[...]
        w = w_ref[...]
        out = jnp.dot(h1, w[0:d], preferred_element_type=F32,
                      precision=lax.Precision.HIGHEST)
        out += jnp.dot(h2, w[d:2 * d], preferred_element_type=F32,
                       precision=lax.Precision.HIGHEST)
        out += jnp.dot(jnp.abs(h1 - h2), w[2 * d:3 * d], preferred_element_type=F32,
                       precision=lax.Precision.HIGHEST)
        o_ref[...] = out + b_ref[...]

    return pl.pallas_call(
        body,
        grid=(nblk,),
        in_specs=[
            pl.BlockSpec((bp, d), lambda i: (i, 0)),
            pl.BlockSpec((bp, d), lambda i: (i + off2, 0)),
            pl.BlockSpec((3 * d, ncls), lambda i: (0, 0)),
            pl.BlockSpec((1, ncls), lambda i: (0, 0)),
        ],
        out_specs=pl.BlockSpec((bp, ncls), lambda i: (i, 0)),
        out_shape=jax.ShapeDtypeStruct((p_count, ncls), F32),
    )(g, g, w3, b3_2d)


def _pad_chunk_idx(idx, pad_value, chunk_mult=1):
    n = idx.shape[0]
    unit = C * chunk_mult
    n_pad = -(-n // unit) * unit
    if n_pad != n:
        idx = jnp.concatenate(
            [idx, jnp.full((n_pad - n,), pad_value, jnp.int32)])
    return idx.reshape(-1, C)


def kernel(h, edge_index, x1, x2, W1, b1, W2, b2, W3, b3):
    n, d = h.shape
    p_count = x1.shape[0]

    np_rows = -(-n // (NS * LANES * 8)) * (NS * LANES * 8)
    h_pad = jnp.pad(h, ((0, np_rows - n), (0, 0)))

    src2 = _pad_chunk_idx(edge_index[0], n)
    dst2 = _pad_chunk_idx(edge_index[1], n)
    x12 = _pad_chunk_idx(jnp.concatenate([x1, x2]), 0)

    sd2 = jnp.stack([src2, dst2], axis=1)
    degparts = _sc_degrees(sd2, np_rows)
    feat1, norms = _tc_norms_feat(degparts, h_pad)
    parts1 = _sc_aggregate(feat1, sd2)
    feat2 = _tc_layer(parts1, norms, W1, b1.reshape(1, -1), True)
    parts2 = _sc_aggregate(feat2, sd2)
    h2arr = _tc_layer(parts2, norms, W2, b2.reshape(1, -1), False)
    g = _sc_gather_rows(h2arr, x12)
    return _tc_pairs(g, W3, b3.reshape(1, -1), p_count)

# --- scband reference (transcript-rebuilt; emitter-appended) ---
"""Pipeline reference for scband-gcn-12489764897347 (READ-ONLY COPY).

The authoritative reference and input builder live on the scoring server;
editing this copy changes nothing except your own understanding.
"""

import jax, jax.numpy as jnp
import numpy as np

N = 10000
E = 320000
D_IN = 128
D_H = 128
N_CLASSES = 2
P = 100000


def setup_inputs(seed: int = 0) -> dict:
    key = jax.random.key(seed)
    ks = jax.random.split(key, 10)
    h = jax.random.normal(ks[0], (N, D_IN), dtype=jnp.float32)
    edge_index = jax.random.randint(ks[1], (2, E), 0, N, dtype=jnp.int32)
    x1 = jax.random.randint(ks[2], (P,), 0, N, dtype=jnp.int32)
    x2 = jax.random.randint(ks[3], (P,), 0, N, dtype=jnp.int32)
    W1 = jax.random.normal(ks[4], (D_IN, D_H), dtype=jnp.float32) * (1.0 / np.sqrt(D_IN))
    b1 = jnp.zeros((D_H,), dtype=jnp.float32)
    W2 = jax.random.normal(ks[5], (D_H, D_H), dtype=jnp.float32) * (1.0 / np.sqrt(D_H))
    b2 = jnp.zeros((D_H,), dtype=jnp.float32)
    W3 = jax.random.normal(ks[6], (3 * D_H, N_CLASSES), dtype=jnp.float32) * (1.0 / np.sqrt(3 * D_H))
    b3 = jnp.zeros((N_CLASSES,), dtype=jnp.float32)
    return {"h": h, "edge_index": edge_index, "x1": x1, "x2": x2,
            "W1": W1, "b1": b1, "W2": W2, "b2": b2, "W3": W3, "b3": b3}


def _gcn_layer(h, src, dst, W, b):
    # DGL GraphConv with norm='both': D_dst^{-1/2} * A * D_src^{-1/2} * h * W + b, then activation
    ones = jnp.ones((src.shape[0],), dtype=h.dtype)
    deg_out = jax.ops.segment_sum(ones, src, num_segments=N)
    deg_in = jax.ops.segment_sum(ones, dst, num_segments=N)
    norm_src = jax.lax.rsqrt(jnp.clip(deg_out, 1.0, None))
    norm_dst = jax.lax.rsqrt(jnp.clip(deg_in, 1.0, None))
    feat_src = h * norm_src[:, None]
    msg = jnp.take(feat_src, src, axis=0)
    agg = jax.ops.segment_sum(msg, dst, num_segments=N)
    out = (agg * norm_dst[:, None]) @ W + b
    return jax.nn.relu(out)


def reference(h, edge_index, x1, x2, W1, b1, W2, b2, W3, b3):
    src = edge_index[0]
    dst = edge_index[1]
    h = _gcn_layer(h, src, dst, W1, b1)
    h = _gcn_layer(h, src, dst, W2, b2)
    h1 = jnp.take(h, x1, axis=0)
    h2 = jnp.take(h, x2, axis=0)
    feat = jnp.concatenate([h1, h2, jnp.abs(h1 - h2)], axis=1)
    out = feat @ W3 + b3
    return out

if __name__ == "__main__":
    import jax
    _d = setup_inputs()
    print(jax.jit(kernel)(*tuple(_d.values())))

</pallas_src>

<mosaic_0001>
#map = affine_map<(d0, d1) -> (0, 0, 0)>
#map1 = affine_map<(d0, d1) -> (0, 0)>
module attributes {stable_mosaic.version = 14 : i64} {
  func.func @k(%arg0: i32, %arg1: i32, %arg2: memref<2500x2x128xi32, #tpu.memory_space<hbm>>, %arg3: memref<4x10240xf32, #tpu.memory_space<hbm>>, %arg4: memref<2x128xi32, #tpu.memory_space<vmem>>, %arg5: memref<128xf32, #tpu.memory_space<vmem>>, %arg6: memref<640xf32, #tpu.memory_space<vmem>>, %arg7: memref<10240xf32, #tpu.memory_space<vmem_shared>>, %arg8: memref<10240xf32, #tpu.memory_space<vmem_shared>>) attributes {dimension_semantics = [#tpu.dimension_semantics<core_parallel>, #tpu.dimension_semantics<subcore_parallel>], iteration_bounds = array<i64: 2, 16>, scalar_prefetch = 0 : i64, scratch_operands = 5 : i64, tpu.core_type = #tpu.core_type<sc_vector_subcore>, window_params = [{transform_indices = #map}, {transform_indices = #map1}]} {
    %mul3A = arith.constant 2 : i32
    %mul3A_0 = arith.muli %arg1, %mul3A : i32
    %add3A = arith.addi %mul3A_0, %arg0 : i32
    %broadcast_in_dim3A = arith.constant 1.000000e+00 : f32
    %broadcast_in_dim3A_1 = vector.broadcast %broadcast_in_dim3A : f32 to vector<16xf32>
    %swap3A = arith.constant 0 : index
    %swap3A_2 = tpu.vector_load %arg5[%swap3A] {strides = array<i32>} : memref<128xf32, #tpu.memory_space<vmem>>, vector<16xf32>,
    %swap3A_3 = vector.shape_cast %swap3A_2 : vector<16xf32> to vector<16xf32>
    %swap3A_4 = vector.shape_cast %broadcast_in_dim3A_1 : vector<16xf32> to vector<16xf32>
    tpu.vector_store %arg5[%swap3A], %swap3A_4 {strides = array<i32>} : memref<128xf32, #tpu.memory_space<vmem>>, vector<16xf32>,
    %broadcast_in_dim3A_5 = arith.constant 1.000000e+00 : f32
    %broadcast_in_dim3A_6 = vector.broadcast %broadcast_in_dim3A_5 : f32 to vector<16xf32>
    %swap3A_7 = arith.constant 16 : index
    %swap3A_8 = tpu.vector_load %arg5[%swap3A_7] {strides = array<i32>} : memref<128xf32, #tpu.memory_space<vmem>>, vector<16xf32>,
    %swap3A_9 = vector.shape_cast %swap3A_8 : vector<16xf32> to vector<16xf32>
    %swap3A_10 = vector.shape_cast %broadcast_in_dim3A_6 : vector<16xf32> to vector<16xf32>
    tpu.vector_store %arg5[%swap3A_7], %swap3A_10 {strides = array<i32>} : memref<128xf32, #tpu.memory_space<vmem>>, vector<16xf32>,
    %broadcast_in_dim3A_11 = arith.constant 1.000000e+00 : f32
    %broadcast_in_dim3A_12 = vector.broadcast %broadcast_in_dim3A_11 : f32 to vector<16xf32>
    %swap3A_13 = arith.constant 32 : index
    %swap3A_14 = tpu.vector_load %arg5[%swap3A_13] {strides = array<i32>} : memref<128xf32, #tpu.memory_space<vmem>>, vector<16xf32>,
    %swap3A_15 = vector.shape_cast %swap3A_14 : vector<16xf32> to vector<16xf32>
    %swap3A_16 = vector.shape_cast %broadcast_in_dim3A_12 : vector<16xf32> to vector<16xf32>
    tpu.vector_store %arg5[%swap3A_13], %swap3A_16 {strides = array<i32>} : memref<128xf32, #tpu.memory_space<vmem>>, vector<16xf32>,
    %broadcast_in_dim3A_17 = arith.constant 1.000000e+00 : f32
    %broadcast_in_dim3A_18 = vector.broadcast %broadcast_in_dim3A_17 : f32 to vector<16xf32>
    %swap3A_19 = arith.constant 48 : index
    %swap3A_20 = tpu.vector_load %arg5[%swap3A_19] {strides = array<i32>} : memref<128xf32, #tpu.memory_space<vmem>>, vector<16xf32>,
    %swap3A_21 = vector.shape_cast %swap3A_20 : vector<16xf32> to vector<16xf32>
    %swap3A_22 = vector.shape_cast %broadcast_in_dim3A_18 : vector<16xf32> to vector<16xf32>
    tpu.vector_store %arg5[%swap3A_19], %swap3A_22 {strides = array<i32>} : memref<128xf32, #tpu.memory_space<vmem>>, vector<16xf32>,
    %broadcast_in_dim3A_23 = arith.constant 1.000000e+00 : f32
    %broadcast_in_dim3A_24 = vector.broadcast %broadcast_in_dim3A_23 : f32 to vector<16xf32>
    %swap3A_25 = arith.constant 64 : index
    %swap3A_26 = tpu.vector_load %arg5[%swap3A_25] {strides = array<i32>} : memref<128xf32, #tpu.memory_space<vmem>>, vector<16xf32>,
    %swap3A_27 = vector.shape_cast %swap3A_26 : vector<16xf32> to vector<16xf32>
    %swap3A_28 = vector.shape_cast %broadcast_in_dim3A_24 : vector<16xf32> to vector<16xf32>
    tpu.vector_store %arg5[%swap3A_25], %swap3A_28 {strides = array<i32>} : memref<128xf32, #tpu.memory_space<vmem>>, vector<16xf32>,
    %broadcast_in_dim3A_29 = arith.constant 1.000000e+00 : f32
    %broadcast_in_dim3A_30 = vector.broadcast %broadcast_in_dim3A_29 : f32 to vector<16xf32>
    %swap3A_31 = arith.constant 80 : index
    %swap3A_32 = tpu.vector_load %arg5[%swap3A_31] {strides = array<i32>} : memref<128xf32, #tpu.memory_space<vmem>>, vector<16xf32>,
    %swap3A_33 = vector.shape_cast %swap3A_32 : vector<16xf32> to vector<16xf32>
    %swap3A_34 = vector.shape_cast %broadcast_in_dim3A_30 : vector<16xf32> to vector<16xf32>
    tpu.vector_store %arg5[%swap3A_31], %swap3A_34 {strides = array<i32>} : memref<128xf32, #tpu.memory_space<vmem>>, vector<16xf32>,
    %broadcast_in_dim3A_35 = arith.constant 1.000000e+00 : f32
    %broadcast_in_dim3A_36 = vector.broadcast %broadcast_in_dim3A_35 : f32 to vector<16xf32>
    %swap3A_37 = arith.constant 96 : index
    %swap3A_38 = tpu.vector_load %arg5[%swap3A_37] {strides = array<i32>} : memref<128xf32, #tpu.memory_space<vmem>>, vector<16xf32>,
    %swap3A_39 = vector.shape_cast %swap3A_38 : vector<16xf32> to vector<16xf32>
    %swap3A_40 = vector.shape_cast %broadcast_in_dim3A_36 : vector<16xf32> to vector<16xf32>
    tpu.vector_store %arg5[%swap3A_37], %swap3A_40 {strides = array<i32>} : memref<128xf32, #tpu.memory_space<vmem>>, vector<16xf32>,
    %broadcast_in_dim3A_41 = arith.constant 1.000000e+00 : f32
    %broadcast_in_dim3A_42 = vector.broadcast %broadcast_in_dim3A_41 : f32 to vector<16xf32>
    %swap3A_43 = arith.constant 112 : index
    %swap3A_44 = tpu.vector_load %arg5[%swap3A_43] {strides = array<i32>} : memref<128xf32, #tpu.memory_space<vmem>>, vector<16xf32>,
    %swap3A_45 = vector.shape_cast %swap3A_44 : vector<16xf32> to vector<16xf32>
    %swap3A_46 = vector.shape_cast %broadcast_in_dim3A_42 : vector<16xf32> to vector<16xf32>
    tpu.vector_store %arg5[%swap3A_43], %swap3A_46 {strides = array<i32>} : memref<128xf32, #tpu.memory_space<vmem>>, vector<16xf32>,
    %broadcast_in_dim3A_47 = arith.constant 0.000000e+00 : f32
    %broadcast_in_dim3A_48 = vector.broadcast %broadcast_in_dim3A_47 : f32 to vector<16xf32>
    %swap3A_49 = arith.constant 0 : index
    %swap3A_50 = tpu.vector_load %arg6[%swap3A_49] {strides = array<i32>} : memref<640xf32, #tpu.memory_space<vmem>>, vector<16xf32>,
    %swap3A_51 = vector.shape_cast %swap3A_50 : vector<16xf32> to vector<16xf32>
    %swap3A_52 = vector.shape_cast %broadcast_in_dim3A_48 : vector<16xf32> to vector<16xf32>
    tpu.vector_store %arg6[%swap3A_49], %swap3A_52 {strides = array<i32>} : memref<640xf32, #tpu.memory_space<vmem>>, vector<16xf32>,
    %broadcast_in_dim3A_53 = arith.constant 0.000000e+00 : f32
    %broadcast_in_dim3A_54 = vector.broadcast %broadcast_in_dim3A_53 : f32 to vector<16xf32>
    %swap3A_55 = arith.constant 16 : index
    %swap3A_56 = tpu.vector_load %arg6[%swap3A_55] {strides = array<i32>} : memref<640xf32, #tpu.memory_space<vmem>>, vector<16xf32>,
    %swap3A_57 = vector.shape_cast %swap3A_56 : vector<16xf32> to vector<16xf32>
    %swap3A_58 = vector.shape_cast %broadcast_in_dim3A_54 : vector<16xf32> to vector<16xf32>
    tpu.vector_store %arg6[%swap3A_55], %swap3A_58 {strides = array<i32>} : memref<640xf32, #tpu.memory_space<vmem>>, vector<16xf32>,
    %broadcast_in_dim3A_59 = arith.constant 0.000000e+00 : f32
    %broadcast_in_dim3A_60 = vector.broadcast %broadcast_in_dim3A_59 : f32 to vector<16xf32>
    %swap3A_61 = arith.constant 32 : index
    %swap3A_62 = tpu.vector_load %arg6[%swap3A_61] {strides = array<i32>} : memref<640xf32, #tpu.memory_space<vmem>>, vector<16xf32>,
    %swap3A_63 = vector.shape_cast %swap3A_62 : vector<16xf32> to vector<16xf32>
    %swap3A_64 = vector.shape_cast %broadcast_in_dim3A_60 : vector<16xf32> to vector<16xf32>
    tpu.vector_store %arg6[%swap3A_61], %swap3A_64 {strides = array<i32>} : memref<640xf32, #tpu.memory_space<vmem>>, vector<16xf32>,
    %broadcast_in_dim3A_65 = arith.constant 0.000000e+00 : f32
    %broadcast_in_dim3A_66 = vector.broadcast %broadcast_in_dim3A_65 : f32 to vector<16xf32>
    %swap3A_67 = arith.constant 48 : index
    %swap3A_68 = tpu.vector_load %arg6[%swap3A_67] {strides = array<i32>} : memref<640xf32, #tpu.memory_space<vmem>>, vector<16xf32>,
    %swap3A_69 = vector.shape_cast %swap3A_68 : vector<16xf32> to vector<16xf32>
    %swap3A_70 = vector.shape_cast %broadcast_in_dim3A_66 : vector<16xf32> to vector<16xf32>
    tpu.vector_store %arg6[%swap3A_67], %swap3A_70 {strides = array<i32>} : memref<640xf32, #tpu.memory_space<vmem>>, vector<16xf32>,
    %broadcast_in_dim3A_71 = arith.constant 0.000000e+00 : f32
    %broadcast_in_dim3A_72 = vector.broadcast %broadcast_in_dim3A_71 : f32 to vector<16xf32>
    %swap3A_73 = arith.constant 64 : index
    %swap3A_74 = tpu.vector_load %arg6[%swap3A_73] {strides = array<i32>} : memref<640xf32, #tpu.memory_space<vmem>>, vector<16xf32>,
    %swap3A_75 = vector.shape_cast %swap3A_74 : vector<16xf32> to vector<16xf32>
    %swap3A_76 = vector.shape_cast %broadcast_in_dim3A_72 : vector<16xf32> to vector<16xf32>
    tpu.vector_store %arg6[%swap3A_73], %swap3A_76 {strides = array<i32>} : memref<640xf32, #tpu.memory_space<vmem>>, vector<16xf32>,
    %broadcast_in_dim3A_77 = arith.constant 0.000000e+00 : f32
    %broadcast_in_dim3A_78 = vector.broadcast %broadcast_in_dim3A_77 : f32 to vector<16xf32>
    %swap3A_79 = arith.constant 80 : index
    %swap3A_80 = tpu.vector_load %arg6[%swap3A_79] {strides = array<i32>} : memref<640xf32, #tpu.memory_space<vmem>>, vector<16xf32>,
    %swap3A_81 = vector.shape_cast %swap3A_80 : vector<16xf32> to vector<16xf32>
    %swap3A_82 = vector.shape_cast %broadcast_in_dim3A_78 : vector<16xf32> to vector<16xf32>
    tpu.vector_store %arg6[%swap3A_79], %swap3A_82 {strides = array<i32>} : memref<640xf32, #tpu.memory_space<vmem>>, vector<16xf32>,
    %broadcast_in_dim3A_83 = arith.constant 0.000000e+00 : f32
    %broadcast_in_dim3A_84 = vector.broadcast %broadcast_in_dim3A_83 : f32 to vector<16xf32>
    %swap3A_85 = arith.constant 96 : index
    %swap3A_86 = tpu.vector_load %arg6[%swap3A_85] {strides = array<i32>} : memref<640xf32, #tpu.memory_space<vmem>>, vector<16xf32>,
    %swap3A_87 = vector.shape_cast %swap3A_86 : vector<16xf32> to vector<16xf32>
    %swap3A_88 = vector.shape_cast %broadcast_in_dim3A_84 : vector<16xf32> to vector<16xf32>
    tpu.vector_store %arg6[%swap3A_85], %swap3A_88 {strides = array<i32>} : memref<640xf32, #tpu.memory_space<vmem>>, vector<16xf32>,
    %broadcast_in_dim3A_89 = arith.constant 0.000000e+00 : f32
    %broadcast_in_dim3A_90 = vector.broadcast %broadcast_in_dim3A_89 : f32 to vector<16xf32>
    %swap3A_91 = arith.constant 112 : index
    %swap3A_92 = tpu.vector_load %arg6[%swap3A_91] {strides = array<i32>} : memref<640xf32, #tpu.memory_space<vmem>>, vector<16xf32>,
    %swap3A_93 = vector.shape_cast %swap3A_92 : vector<16xf32> to vector<16xf32>
    %swap3A_94 = vector.shape_cast %broadcast_in_dim3A_90 : vector<16xf32> to vector<16xf32>
    tpu.vector_store %arg6[%swap3A_91], %swap3A_94 {strides = array<i32>} : memref<640xf32, #tpu.memory_space<vmem>>, vector<16xf32>,
    %broadcast_in_dim3A_95 = arith.constant 0.000000e+00 : f32
    %broadcast_in_dim3A_96 = vector.broadcast %broadcast_in_dim3A_95 : f32 to vector<16xf32>
    %swap3A_97 = arith.constant 128 : index
    %swap3A_98 = tpu.vector_load %arg6[%swap3A_97] {strides = array<i32>} : memref<640xf32, #tpu.memory_space<vmem>>, vector<16xf32>,
    %swap3A_99 = vector.shape_cast %swap3A_98 : vector<16xf32> to vector<16xf32>
    %swap3A_100 = vector.shape_cast %broadcast_in_dim3A_96 : vector<16xf32> to vector<16xf32>
    tpu.vector_store %arg6[%swap3A_97], %swap3A_100 {strides = array<i32>} : memref<640xf32, #tpu.memory_space<vmem>>, vector<16xf32>,
    %broadcast_in_dim3A_101 = arith.constant 0.000000e+00 : f32
    %broadcast_in_dim3A_102 = vector.broadcast %broadcast_in_dim3A_101 : f32 to vector<16xf32>
    %swap3A_103 = arith.constant 144 : index
    %swap3A_104 = tpu.vector_load %arg6[%swap3A_103] {strides = array<i32>} : memref<640xf32, #tpu.memory_space<vmem>>, vector<16xf32>,
    %swap3A_105 = vector.shape_cast %swap3A_104 : vector<16xf32> to vector<16xf32>
    %swap3A_106 = vector.shape_cast %broadcast_in_dim3A_102 : vector<16xf32> to vector<16xf32>
    tpu.vector_store %arg6[%swap3A_103], %swap3A_106 {strides = array<i32>} : memref<640xf32, #tpu.memory_space<vmem>>, vector<16xf32>,
    %broadcast_in_dim3A_107 = arith.constant 0.000000e+00 : f32
    %broadcast_in_dim3A_108 = vector.broadcast %broadcast_in_dim3A_107 : f32 to vector<16xf32>
    %swap3A_109 = arith.constant 160 : index
    %swap3A_110 = tpu.vector_load %arg6[%swap3A_109] {strides = array<i32>} : memref<640xf32, #tpu.memory_space<vmem>>, vector<16xf32>,
    %swap3A_111 = vector.shape_cast %swap3A_110 : vector<16xf32> to vector<16xf32>
    %swap3A_112 = vector.shape_cast %broadcast_in_dim3A_108 : vector<16xf32> to vector<16xf32>
    tpu.vector_store %arg6[%swap3A_109], %swap3A_112 {strides = array<i32>} : memref<640xf32, #tpu.memory_space<vmem>>, vector<16xf32>,
    %broadcast_in_dim3A_113 = arith.constant 0.000000e+00 : f32
    %broadcast_in_dim3A_114 = vector.broadcast %broadcast_in_dim3A_113 : f32 to vector<16xf32>
    %swap3A_115 = arith.constant 176 : index
    %swap3A_116 = tpu.vector_load %arg6[%swap3A_115] {strides = array<i32>} : memref<640xf32, #tpu.memory_space<vmem>>, vector<16xf32>,
    %swap3A_117 = vector.shape_cast %swap3A_116 : vector<16xf32> to vector<16xf32>
    %swap3A_118 = vector.shape_cast %broadcast_in_dim3A_114 : vector<16xf32> to vector<16xf32>
    tpu.vector_store %arg6[%swap3A_115], %swap3A_118 {strides = array<i32>} : memref<640xf32, #tpu.memory_space<vmem>>, vector<16xf32>,
    %broadcast_in_dim3A_119 = arith.constant 0.000000e+00 : f32
    %broadcast_in_dim3A_120 = vector.broadcast %broadcast_in_dim3A_119 : f32 to vector<16xf32>
    %swap3A_121 = arith.constant 192 : index
    %swap3A_122 = tpu.vector_load %arg6[%swap3A_121] {strides = array<i32>} : memref<640xf32, #tpu.memory_space<vmem>>, vector<16xf32>,
    %swap3A_123 = vector.shape_cast %swap3A_122 : vector<16xf32> to vector<16xf32>
    %swap3A_124 = vector.shape_cast %broadcast_in_dim3A_120 : vector<16xf32> to vector<16xf32>
    tpu.vector_store %arg6[%swap3A_121], %swap3A_124 {strides = array<i32>} : memref<640xf32, #tpu.memory_space<vmem>>, vector<16xf32>,
    %broadcast_in_dim3A_125 = arith.constant 0.000000e+00 : f32
    %broadcast_in_dim3A_126 = vector.broadcast %broadcast_in_dim3A_125 : f32 to vector<16xf32>
    %swap3A_127 = arith.constant 208 : index
    %swap3A_128 = tpu.vector_load %arg6[%swap3A_127] {strides = array<i32>} : memref<640xf32, #tpu.memory_space<vmem>>, vector<16xf32>,
    %swap3A_129 = vector.shape_cast %swap3A_128 : vector<16xf32> to vector<16xf32>
    %swap3A_130 = vector.shape_cast %broadcast_in_dim3A_126 : vector<16xf32> to vector<16xf32>
    tpu.vector_store %arg6[%swap3A_127], %swap3A_130 {strides = array<i32>} : memref<640xf32, #tpu.memory_space<vmem>>, vector<16xf32>,
    %broadcast_in_dim3A_131 = arith.constant 0.000000e+00 : f32
    %broadcast_in_dim3A_132 = vector.broadcast %broadcast_in_dim3A_131 : f32 to vector<16xf32>
    %swap3A_133 = arith.constant 224 : index
    %swap3A_134 = tpu.vector_load %arg6[%swap3A_133] {strides = array<i32>} : memref<640xf32, #tpu.memory_space<vmem>>, vector<16xf32>,
    %swap3A_135 = vector.shape_cast %swap3A_134 : vector<16xf32> to vector<16xf32>
    %swap3A_136 = vector.shape_cast %broadcast_in_dim3A_132 : vector<16xf32> to vector<16xf32>
    tpu.vector_store %arg6[%swap3A_133], %swap3A_136 {strides = array<i32>} : memref<640xf32, #tpu.memory_space<vmem>>, vector<16xf32>,
    %broadcast_in_dim3A_137 = arith.constant 0.000000e+00 : f32
    %broadcast_in_dim3A_138 = vector.broadcast %broadcast_in_dim3A_137 : f32 to vector<16xf32>
    %swap3A_139 = arith.constant 240 : index
    %swap3A_140 = tpu.vector_load %arg6[%swap3A_139] {strides = array<i32>} : memref<640xf32, #tpu.memory_space<vmem>>, vector<16xf32>,
    %swap3A_141 = vector.shape_cast %swap3A_140 : vector<16xf32> to vector<16xf32>
    %swap3A_142 = vector.shape_cast %broadcast_in_dim3A_138 : vector<16xf32> to vector<16xf32>
    tpu.vector_store %arg6[%swap3A_139], %swap3A_142 {strides = array<i32>} : memref<640xf32, #tpu.memory_space<vmem>>, vector<16xf32>,
    %broadcast_in_dim3A_143 = arith.constant 0.000000e+00 : f32
    %broadcast_in_dim3A_144 = vector.broadcast %broadcast_in_dim3A_143 : f32 to vector<16xf32>
    %swap3A_145 = arith.constant 256 : index
    %swap3A_146 = tpu.vector_load %arg6[%swap3A_145] {strides = array<i32>} : memref<640xf32, #tpu.memory_space<vmem>>, vector<16xf32>,
    %swap3A_147 = vector.shape_cast %swap3A_146 : vector<16xf32> to vector<16xf32>
    %swap3A_148 = vector.shape_cast %broadcast_in_dim3A_144 : vector<16xf32> to vector<16xf32>
    tpu.vector_store %arg6[%swap3A_145], %swap3A_148 {strides = array<i32>} : memref<640xf32, #tpu.memory_space<vmem>>, vector<16xf32>,
    %broadcast_in_dim3A_149 = arith.constant 0.000000e+00 : f32
    %broadcast_in_dim3A_150 = vector.broadcast %broadcast_in_dim3A_149 : f32 to vector<16xf32>
    %swap3A_151 = arith.constant 272 : index
    %swap3A_152 = tpu.vector_load %arg6[%swap3A_151] {strides = array<i32>} : memref<640xf32, #tpu.memory_space<vmem>>, vector<16xf32>,
    %swap3A_153 = vector.shape_cast %swap3A_152 : vector<16xf32> to vector<16xf32>
    %swap3A_154 = vector.shape_cast %broadcast_in_dim3A_150 : vector<16xf32> to vector<16xf32>
    tpu.vector_store %arg6[%swap3A_151], %swap3A_154 {strides = array<i32>} : memref<640xf32, #tpu.memory_space<vmem>>, vector<16xf32>,
    %broadcast_in_dim3A_155 = arith.constant 0.000000e+00 : f32
    %broadcast_in_dim3A_156 = vector.broadcast %broadcast_in_dim3A_155 : f32 to vector<16xf32>
    %swap3A_157 = arith.constant 288 : index
    %swap3A_158 = tpu.vector_load %arg6[%swap3A_157] {strides = array<i32>} : memref<640xf32, #tpu.memory_space<vmem>>, vector<16xf32>,
    %swap3A_159 = vector.shape_cast %swap3A_158 : vector<16xf32> to vector<16xf32>
    %swap3A_160 = vector.shape_cast %broadcast_in_dim3A_156 : vector<16xf32> to vector<16xf32>
    tpu.vector_store %arg6[%swap3A_157], %swap3A_160 {strides = array<i32>} : memref<640xf32, #tpu.memory_space<vmem>>, vector<16xf32>,
    %broadcast_in_dim3A_161 = arith.constant 0.000000e+00 : f32
    %broadcast_in_dim3A_162 = vector.broadcast %broadcast_in_dim3A_161 : f32 to vector<16xf32>
    %swap3A_163 = arith.constant 304 : index
    %swap3A_164 = tpu.vector_load %arg6[%swap3A_163] {strides = array<i32>} : memref<640xf32, #tpu.memory_space<vmem>>, vector<16xf32>,
    %swap3A_165 = vector.shape_cast %swap3A_164 : vector<16xf32> to vector<16xf32>
    %swap3A_166 = vector.shape_cast %broadcast_in_dim3A_162 : vector<16xf32> to vector<16xf32>
    tpu.vector_store %arg6[%swap3A_163], %swap3A_166 {strides = array<i32>} : memref<640xf32, #tpu.memory_space<vmem>>, vector<16xf32>,
    %broadcast_in_dim3A_167 = arith.constant 0.000000e+00 : f32
    %broadcast_in_dim3A_168 = vector.broadcast %broadcast_in_dim3A_167 : f32 to vector<16xf32>
    %swap3A_169 = arith.constant 320 : index
    %swap3A_170 = tpu.vector_load %arg6[%swap3A_169] {strides = array<i32>} : memref<640xf32, #tpu.memory_space<vmem>>, vector<16xf32>,
    %swap3A_171 = vector.shape_cast %swap3A_170 : vector<16xf32> to vector<16xf32>
    %swap3A_172 = vector.shape_cast %broadcast_in_dim3A_168 : vector<16xf32> to vector<16xf32>
    tpu.vector_store %arg6[%swap3A_169], %swap3A_172 {strides = array<i32>} : memref<640xf32, #tpu.memory_space<vmem>>, vector<16xf32>,
    %broadcast_in_dim3A_173 = arith.constant 0.000000e+00 : f32
    %broadcast_in_dim3A_174 = vector.broadcast %broadcast_in_dim3A_173 : f32 to vector<16xf32>
    %swap3A_175 = arith.constant 336 : index
    %swap3A_176 = tpu.vector_load %arg6[%swap3A_175] {strides = array<i32>} : memref<640xf32, #tpu.memory_space<vmem>>, vector<16xf32>,
    %swap3A_177 = vector.shape_cast %swap3A_176 : vector<16xf32> to vector<16xf32>
    %swap3A_178 = vector.shape_cast %broadcast_in_dim3A_174 : vector<16xf32> to vector<16xf32>
    tpu.vector_store %arg6[%swap3A_175], %swap3A_178 {strides = array<i32>} : memref<640xf32, #tpu.memory_space<vmem>>, vector<16xf32>,
    %broadcast_in_dim3A_179 = arith.constant 0.000000e+00 : f32
    %broadcast_in_dim3A_180 = vector.broadcast %broadcast_in_dim3A_179 : f32 to vector<16xf32>
    %swap3A_181 = arith.constant 352 : index
    %swap3A_182 = tpu.vector_load %arg6[%swap3A_181] {strides = array<i32>} : memref<640xf32, #tpu.memory_space<vmem>>, vector<16xf32>,
    %swap3A_183 = vector.shape_cast %swap3A_182 : vector<16xf32> to vector<16xf32>
    %swap3A_184 = vector.shape_cast %broadcast_in_dim3A_180 : vector<16xf32> to vector<16xf32>
    tpu.vector_store %arg6[%swap3A_181], %swap3A_184 {strides = array<i32>} : memref<640xf32, #tpu.memory_space<vmem>>, vector<16xf32>,
    %broadcast_in_dim3A_185 = arith.constant 0.000000e+00 : f32
    %broadcast_in_dim3A_186 = vector.broadcast %broadcast_in_dim3A_185 : f32 to vector<16xf32>
    %swap3A_187 = arith.constant 368 : index
    %swap3A_188 = tpu.vector_load %arg6[%swap3A_187] {strides = array<i32>} : memref<640xf32, #tpu.memory_space<vmem>>, vector<16xf32>,
    %swap3A_189 = vector.shape_cast %swap3A_188 : vector<16xf32> to vector<16xf32>
    %swap3A_190 = vector.shape_cast %broadcast_in_dim3A_186 : vector<16xf32> to vector<16xf32>
    tpu.vector_store %arg6[%swap3A_187], %swap3A_190 {strides = array<i32>} : memref<640xf32, #tpu.memory_space<vmem>>, vector<16xf32>,
    %broadcast_in_dim3A_191 = arith.constant 0.000000e+00 : f32
    %broadcast_in_dim3A_192 = vector.broadcast %broadcast_in_dim3A_191 : f32 to vector<16xf32>
    %swap3A_193 = arith.constant 384 : index
    %swap3A_194 = tpu.vector_load %arg6[%swap3A_193] {strides = array<i32>} : memref<640xf32, #tpu.memory_space<vmem>>, vector<16xf32>,
    %swap3A_195 = vector.shape_cast %swap3A_194 : vector<16xf32> to vector<16xf32>
    %swap3A_196 = vector.shape_cast %broadcast_in_dim3A_192 : vector<16xf32> to vector<16xf32>
    tpu.vector_store %arg6[%swap3A_193], %swap3A_196 {strides = array<i32>} : memref<640xf32, #tpu.memory_space<vmem>>, vector<16xf32>,
    %broadcast_in_dim3A_197 = arith.constant 0.000000e+00 : f32
    %broadcast_in_dim3A_198 = vector.broadcast %broadcast_in_dim3A_197 : f32 to vector<16xf32>
    %swap3A_199 = arith.constant 400 : index
    %swap3A_200 = tpu.vector_load %arg6[%swap3A_199] {strides = array<i32>} : memref<640xf32, #tpu.memory_space<vmem>>, vector<16xf32>,
    %swap3A_201 = vector.shape_cast %swap3A_200 : vector<16xf32> to vector<16xf32>
    %swap3A_202 = vector.shape_cast %broadcast_in_dim3A_198 : vector<16xf32> to vector<16xf32>
    tpu.vector_store %arg6[%swap3A_199], %swap3A_202 {strides = array<i32>} : memref<640xf32, #tpu.memory_space<vmem>>, vector<16xf32>,
    %broadcast_in_dim3A_203 = arith.constant 0.000000e+00 : f32
    %broadcast_in_dim3A_204 = vector.broadcast %broadcast_in_dim3A_203 : f32 to vector<16xf32>
    %swap3A_205 = arith.constant 416 : index
    %swap3A_206 = tpu.vector_load %arg6[%swap3A_205] {strides = array<i32>} : memref<640xf32, #tpu.memory_space<vmem>>, vector<16xf32>,
    %swap3A_207 = vector.shape_cast %swap3A_206 : vector<16xf32> to vector<16xf32>
    %swap3A_208 = vector.shape_cast %broadcast_in_dim3A_204 : vector<16xf32> to vector<16xf32>
    tpu.vector_store %arg6[%swap3A_205], %swap3A_208 {strides = array<i32>} : memref<640xf32, #tpu.memory_space<vmem>>, vector<16xf32>,
    %broadcast_in_dim3A_209 = arith.constant 0.000000e+00 : f32
    %broadcast_in_dim3A_210 = vector.broadcast %broadcast_in_dim3A_209 : f32 to vector<16xf32>
    %swap3A_211 = arith.constant 432 : index
    %swap3A_212 = tpu.vector_load %arg6[%swap3A_211] {strides = array<i32>} : memref<640xf32, #tpu.memory_space<vmem>>, vector<16xf32>,
    %swap3A_213 = vector.shape_cast %swap3A_212 : vector<16xf32> to vector<16xf32>
    %swap3A_214 = vector.shape_cast %broadcast_in_dim3A_210 : vector<16xf32> to vector<16xf32>
    tpu.vector_store %arg6[%swap3A_211], %swap3A_214 {strides = array<i32>} : memref<640xf32, #tpu.memory_space<vmem>>, vector<16xf32>,
    %broadcast_in_dim3A_215 = arith.constant 0.000000e+00 : f32
    %broadcast_in_dim3A_216 = vector.broadcast %broadcast_in_dim3A_215 : f32 to vector<16xf32>
    %swap3A_217 = arith.constant 448 : index
    %swap3A_218 = tpu.vector_load %arg6[%swap3A_217] {strides = array<i32>} : memref<640xf32, #tpu.memory_space<vmem>>, vector<16xf32>,
    %swap3A_219 = vector.shape_cast %swap3A_218 : vector<16xf32> to vector<16xf32>
    %swap3A_220 = vector.shape_cast %broadcast_in_dim3A_216 : vector<16xf32> to vector<16xf32>
    tpu.vector_store %arg6[%swap3A_217], %swap3A_220 {strides = array<i32>} : memref<640xf32, #tpu.memory_space<vmem>>, vector<16xf32>,
    %broadcast_in_dim3A_221 = arith.constant 0.000000e+00 : f32
    %broadcast_in_dim3A_222 = vector.broadcast %broadcast_in_dim3A_221 : f32 to vector<16xf32>
    %swap3A_223 = arith.constant 464 : index
    %swap3A_224 = tpu.vector_load %arg6[%swap3A_223] {strides = array<i32>} : memref<640xf32, #tpu.memory_space<vmem>>, vector<16xf32>,
    %swap3A_225 = vector.shape_cast %swap3A_224 : vector<16xf32> to vector<16xf32>
    %swap3A_226 = vector.shape_cast %broadcast_in_dim3A_222 : vector<16xf32> to vector<16xf32>
    tpu.vector_store %arg6[%swap3A_223], %swap3A_226 {strides = array<i32>} : memref<640xf32, #tpu.memory_space<vmem>>, vector<16xf32>,
    %broadcast_in_dim3A_227 = arith.constant 0.000000e+00 : f32
    %broadcast_in_dim3A_228 = vector.broadcast %broadcast_in_dim3A_227 : f32 to vector<16xf32>
    %swap3A_229 = arith.constant 480 : index
    %swap3A_230 = tpu.vector_load %arg6[%swap3A_229] {strides = array<i32>} : memref<640xf32, #tpu.memory_space<vmem>>, vector<16xf32>,
    %swap3A_231 = vector.shape_cast %swap3A_230 : vector<16xf32> to vector<16xf32>
    %swap3A_232 = vector.shape_cast %broadcast_in_dim3A_228 : vector<16xf32> to vector<16xf32>
    tpu.vector_store %arg6[%swap3A_229], %swap3A_232 {strides = array<i32>} : memref<640xf32, #tpu.memory_space<vmem>>, vector<16xf32>,
    %broadcast_in_dim3A_233 = arith.constant 0.000000e+00 : f32
    %broadcast_in_dim3A_234 = vector.broadcast %broadcast_in_dim3A_233 : f32 to vector<16xf32>
    %swap3A_235 = arith.constant 496 : index
    %swap3A_236 = tpu.vector_load %arg6[%swap3A_235] {strides = array<i32>} : memref<640xf32, #tpu.memory_space<vmem>>, vector<16xf32>,
    %swap3A_237 = vector.shape_cast %swap3A_236 : vector<16xf32> to vector<16xf32>
    %swap3A_238 = vector.shape_cast %broadcast_in_dim3A_234 : vector<16xf32> to vector<16xf32>
    tpu.vector_store %arg6[%swap3A_235], %swap3A_238 {strides = array<i32>} : memref<640xf32, #tpu.memory_space<vmem>>, vector<16xf32>,
    %broadcast_in_dim3A_239 = arith.constant 0.000000e+00 : f32
    %broadcast_in_dim3A_240 = vector.broadcast %broadcast_in_dim3A_239 : f32 to vector<16xf32>
    %swap3A_241 = arith.constant 512 : index
    %swap3A_242 = tpu.vector_load %arg6[%swap3A_241] {strides = array<i32>} : memref<640xf32, #tpu.memory_space<vmem>>, vector<16xf32>,
    %swap3A_243 = vector.shape_cast %swap3A_242 : vector<16xf32> to vector<16xf32>
    %swap3A_244 = vector.shape_cast %broadcast_in_dim3A_240 : vector<16xf32> to vector<16xf32>
    tpu.vector_store %arg6[%swap3A_241], %swap3A_244 {strides = array<i32>} : memref<640xf32, #tpu.memory_space<vmem>>, vector<16xf32>,
    %broadcast_in_dim3A_245 = arith.constant 0.000000e+00 : f32
    %broadcast_in_dim3A_246 = vector.broadcast %broadcast_in_dim3A_245 : f32 to vector<16xf32>
    %swap3A_247 = arith.constant 528 : index
    %swap3A_248 = tpu.vector_load %arg6[%swap3A_247] {strides = array<i32>} : memref<640xf32, #tpu.memory_space<vmem>>, vector<16xf32>,
    %swap3A_249 = vector.shape_cast %swap3A_248 : vector<16xf32> to vector<16xf32>
    %swap3A_250 = vector.shape_cast %broadcast_in_dim3A_246 : vector<16xf32> to vector<16xf32>
    tpu.vector_store %arg6[%swap3A_247], %swap3A_250 {strides = array<i32>} : memref<640xf32, #tpu.memory_space<vmem>>, vector<16xf32>,
    %broadcast_in_dim3A_251 = arith.constant 0.000000e+00 : f32
    %broadcast_in_dim3A_252 = vector.broadcast %broadcast_in_dim3A_251 : f32 to vector<16xf32>
    %swap3A_253 = arith.constant 544 : index
    %swap3A_254 = tpu.vector_load %arg6[%swap3A_253] {strides = array<i32>} : memref<640xf32, #tpu.memory_space<vmem>>, vector<16xf32>,
    %swap3A_255 = vector.shape_cast %swap3A_254 : vector<16xf32> to vector<16xf32>
    %swap3A_256 = vector.shape_cast %broadcast_in_dim3A_252 : vector<16xf32> to vector<16xf32>
    tpu.vector_store %arg6[%swap3A_253], %swap3A_256 {strides = array<i32>} : memref<640xf32, #tpu.memory_space<vmem>>, vector<16xf32>,
    %broadcast_in_dim3A_257 = arith.constant 0.000000e+00 : f32
    %broadcast_in_dim3A_258 = vector.broadcast %broadcast_in_dim3A_257 : f32 to vector<16xf32>
    %swap3A_259 = arith.constant 560 : index
    %swap3A_260 = tpu.vector_load %arg6[%swap3A_259] {strides = array<i32>} : memref<640xf32, #tpu.memory_space<vmem>>, vector<16xf32>,
    %swap3A_261 = vector.shape_cast %swap3A_260 : vector<16xf32> to vector<16xf32>
    %swap3A_262 = vector.shape_cast %broadcast_in_dim3A_258 : vector<16xf32> to vector<16xf32>
    tpu.vector_store %arg6[%swap3A_259], %swap3A_262 {strides = array<i32>} : memref<640xf32, #tpu.memory_space<vmem>>, vector<16xf32>,
    %broadcast_in_dim3A_263 = arith.constant 0.000000e+00 : f32
    %broadcast_in_dim3A_264 = vector.broadcast %broadcast_in_dim3A_263 : f32 to vector<16xf32>
    %swap3A_265 = arith.constant 576 : index
    %swap3A_266 = tpu.vector_load %arg6[%swap3A_265] {strides = array<i32>} : memref<640xf32, #tpu.memory_space<vmem>>, vector<16xf32>,
    %swap3A_267 = vector.shape_cast %swap3A_266 : vector<16xf32> to vector<16xf32>
    %swap3A_268 = vector.shape_cast %broadcast_in_dim3A_264 : vector<16xf32> to vector<16xf32>
    tpu.vector_store %arg6[%swap3A_265], %swap3A_268 {strides = array<i32>} : memref<640xf32, #tpu.memory_space<vmem>>, vector<16xf32>,
    %broadcast_in_dim3A_269 = arith.constant 0.000000e+00 : f32
    %broadcast_in_dim3A_270 = vector.broadcast %broadcast_in_dim3A_269 : f32 to vector<16xf32>
    %swap3A_271 = arith.constant 592 : index
    %swap3A_272 = tpu.vector_load %arg6[%swap3A_271] {strides = array<i32>} : memref<640xf32, #tpu.memory_space<vmem>>, vector<16xf32>,
    %swap3A_273 = vector.shape_cast %swap3A_272 : vector<16xf32> to vector<16xf32>
    %swap3A_274 = vector.shape_cast %broadcast_in_dim3A_270 : vector<16xf32> to vector<16xf32>
    tpu.vector_store %arg6[%swap3A_271], %swap3A_274 {strides = array<i32>} : memref<640xf32, #tpu.memory_space<vmem>>, vector<16xf32>,
    %broadcast_in_dim3A_275 = arith.constant 0.000000e+00 : f32
    %broadcast_in_dim3A_276 = vector.broadcast %broadcast_in_dim3A_275 : f32 to vector<16xf32>
    %swap3A_277 = arith.constant 608 : index
    %swap3A_278 = tpu.vector_load %arg6[%swap3A_277] {strides = array<i32>} : memref<640xf32, #tpu.memory_space<vmem>>, vector<16xf32>,
    %swap3A_279 = vector.shape_cast %swap3A_278 : vector<16xf32> to vector<16xf32>
    %swap3A_280 = vector.shape_cast %broadcast_in_dim3A_276 : vector<16xf32> to vector<16xf32>
    tpu.vector_store %arg6[%swap3A_277], %swap3A_280 {strides = array<i32>} : memref<640xf32, #tpu.memory_space<vmem>>, vector<16xf32>,
    %broadcast_in_dim3A_281 = arith.constant 0.000000e+00 : f32
    %broadcast_in_dim3A_282 = vector.broadcast %broadcast_in_dim3A_281 : f32 to vector<16xf32>
    %swap3A_283 = arith.constant 624 : index
    %swap3A_284 = tpu.vector_load %arg6[%swap3A_283] {strides = array<i32>} : memref<640xf32, #tpu.memory_space<vmem>>, vector<16xf32>,
    %swap3A_285 = vector.shape_cast %swap3A_284 : vector<16xf32> to vector<16xf32>
    %swap3A_286 = vector.shape_cast %broadcast_in_dim3A_282 : vector<16xf32> to vector<16xf32>
    tpu.vector_store %arg6[%swap3A_283], %swap3A_286 {strides = array<i32>} : memref<640xf32, #tpu.memory_space<vmem>>, vector<16xf32>,
    %mul3A_287 = arith.constant 640 : i32
    %mul3A_288 = arith.muli %arg1, %mul3A_287 : i32
    "tpu.region"() ({
      %run_scoped3A = tpu.sem_alloc : memref<!tpu.dma_semaphore, #tpu.memory_space<semaphore_mem>>
      %dma_start3A = tpu.memref_slice %arg7[%mul3A_288] : memref<10240xf32, #tpu.memory_space<vmem_shared>> -> memref<640xf32, #tpu.memory_space<vmem_shared>>
      %dma_start3A_317 = tpu.memref_slice %arg7[%mul3A_288] : memref<10240xf32, #tpu.memory_space<vmem_shared>> -> memref<640xf32, #tpu.memory_space<vmem_shared>>
      tpu.enqueue_dma source(%arg6 : memref<640xf32, #tpu.memory_space<vmem>>) target(%dma_start3A_317 : memref<640xf32, #tpu.memory_space<vmem_shared>>) target_semaphore(%run_scoped3A : memref<!tpu.dma_semaphore, #tpu.memory_space<semaphore_mem>>)
      %dma_wait3A = tpu.memref_slice %arg7[%mul3A_288] : memref<10240xf32, #tpu.memory_space<vmem_shared>> -> memref<640xf32, #tpu.memory_space<vmem_shared>>
      %dma_wait3A_318 = tpu.memref_slice %arg7[%mul3A_288] : memref<10240xf32, #tpu.memory_space<vmem_shared>> -> memref<640xf32, #tpu.memory_space<vmem_shared>>
      tpu.wait_dma2 semaphore(%run_scoped3A : memref<!tpu.dma_semaphore, #tpu.memory_space<semaphore_mem>>) src(%arg6 : memref<640xf32, #tpu.memory_space<vmem>>) dst(%dma_wait3A_318 : memref<640xf32, #tpu.memory_space<vmem_shared>>)
      tpu.yield
    }) : () -> ()
    %mul3A_289 = arith.constant 640 : i32
    %mul3A_290 = arith.muli %arg1, %mul3A_289 : i32
    "tpu.region"() ({
      %run_scoped3A = tpu.sem_alloc : memref<!tpu.dma_semaphore, #tpu.memory_space<semaphore_mem>>
      %dma_start3A = tpu.memref_slice %arg8[%mul3A_290] : memref<10240xf32, #tpu.memory_space<vmem_shared>> -> memref<640xf32, #tpu.memory_space<vmem_shared>>
      %dma_start3A_317 = tpu.memref_slice %arg8[%mul3A_290] : memref<10240xf32, #tpu.memory_space<vmem_shared>> -> memref<640xf32, #tpu.memory_space<vmem_shared>>
      tpu.enqueue_dma source(%arg6 : memref<640xf32, #tpu.memory_space<vmem>>) target(%dma_start3A_317 : memref<640xf32, #tpu.memory_space<vmem_shared>>) target_semaphore(%run_scoped3A : memref<!tpu.dma_semaphore, #tpu.memory_space<semaphore_mem>>)
      %dma_wait3A = tpu.memref_slice %arg8[%mul3A_290] : memref<10240xf32, #tpu.memory_space<vmem_shared>> -> memref<640xf32, #tpu.memory_space<vmem_shared>>
      %dma_wait3A_318 = tpu.memref_slice %arg8[%mul3A_290] : memref<10240xf32, #tpu.memory_space<vmem_shared>> -> memref<640xf32, #tpu.memory_space<vmem_shared>>
      tpu.wait_dma2 semaphore(%run_scoped3A : memref<!tpu.dma_semaphore, #tpu.memory_space<semaphore_mem>>) src(%arg6 : memref<640xf32, #tpu.memory_space<vmem>>) dst(%dma_wait3A_318 : memref<640xf32, #tpu.memory_space<vmem_shared>>)
      tpu.yield
    }) : () -> ()
    %barrier3A = arith.constant 0 : index
    tpu.barrier barrier_id(%barrier3A)
    %sub3A = arith.constant 2500 : i32
    %sub3A_291 = arith.subi %sub3A, %add3A : i32
    %sub3A_292 = arith.constant 32 : i32
    %sub3A_293 = arith.constant 1 : i32
    %sub3A_294 = arith.subi %sub3A_292, %sub3A_293 : i32
    %add3A_295 = arith.addi %sub3A_291, %sub3A_294 : i32
    %div3A = arith.constant 32 : i32
    %div3A_296 = arith.divsi %add3A_295, %div3A : i32
    %while3A = arith.constant 32 : i32
    %while3A_297 = arith.constant 0 : i32
    %while3A_298 = arith.subi %div3A_296, %while3A_297 : i32
    %while3A_299 = arith.addi %while3A_297, %while3A_298 : i32
    %while3A_300 = arith.constant 1 : i32
    %while3A_301 = arith.divsi %while3A_298, %while3A_300 : i32
    %while3A_302 = arith.muli %while3A_301, %while3A_300 : i32
    %while3A_303 = arith.addi %while3A_297, %while3A_302 : i32
    %while3A_304 = arith.constant 1 : i32
    scf.for %while3A_317 = %while3A_297 to %while3A_303 step %while3A_304  : i32 {
      %mul3A_318 = arith.muli %while3A_317, %while3A : i32
      %add3A_319 = arith.addi %add3A, %mul3A_318 : i32
      "tpu.region"() ({
        %run_scoped3A_321 = tpu.sem_alloc : memref<!tpu.dma_semaphore, #tpu.memory_space<semaphore_mem>>
        %dma_start3A = arith.constant 0 : i32
        %dma_start3A_322 = arith.constant 0 : i32
        %dma_start3A_323 = tpu.memref_slice %arg2[%add3A_319, %dma_start3A, %dma_start3A_322] : memref<2500x2x128xi32, #tpu.memory_space<hbm>> -> memref<1x2x128xi32, #tpu.memory_space<hbm>>
        %dma_start3A_324 = tpu.memref_squeeze %dma_start3A_323 : memref<1x2x128xi32, #tpu.memory_space<hbm>> -> memref<2x128xi32, #tpu.memory_space<hbm>>
        %dma_start3A_325 = arith.constant 0 : i32
        %dma_start3A_326 = arith.constant 0 : i32
        %dma_start3A_327 = tpu.memref_slice %arg2[%add3A_319, %dma_start3A_325, %dma_start3A_326] : memref<2500x2x128xi32, #tpu.memory_space<hbm>> -> memref<1x2x128xi32, #tpu.memory_space<hbm>>
        %dma_start3A_328 = tpu.memref_squeeze %dma_start3A_327 : memref<1x2x128xi32, #tpu.memory_space<hbm>> -> memref<2x128xi32, #tpu.memory_space<hbm>>
        tpu.enqueue_dma source(%dma_start3A_328 : memref<2x128xi32, #tpu.memory_space<hbm>>) target(%arg4 : memref<2x128xi32, #tpu.memory_space<vmem>>) target_semaphore(%run_scoped3A_321 : memref<!tpu.dma_semaphore, #tpu.memory_space<semaphore_mem>>)
        %dma_wait3A = arith.constant 0 : i32
        %dma_wait3A_329 = arith.constant 0 : i32
        %dma_wait3A_330 = tpu.memref_slice %arg2[%add3A_319, %dma_wait3A, %dma_wait3A_329] : memref<2500x2x128xi32, #tpu.memory_space<hbm>> -> memref<1x2x128xi32, #tpu.memory_space<hbm>>
        %dma_wait3A_331 = tpu.memref_squeeze %dma_wait3A_330 : memref<1x2x128xi32, #tpu.memory_space<hbm>> -> memref<2x128xi32, #tpu.memory_space<hbm>>
        %dma_wait3A_332 = arith.constant 0 : i32
        %dma_wait3A_333 = arith.constant 0 : i32
        %dma_wait3A_334 = tpu.memref_slice %arg2[%add3A_319, %dma_wait3A_332, %dma_wait3A_333] : memref<2500x2x128xi32, #tpu.memory_space<hbm>> -> memref<1x2x128xi32, #tpu.memory_space<hbm>>
        %dma_wait3A_335 = tpu.memref_squeeze %dma_wait3A_334 : memref<1x2x128xi32, #tpu.memory_space<hbm>> -> memref<2x128xi32, #tpu.memory_space<hbm>>
        tpu.wait_dma2 semaphore(%run_scoped3A_321 : memref<!tpu.dma_semaphore, #tpu.memory_space<semaphore_mem>>) src(%dma_wait3A_335 : memref<2x128xi32, #tpu.memory_space<hbm>>) dst(%arg4 : memref<2x128xi32, #tpu.memory_space<vmem>>)
        tpu.yield
      }) : () -> ()
      %run_scoped3A = arith.constant 0 : i32
      "tpu.region"() ({
        %run_scoped3A_321 = tpu.sem_alloc : memref<!tpu.dma_semaphore, #tpu.memory_space<semaphore_mem>>
        %dma_start3A = arith.constant 0 : i32
        %dma_start3A_322 = tpu.memref_slice %arg4[%run_scoped3A, %dma_start3A] : memref<2x128xi32, #tpu.memory_space<vmem>> -> memref<1x128xi32, #tpu.memory_space<vmem>>
        %dma_start3A_323 = tpu.memref_squeeze %dma_start3A_322 : memref<1x128xi32, #tpu.memory_space<vmem>> -> memref<128xi32, #tpu.memory_space<vmem>>
        %dma_start3A_324 = arith.constant 0 : i32
        %dma_start3A_325 = tpu.memref_slice %arg7[%dma_start3A_324] : memref<10240xf32, #tpu.memory_space<vmem_shared>> -> memref<10240xf32, #tpu.memory_space<vmem_shared>>
        tpu.enqueue_indirect_dma source(%arg5 : memref<128xf32, #tpu.memory_space<vmem>>) target(%dma_start3A_325 : memref<10240xf32, #tpu.memory_space<vmem_shared>>) offsets(%dma_start3A_323 : memref<128xi32, #tpu.memory_space<vmem>>) semaphore(%run_scoped3A_321 : memref<!tpu.dma_semaphore, #tpu.memory_space<semaphore_mem>>) {add = true}
        %dma_wait3A = arith.constant 0 : i32
        %dma_wait3A_326 = tpu.memref_slice %arg4[%run_scoped3A, %dma_wait3A] : memref<2x128xi32, #tpu.memory_space<vmem>> -> memref<1x128xi32, #tpu.memory_space<vmem>>
        %dma_wait3A_327 = tpu.memref_squeeze %dma_wait3A_326 : memref<1x128xi32, #tpu.memory_space<vmem>> -> memref<128xi32, #tpu.memory_space<vmem>>
        %dma_wait3A_328 = arith.constant 0 : i32
        %dma_wait3A_329 = tpu.memref_slice %arg7[%dma_wait3A_328] : memref<10240xf32, #tpu.memory_space<vmem_shared>> -> memref<10240xf32, #tpu.memory_space<vmem_shared>>
        tpu.wait_indirect_dma semaphore(%run_scoped3A_321 : memref<!tpu.dma_semaphore, #tpu.memory_space<semaphore_mem>>) src(%arg5 : memref<128xf32, #tpu.memory_space<vmem>>) dst(%dma_wait3A_329 : memref<10240xf32, #tpu.memory_space<vmem_shared>>)
        tpu.yield
      }) : () -> ()
      %run_scoped3A_320 = arith.constant 1 : i32
      "tpu.region"() ({
        %run_scoped3A_321 = tpu.sem_alloc : memref<!tpu.dma_semaphore, #tpu.memory_space<semaphore_mem>>
        %dma_start3A = arith.constant 0 : i32
        %dma_start3A_322 = tpu.memref_slice %arg4[%run_scoped3A_320, %dma_start3A] : memref<2x128xi32, #tpu.memory_space<vmem>> -> memref<1x128xi32, #tpu.memory_space<vmem>>
        %dma_start3A_323 = tpu.memref_squeeze %dma_start3A_322 : memref<1x128xi32, #tpu.memory_space<vmem>> -> memref<128xi32, #tpu.memory_space<vmem>>
        %dma_start3A_324 = arith.constant 0 : i32
        %dma_start3A_325 = tpu.memref_slice %arg8[%dma_start3A_324] : memref<10240xf32, #tpu.memory_space<vmem_shared>> -> memref<10240xf32, #tpu.memory_space<vmem_shared>>
        tpu.enqueue_indirect_dma source(%arg5 : memref<128xf32, #tpu.memory_space<vmem>>) target(%dma_start3A_325 : memref<10240xf32, #tpu.memory_space<vmem_shared>>) offsets(%dma_start3A_323 : memref<128xi32, #tpu.memory_space<vmem>>) semaphore(%run_scoped3A_321 : memref<!tpu.dma_semaphore, #tpu.memory_space<semaphore_mem>>) {add = true}
        %dma_wait3A = arith.constant 0 : i32
        %dma_wait3A_326 = tpu.memref_slice %arg4[%run_scoped3A_320, %dma_wait3A] : memref<2x128xi32, #tpu.memory_space<vmem>> -> memref<1x128xi32, #tpu.memory_space<vmem>>
        %dma_wait3A_327 = tpu.memref_squeeze %dma_wait3A_326 : memref<1x128xi32, #tpu.memory_space<vmem>> -> memref<128xi32, #tpu.memory_space<vmem>>
        %dma_wait3A_328 = arith.constant 0 : i32
        %dma_wait3A_329 = tpu.memref_slice %arg8[%dma_wait3A_328] : memref<10240xf32, #tpu.memory_space<vmem_shared>> -> memref<10240xf32, #tpu.memory_space<vmem_shared>>
        tpu.wait_indirect_dma semaphore(%run_scoped3A_321 : memref<!tpu.dma_semaphore, #tpu.memory_space<semaphore_mem>>) src(%arg5 : memref<128xf32, #tpu.memory_space<vmem>>) dst(%dma_wait3A_329 : memref<10240xf32, #tpu.memory_space<vmem_shared>>)
        tpu.yield
      }) : () -> ()
    }
    %while3A_305 = arith.constant 1 : i32
    scf.for %while3A_317 = %while3A_303 to %while3A_299 step %while3A_305  : i32 {
      %mul3A_318 = arith.muli %while3A_317, %while3A : i32
      %add3A_319 = arith.addi %add3A, %mul3A_318 : i32
      "tpu.region"() ({
        %run_scoped3A_321 = tpu.sem_alloc : memref<!tpu.dma_semaphore, #tpu.memory_space<semaphore_mem>>
        %dma_start3A = arith.constant 0 : i32
        %dma_start3A_322 = arith.constant 0 : i32
        %dma_start3A_323 = tpu.memref_slice %arg2[%add3A_319, %dma_start3A, %dma_start3A_322] : memref<2500x2x128xi32, #tpu.memory_space<hbm>> -> memref<1x2x128xi32, #tpu.memory_space<hbm>>
        %dma_start3A_324 = tpu.memref_squeeze %dma_start3A_323 : memref<1x2x128xi32, #tpu.memory_space<hbm>> -> memref<2x128xi32, #tpu.memory_space<hbm>>
        %dma_start3A_325 = arith.constant 0 : i32
        %dma_start3A_326 = arith.constant 0 : i32
        %dma_start3A_327 = tpu.memref_slice %arg2[%add3A_319, %dma_start3A_325, %dma_start3A_326] : memref<2500x2x128xi32, #tpu.memory_space<hbm>> -> memref<1x2x128xi32, #tpu.memory_space<hbm>>
        %dma_start3A_328 = tpu.memref_squeeze %dma_start3A_327 : memref<1x2x128xi32, #tpu.memory_space<hbm>> -> memref<2x128xi32, #tpu.memory_space<hbm>>
        tpu.enqueue_dma source(%dma_start3A_328 : memref<2x128xi32, #tpu.memory_space<hbm>>) target(%arg4 : memref<2x128xi32, #tpu.memory_space<vmem>>) target_semaphore(%run_scoped3A_321 : memref<!tpu.dma_semaphore, #tpu.memory_space<semaphore_mem>>)
        %dma_wait3A = arith.constant 0 : i32
        %dma_wait3A_329 = arith.constant 0 : i32
        %dma_wait3A_330 = tpu.memref_slice %arg2[%add3A_319, %dma_wait3A, %dma_wait3A_329] : memref<2500x2x128xi32, #tpu.memory_space<hbm>> -> memref<1x2x128xi32, #tpu.memory_space<hbm>>
        %dma_wait3A_331 = tpu.memref_squeeze %dma_wait3A_330 : memref<1x2x128xi32, #tpu.memory_space<hbm>> -> memref<2x128xi32, #tpu.memory_space<hbm>>
        %dma_wait3A_332 = arith.constant 0 : i32
        %dma_wait3A_333 = arith.constant 0 : i32
        %dma_wait3A_334 = tpu.memref_slice %arg2[%add3A_319, %dma_wait3A_332, %dma_wait3A_333] : memref<2500x2x128xi32, #tpu.memory_space<hbm>> -> memref<1x2x128xi32, #tpu.memory_space<hbm>>
        %dma_wait3A_335 = tpu.memref_squeeze %dma_wait3A_334 : memref<1x2x128xi32, #tpu.memory_space<hbm>> -> memref<2x128xi32, #tpu.memory_space<hbm>>
        tpu.wait_dma2 semaphore(%run_scoped3A_321 : memref<!tpu.dma_semaphore, #tpu.memory_space<semaphore_mem>>) src(%dma_wait3A_335 : memref<2x128xi32, #tpu.memory_space<hbm>>) dst(%arg4 : memref<2x128xi32, #tpu.memory_space<vmem>>)
        tpu.yield
      }) : () -> ()
      %run_scoped3A = arith.constant 0 : i32
      "tpu.region"() ({
        %run_scoped3A_321 = tpu.sem_alloc : memref<!tpu.dma_semaphore, #tpu.memory_space<semaphore_mem>>
        %dma_start3A = arith.constant 0 : i32
        %dma_start3A_322 = tpu.memref_slice %arg4[%run_scoped3A, %dma_start3A] : memref<2x128xi32, #tpu.memory_space<vmem>> -> memref<1x128xi32, #tpu.memory_space<vmem>>
        %dma_start3A_323 = tpu.memref_squeeze %dma_start3A_322 : memref<1x128xi32, #tpu.memory_space<vmem>> -> memref<128xi32, #tpu.memory_space<vmem>>
        %dma_start3A_324 = arith.constant 0 : i32
        %dma_start3A_325 = tpu.memref_slice %arg7[%dma_start3A_324] : memref<10240xf32, #tpu.memory_space<vmem_shared>> -> memref<10240xf32, #tpu.memory_space<vmem_shared>>
        tpu.enqueue_indirect_dma source(%arg5 : memref<128xf32, #tpu.memory_space<vmem>>) target(%dma_start3A_325 : memref<10240xf32, #tpu.memory_space<vmem_shared>>) offsets(%dma_start3A_323 : memref<128xi32, #tpu.memory_space<vmem>>) semaphore(%run_scoped3A_321 : memref<!tpu.dma_semaphore, #tpu.memory_space<semaphore_mem>>) {add = true}
        %dma_wait3A = arith.constant 0 : i32
        %dma_wait3A_326 = tpu.memref_slice %arg4[%run_scoped3A, %dma_wait3A] : memref<2x128xi32, #tpu.memory_space<vmem>> -> memref<1x128xi32, #tpu.memory_space<vmem>>
        %dma_wait3A_327 = tpu.memref_squeeze %dma_wait3A_326 : memref<1x128xi32, #tpu.memory_space<vmem>> -> memref<128xi32, #tpu.memory_space<vmem>>
        %dma_wait3A_328 = arith.constant 0 : i32
        %dma_wait3A_329 = tpu.memref_slice %arg7[%dma_wait3A_328] : memref<10240xf32, #tpu.memory_space<vmem_shared>> -> memref<10240xf32, #tpu.memory_space<vmem_shared>>
        tpu.wait_indirect_dma semaphore(%run_scoped3A_321 : memref<!tpu.dma_semaphore, #tpu.memory_space<semaphore_mem>>) src(%arg5 : memref<128xf32, #tpu.memory_space<vmem>>) dst(%dma_wait3A_329 : memref<10240xf32, #tpu.memory_space<vmem_shared>>)
        tpu.yield
      }) : () -> ()
      %run_scoped3A_320 = arith.constant 1 : i32
      "tpu.region"() ({
        %run_scoped3A_321 = tpu.sem_alloc : memref<!tpu.dma_semaphore, #tpu.memory_space<semaphore_mem>>
        %dma_start3A = arith.constant 0 : i32
        %dma_start3A_322 = tpu.memref_slice %arg4[%run_scoped3A_320, %dma_start3A] : memref<2x128xi32, #tpu.memory_space<vmem>> -> memref<1x128xi32, #tpu.memory_space<vmem>>
        %dma_start3A_323 = tpu.memref_squeeze %dma_start3A_322 : memref<1x128xi32, #tpu.memory_space<vmem>> -> memref<128xi32, #tpu.memory_space<vmem>>
        %dma_start3A_324 = arith.constant 0 : i32
        %dma_start3A_325 = tpu.memref_slice %arg8[%dma_start3A_324] : memref<10240xf32, #tpu.memory_space<vmem_shared>> -> memref<10240xf32, #tpu.memory_space<vmem_shared>>
        tpu.enqueue_indirect_dma source(%arg5 : memref<128xf32, #tpu.memory_space<vmem>>) target(%dma_start3A_325 : memref<10240xf32, #tpu.memory_space<vmem_shared>>) offsets(%dma_start3A_323 : memref<128xi32, #tpu.memory_space<vmem>>) semaphore(%run_scoped3A_321 : memref<!tpu.dma_semaphore, #tpu.memory_space<semaphore_mem>>) {add = true}
        %dma_wait3A = arith.constant 0 : i32
        %dma_wait3A_326 = tpu.memref_slice %arg4[%run_scoped3A_320, %dma_wait3A] : memref<2x128xi32, #tpu.memory_space<vmem>> -> memref<1x128xi32, #tpu.memory_space<vmem>>
        %dma_wait3A_327 = tpu.memref_squeeze %dma_wait3A_326 : memref<1x128xi32, #tpu.memory_space<vmem>> -> memref<128xi32, #tpu.memory_space<vmem>>
        %dma_wait3A_328 = arith.constant 0 : i32
        %dma_wait3A_329 = tpu.memref_slice %arg8[%dma_wait3A_328] : memref<10240xf32, #tpu.memory_space<vmem_shared>> -> memref<10240xf32, #tpu.memory_space<vmem_shared>>
        tpu.wait_indirect_dma semaphore(%run_scoped3A_321 : memref<!tpu.dma_semaphore, #tpu.memory_space<semaphore_mem>>) src(%arg5 : memref<128xf32, #tpu.memory_space<vmem>>) dst(%dma_wait3A_329 : memref<10240xf32, #tpu.memory_space<vmem_shared>>)
        tpu.yield
      }) : () -> ()
    }
    %barrier3A_306 = arith.constant 0 : index
    tpu.barrier barrier_id(%barrier3A_306)
    %mul3A_307 = arith.constant 640 : i32
    %mul3A_308 = arith.muli %arg1, %mul3A_307 : i32
    "tpu.region"() ({
      %run_scoped3A = tpu.sem_alloc : memref<!tpu.dma_semaphore, #tpu.memory_space<semaphore_mem>>
      %dma_start3A = tpu.memref_slice %arg7[%mul3A_308] : memref<10240xf32, #tpu.memory_space<vmem_shared>> -> memref<640xf32, #tpu.memory_space<vmem_shared>>
      %dma_start3A_317 = tpu.memref_slice %arg7[%mul3A_308] : memref<10240xf32, #tpu.memory_space<vmem_shared>> -> memref<640xf32, #tpu.memory_space<vmem_shared>>
      tpu.enqueue_dma source(%dma_start3A_317 : memref<640xf32, #tpu.memory_space<vmem_shared>>) target(%arg6 : memref<640xf32, #tpu.memory_space<vmem>>) target_semaphore(%run_scoped3A : memref<!tpu.dma_semaphore, #tpu.memory_space<semaphore_mem>>)
      %dma_wait3A = tpu.memref_slice %arg7[%mul3A_308] : memref<10240xf32, #tpu.memory_space<vmem_shared>> -> memref<640xf32, #tpu.memory_space<vmem_shared>>
      %dma_wait3A_318 = tpu.memref_slice %arg7[%mul3A_308] : memref<10240xf32, #tpu.memory_space<vmem_shared>> -> memref<640xf32, #tpu.memory_space<vmem_shared>>
      tpu.wait_dma2 semaphore(%run_scoped3A : memref<!tpu.dma_semaphore, #tpu.memory_space<semaphore_mem>>) src(%dma_wait3A_318 : memref<640xf32, #tpu.memory_space<vmem_shared>>) dst(%arg6 : memref<640xf32, #tpu.memory_space<vmem>>)
      tpu.yield
    }) : () -> ()
    %mul3A_309 = arith.constant 640 : i32
    %mul3A_310 = arith.muli %arg1, %mul3A_309 : i32
    "tpu.region"() ({
      %run_scoped3A = tpu.sem_alloc : memref<!tpu.dma_semaphore, #tpu.memory_space<semaphore_mem>>
      %dma_start3A = tpu.memref_slice %arg3[%arg0, %mul3A_310] : memref<4x10240xf32, #tpu.memory_space<hbm>> -> memref<1x640xf32, #tpu.memory_space<hbm>>
      %dma_start3A_317 = tpu.memref_squeeze %dma_start3A : memref<1x640xf32, #tpu.memory_space<hbm>> -> memref<640xf32, #tpu.memory_space<hbm>>
      %dma_start3A_318 = tpu.memref_slice %arg3[%arg0, %mul3A_310] : memref<4x10240xf32, #tpu.memory_space<hbm>> -> memref<1x640xf32, #tpu.memory_space<hbm>>
      %dma_start3A_319 = tpu.memref_squeeze %dma_start3A_318 : memref<1x640xf32, #tpu.memory_space<hbm>> -> memref<640xf32, #tpu.memory_space<hbm>>
      tpu.enqueue_dma source(%arg6 : memref<640xf32, #tpu.memory_space<vmem>>) target(%dma_start3A_319 : memref<640xf32, #tpu.memory_space<hbm>>) target_semaphore(%run_scoped3A : memref<!tpu.dma_semaphore, #tpu.memory_space<semaphore_mem>>)
      %dma_wait3A = tpu.memref_slice %arg3[%arg0, %mul3A_310] : memref<4x10240xf32, #tpu.memory_space<hbm>> -> memref<1x640xf32, #tpu.memory_space<hbm>>
      %dma_wait3A_320 = tpu.memref_squeeze %dma_wait3A : memref<1x640xf32, #tpu.memory_space<hbm>> -> memref<640xf32, #tpu.memory_space<hbm>>
      %dma_wait3A_321 = tpu.memref_slice %arg3[%arg0, %mul3A_310] : memref<4x10240xf32, #tpu.memory_space<hbm>> -> memref<1x640xf32, #tpu.memory_space<hbm>>
      %dma_wait3A_322 = tpu.memref_squeeze %dma_wait3A_321 : memref<1x640xf32, #tpu.memory_space<hbm>> -> memref<640xf32, #tpu.memory_space<hbm>>
      tpu.wait_dma2 semaphore(%run_scoped3A : memref<!tpu.dma_semaphore, #tpu.memory_space<semaphore_mem>>) src(%arg6 : memref<640xf32, #tpu.memory_space<vmem>>) dst(%dma_wait3A_322 : memref<640xf32, #tpu.memory_space<hbm>>)
      tpu.yield
    }) : () -> ()
    %mul3A_311 = arith.constant 640 : i32
    %mul3A_312 = arith.muli %arg1, %mul3A_311 : i32
    "tpu.region"() ({
      %run_scoped3A = tpu.sem_alloc : memref<!tpu.dma_semaphore, #tpu.memory_space<semaphore_mem>>
      %dma_start3A = tpu.memref_slice %arg8[%mul3A_312] : memref<10240xf32, #tpu.memory_space<vmem_shared>> -> memref<640xf32, #tpu.memory_space<vmem_shared>>
      %dma_start3A_317 = tpu.memref_slice %arg8[%mul3A_312] : memref<10240xf32, #tpu.memory_space<vmem_shared>> -> memref<640xf32, #tpu.memory_space<vmem_shared>>
      tpu.enqueue_dma source(%dma_start3A_317 : memref<640xf32, #tpu.memory_space<vmem_shared>>) target(%arg6 : memref<640xf32, #tpu.memory_space<vmem>>) target_semaphore(%run_scoped3A : memref<!tpu.dma_semaphore, #tpu.memory_space<semaphore_mem>>)
      %dma_wait3A = tpu.memref_slice %arg8[%mul3A_312] : memref<10240xf32, #tpu.memory_space<vmem_shared>> -> memref<640xf32, #tpu.memory_space<vmem_shared>>
      %dma_wait3A_318 = tpu.memref_slice %arg8[%mul3A_312] : memref<10240xf32, #tpu.memory_space<vmem_shared>> -> memref<640xf32, #tpu.memory_space<vmem_shared>>
      tpu.wait_dma2 semaphore(%run_scoped3A : memref<!tpu.dma_semaphore, #tpu.memory_space<semaphore_mem>>) src(%dma_wait3A_318 : memref<640xf32, #tpu.memory_space<vmem_shared>>) dst(%arg6 : memref<640xf32, #tpu.memory_space<vmem>>)
      tpu.yield
    }) : () -> ()
    %add3A_313 = arith.constant 2 : i32
    %add3A_314 = arith.addi %add3A_313, %arg0 : i32
    %mul3A_315 = arith.constant 640 : i32
    %mul3A_316 = arith.muli %arg1, %mul3A_315 : i32
    "tpu.region"() ({
      %run_scoped3A = tpu.sem_alloc : memref<!tpu.dma_semaphore, #tpu.memory_space<semaphore_mem>>
      %dma_start3A = tpu.memref_slice %arg3[%add3A_314, %mul3A_316] : memref<4x10240xf32, #tpu.memory_space<hbm>> -> memref<1x640xf32, #tpu.memory_space<hbm>>
      %dma_start3A_317 = tpu.memref_squeeze %dma_start3A : memref<1x640xf32, #tpu.memory_space<hbm>> -> memref<640xf32, #tpu.memory_space<hbm>>
      %dma_start3A_318 = tpu.memref_slice %arg3[%add3A_314, %mul3A_316] : memref<4x10240xf32, #tpu.memory_space<hbm>> -> memref<1x640xf32, #tpu.memory_space<hbm>>
      %dma_start3A_319 = tpu.memref_squeeze %dma_start3A_318 : memref<1x640xf32, #tpu.memory_space<hbm>> -> memref<640xf32, #tpu.memory_space<hbm>>
      tpu.enqueue_dma source(%arg6 : memref<640xf32, #tpu.memory_space<vmem>>) target(%dma_start3A_319 : memref<640xf32, #tpu.memory_space<hbm>>) target_semaphore(%run_scoped3A : memref<!tpu.dma_semaphore, #tpu.memory_space<semaphore_mem>>)
      %dma_wait3A = tpu.memref_slice %arg3[%add3A_314, %mul3A_316] : memref<4x10240xf32, #tpu.memory_space<hbm>> -> memref<1x640xf32, #tpu.memory_space<hbm>>
      %dma_wait3A_320 = tpu.memref_squeeze %dma_wait3A : memref<1x640xf32, #tpu.memory_space<hbm>> -> memref<640xf32, #tpu.memory_space<hbm>>
      %dma_wait3A_321 = tpu.memref_slice %arg3[%add3A_314, %mul3A_316] : memref<4x10240xf32, #tpu.memory_space<hbm>> -> memref<1x640xf32, #tpu.memory_space<hbm>>
      %dma_wait3A_322 = tpu.memref_squeeze %dma_wait3A_321 : memref<1x640xf32, #tpu.memory_space<hbm>> -> memref<640xf32, #tpu.memory_space<hbm>>
      tpu.wait_dma2 semaphore(%run_scoped3A : memref<!tpu.dma_semaphore, #tpu.memory_space<semaphore_mem>>) src(%arg6 : memref<640xf32, #tpu.memory_space<vmem>>) dst(%dma_wait3A_322 : memref<640xf32, #tpu.memory_space<hbm>>)
      tpu.yield
    }) : () -> ()
    return
  }
}

#map = affine_map<(d0, d1) -> (0, 0)>
module attributes {stable_mosaic.version = 14 : i64} {
  func.func @k(%arg0: i32, %arg1: i32, %arg2: memref<10240x128xf32, #tpu.memory_space<hbm>>, %arg3: memref<1563x128xi32, #tpu.memory_space<hbm>>, %arg4: memref<200064x128xf32, #tpu.memory_space<hbm>>, %arg5: memref<128xi32, #tpu.memory_space<vmem>>, %arg6: memref<128x128xf32, #tpu.memory_space<vmem>>, %arg7: memref<10240x128xf32, #tpu.memory_space<vmem_shared>>) attributes {dimension_semantics = [#tpu.dimension_semantics<core_parallel>, #tpu.dimension_semantics<subcore_parallel>], iteration_bounds = array<i64: 2, 16>, scalar_prefetch = 0 : i64, scratch_operands = 3 : i64, tpu.core_type = #tpu.core_type<sc_vector_subcore>, window_params = [{transform_indices = #map}, {transform_indices = #map}, {transform_indices = #map}]} {
    %mul3A = arith.constant 2 : i32
    %mul3A_0 = arith.muli %arg1, %mul3A : i32
    %add3A = arith.addi %mul3A_0, %arg0 : i32
    %scan3A = arith.constant 0 : i32
    %scan3A_1 = arith.constant 10 : i32
    %scan3A_2 = arith.addi %scan3A, %scan3A_1 : i32
    %scan3A_3 = arith.constant 1 : i32
    scf.for %scan3A_20 = %scan3A to %scan3A_2 step %scan3A_3  : i32 {
      %mul3A_21 = arith.constant 1 : i32
      %mul3A_22 = arith.muli %scan3A_20, %mul3A_21 : i32
      %add3A_23 = arith.constant 0 : i32
      %add3A_24 = arith.addi %add3A_23, %mul3A_22 : i32
      %mul3A_25 = arith.constant 640 : i32
      %mul3A_26 = arith.muli %arg1, %mul3A_25 : i32
      %mul3A_27 = arith.constant 64 : i32
      %mul3A_28 = arith.muli %add3A_24, %mul3A_27 : i32
      %add3A_29 = arith.addi %mul3A_26, %mul3A_28 : i32
      "tpu.region"() ({
        %run_scoped3A = tpu.sem_alloc : memref<!tpu.dma_semaphore, #tpu.memory_space<semaphore_mem>>
        %dma_start3A = arith.constant 0 : i32
        %dma_start3A_35 = arith.constant 0 : i32
        %dma_start3A_36 = tpu.memref_slice %arg6[%dma_start3A, %dma_start3A_35] : memref<128x128xf32, #tpu.memory_space<vmem>> -> memref<64x128xf32, #tpu.memory_space<vmem>>
        %dma_start3A_37 = arith.constant 0 : i32
        %dma_start3A_38 = tpu.memref_slice %arg2[%add3A_29, %dma_start3A_37] : memref<10240x128xf32, #tpu.memory_space<hbm>> -> memref<64x128xf32, #tpu.memory_space<hbm>>
        %dma_start3A_39 = arith.constant 0 : i32
        %dma_start3A_40 = arith.constant 0 : i32
        %dma_start3A_41 = tpu.memref_slice %arg6[%dma_start3A_39, %dma_start3A_40] : memref<128x128xf32, #tpu.memory_space<vmem>> -> memref<64x128xf32, #tpu.memory_space<vmem>>
        %dma_start3A_42 = arith.constant 0 : i32
        %dma_start3A_43 = tpu.memref_slice %arg2[%add3A_29, %dma_start3A_42] : memref<10240x128xf32, #tpu.memory_space<hbm>> -> memref<64x128xf32, #tpu.memory_space<hbm>>
        tpu.enqueue_dma source(%dma_start3A_43 : memref<64x128xf32, #tpu.memory_space<hbm>>) target(%dma_start3A_41 : memref<64x128xf32, #tpu.memory_space<vmem>>) target_semaphore(%run_scoped3A : memref<!tpu.dma_semaphore, #tpu.memory_space<semaphore_mem>>)
        %dma_wait3A = arith.constant 0 : i32
        %dma_wait3A_44 = arith.constant 0 : i32
        %dma_wait3A_45 = tpu.memref_slice %arg6[%dma_wait3A, %dma_wait3A_44] : memref<128x128xf32, #tpu.memory_space<vmem>> -> memref<64x128xf32, #tpu.memory_space<vmem>>
        %dma_wait3A_46 = arith.constant 0 : i32
        %dma_wait3A_47 = tpu.memref_slice %arg2[%add3A_29, %dma_wait3A_46] : memref<10240x128xf32, #tpu.memory_space<hbm>> -> memref<64x128xf32, #tpu.memory_space<hbm>>
        %dma_wait3A_48 = arith.constant 0 : i32
        %dma_wait3A_49 = arith.constant 0 : i32
        %dma_wait3A_50 = tpu.memref_slice %arg6[%dma_wait3A_48, %dma_wait3A_49] : memref<128x128xf32, #tpu.memory_space<vmem>> -> memref<64x128xf32, #tpu.memory_space<vmem>>
        %dma_wait3A_51 = arith.constant 0 : i32
        %dma_wait3A_52 = tpu.memref_slice %arg2[%add3A_29, %dma_wait3A_51] : memref<10240x128xf32, #tpu.memory_space<hbm>> -> memref<64x128xf32, #tpu.memory_space<hbm>>
        tpu.wait_dma2 semaphore(%run_scoped3A : memref<!tpu.dma_semaphore, #tpu.memory_space<semaphore_mem>>) src(%dma_wait3A_52 : memref<64x128xf32, #tpu.memory_space<hbm>>) dst(%dma_wait3A_50 : memref<64x128xf32, #tpu.memory_space<vmem>>)
        tpu.yield
      }) : () -> ()
      %mul3A_30 = arith.constant 640 : i32
      %mul3A_31 = arith.muli %arg1, %mul3A_30 : i32
      %mul3A_32 = arith.constant 64 : i32
      %mul3A_33 = arith.muli %add3A_24, %mul3A_32 : i32
      %add3A_34 = arith.addi %mul3A_31, %mul3A_33 : i32
      "tpu.region"() ({
        %run_scoped3A = tpu.sem_alloc : memref<!tpu.dma_semaphore, #tpu.memory_space<semaphore_mem>>
        %dma_start3A = arith.constant 0 : i32
        %dma_start3A_35 = arith.constant 0 : i32
        %dma_start3A_36 = tpu.memref_slice %arg6[%dma_start3A, %dma_start3A_35] : memref<128x128xf32, #tpu.memory_space<vmem>> -> memref<64x128xf32, #tpu.memory_space<vmem>>
        %dma_start3A_37 = arith.constant 0 : i32
        %dma_start3A_38 = tpu.memref_slice %arg7[%add3A_34, %dma_start3A_37] : memref<10240x128xf32, #tpu.memory_space<vmem_shared>> -> memref<64x128xf32, #tpu.memory_space<vmem_shared>>
        %dma_start3A_39 = arith.constant 0 : i32
        %dma_start3A_40 = tpu.memref_slice %arg7[%add3A_34, %dma_start3A_39] : memref<10240x128xf32, #tpu.memory_space<vmem_shared>> -> memref<64x128xf32, #tpu.memory_space<vmem_shared>>
        %dma_start3A_41 = arith.constant 0 : i32
        %dma_start3A_42 = arith.constant 0 : i32
        %dma_start3A_43 = tpu.memref_slice %arg6[%dma_start3A_41, %dma_start3A_42] : memref<128x128xf32, #tpu.memory_space<vmem>> -> memref<64x128xf32, #tpu.memory_space<vmem>>
        tpu.enqueue_dma source(%dma_start3A_43 : memref<64x128xf32, #tpu.memory_space<vmem>>) target(%dma_start3A_40 : memref<64x128xf32, #tpu.memory_space<vmem_shared>>) target_semaphore(%run_scoped3A : memref<!tpu.dma_semaphore, #tpu.memory_space<semaphore_mem>>)
        %dma_wait3A = arith.constant 0 : i32
        %dma_wait3A_44 = arith.constant 0 : i32
        %dma_wait3A_45 = tpu.memref_slice %arg6[%dma_wait3A, %dma_wait3A_44] : memref<128x128xf32, #tpu.memory_space<vmem>> -> memref<64x128xf32, #tpu.memory_space<vmem>>
        %dma_wait3A_46 = arith.constant 0 : i32
        %dma_wait3A_47 = tpu.memref_slice %arg7[%add3A_34, %dma_wait3A_46] : memref<10240x128xf32, #tpu.memory_space<vmem_shared>> -> memref<64x128xf32, #tpu.memory_space<vmem_shared>>
        %dma_wait3A_48 = arith.constant 0 : i32
        %dma_wait3A_49 = tpu.memref_slice %arg7[%add3A_34, %dma_wait3A_48] : memref<10240x128xf32, #tpu.memory_space<vmem_shared>> -> memref<64x128xf32, #tpu.memory_space<vmem_shared>>
        %dma_wait3A_50 = arith.constant 0 : i32
        %dma_wait3A_51 = arith.constant 0 : i32
        %dma_wait3A_52 = tpu.memref_slice %arg6[%dma_wait3A_50, %dma_wait3A_51] : memref<128x128xf32, #tpu.memory_space<vmem>> -> memref<64x128xf32, #tpu.memory_space<vmem>>
        tpu.wait_dma2 semaphore(%run_scoped3A : memref<!tpu.dma_semaphore, #tpu.memory_space<semaphore_mem>>) src(%dma_wait3A_52 : memref<64x128xf32, #tpu.memory_space<vmem>>) dst(%dma_wait3A_49 : memref<64x128xf32, #tpu.memory_space<vmem_shared>>)
        tpu.yield
      }) : () -> ()
    }
    %scan3A_4 = arith.constant 10 : i32
    %barrier3A = arith.constant 0 : index
    tpu.barrier barrier_id(%barrier3A)
    %sub3A = arith.constant 1563 : i32
    %sub3A_5 = arith.subi %sub3A, %add3A : i32
    %sub3A_6 = arith.constant 32 : i32
    %sub3A_7 = arith.constant 1 : i32
    %sub3A_8 = arith.subi %sub3A_6, %sub3A_7 : i32
    %add3A_9 = arith.addi %sub3A_5, %sub3A_8 : i32
    %div3A = arith.constant 32 : i32
    %div3A_10 = arith.divsi %add3A_9, %div3A : i32
    %while3A = arith.constant 32 : i32
    %while3A_11 = arith.constant 0 : i32
    %while3A_12 = arith.subi %div3A_10, %while3A_11 : i32
    %while3A_13 = arith.addi %while3A_11, %while3A_12 : i32
    %while3A_14 = arith.constant 1 : i32
    %while3A_15 = arith.divsi %while3A_12, %while3A_14 : i32
    %while3A_16 = arith.muli %while3A_15, %while3A_14 : i32
    %while3A_17 = arith.addi %while3A_11, %while3A_16 : i32
    %while3A_18 = arith.constant 1 : i32
    scf.for %while3A_20 = %while3A_11 to %while3A_17 step %while3A_18  : i32 {
      %mul3A_21 = arith.muli %while3A_20, %while3A : i32
      %add3A_22 = arith.addi %add3A, %mul3A_21 : i32
      "tpu.region"() ({
        %run_scoped3A = tpu.sem_alloc : memref<!tpu.dma_semaphore, #tpu.memory_space<semaphore_mem>>
        %dma_start3A = arith.constant 0 : i32
        %dma_start3A_25 = tpu.memref_slice %arg3[%add3A_22, %dma_start3A] : memref<1563x128xi32, #tpu.memory_space<hbm>> -> memref<1x128xi32, #tpu.memory_space<hbm>>
        %dma_start3A_26 = tpu.memref_squeeze %dma_start3A_25 : memref<1x128xi32, #tpu.memory_space<hbm>> -> memref<128xi32, #tpu.memory_space<hbm>>
        %dma_start3A_27 = arith.constant 0 : i32
        %dma_start3A_28 = tpu.memref_slice %arg3[%add3A_22, %dma_start3A_27] : memref<1563x128xi32, #tpu.memory_space<hbm>> -> memref<1x128xi32, #tpu.memory_space<hbm>>
        %dma_start3A_29 = tpu.memref_squeeze %dma_start3A_28 : memref<1x128xi32, #tpu.memory_space<hbm>> -> memref<128xi32, #tpu.memory_space<hbm>>
        tpu.enqueue_dma source(%dma_start3A_29 : memref<128xi32, #tpu.memory_space<hbm>>) target(%arg5 : memref<128xi32, #tpu.memory_space<vmem>>) target_semaphore(%run_scoped3A : memref<!tpu.dma_semaphore, #tpu.memory_space<semaphore_mem>>)
        %dma_wait3A = arith.constant 0 : i32
        %dma_wait3A_30 = tpu.memref_slice %arg3[%add3A_22, %dma_wait3A] : memref<1563x128xi32, #tpu.memory_space<hbm>> -> memref<1x128xi32, #tpu.memory_space<hbm>>
        %dma_wait3A_31 = tpu.memref_squeeze %dma_wait3A_30 : memref<1x128xi32, #tpu.memory_space<hbm>> -> memref<128xi32, #tpu.memory_space<hbm>>
        %dma_wait3A_32 = arith.constant 0 : i32
        %dma_wait3A_33 = tpu.memref_slice %arg3[%add3A_22, %dma_wait3A_32] : memref<1563x128xi32, #tpu.memory_space<hbm>> -> memref<1x128xi32, #tpu.memory_space<hbm>>
        %dma_wait3A_34 = tpu.memref_squeeze %dma_wait3A_33 : memref<1x128xi32, #tpu.memory_space<hbm>> -> memref<128xi32, #tpu.memory_space<hbm>>
        tpu.wait_dma2 semaphore(%run_scoped3A : memref<!tpu.dma_semaphore, #tpu.memory_space<semaphore_mem>>) src(%dma_wait3A_34 : memref<128xi32, #tpu.memory_space<hbm>>) dst(%arg5 : memref<128xi32, #tpu.memory_space<vmem>>)
        tpu.yield
      }) : () -> ()
      "tpu.region"() ({
        %run_scoped3A = tpu.sem_alloc : memref<!tpu.dma_semaphore, #tpu.memory_space<semaphore_mem>>
        %dma_start3A = arith.constant 0 : i32
        %dma_start3A_25 = arith.constant 0 : i32
        %dma_start3A_26 = tpu.memref_slice %arg7[%dma_start3A, %dma_start3A_25] : memref<10240x128xf32, #tpu.memory_space<vmem_shared>> -> memref<10240x128xf32, #tpu.memory_space<vmem_shared>>
        tpu.enqueue_indirect_dma source(%dma_start3A_26 : memref<10240x128xf32, #tpu.memory_space<vmem_shared>>) target(%arg6 : memref<128x128xf32, #tpu.memory_space<vmem>>) offsets(%arg5 : memref<128xi32, #tpu.memory_space<vmem>>) semaphore(%run_scoped3A : memref<!tpu.dma_semaphore, #tpu.memory_space<semaphore_mem>>)
        %dma_wait3A = arith.constant 0 : i32
        %dma_wait3A_27 = arith.constant 0 : i32
        %dma_wait3A_28 = tpu.memref_slice %arg7[%dma_wait3A, %dma_wait3A_27] : memref<10240x128xf32, #tpu.memory_space<vmem_shared>> -> memref<10240x128xf32, #tpu.memory_space<vmem_shared>>
        tpu.wait_indirect_dma semaphore(%run_scoped3A : memref<!tpu.dma_semaphore, #tpu.memory_space<semaphore_mem>>) src(%dma_wait3A_28 : memref<10240x128xf32, #tpu.memory_space<vmem_shared>>) dst(%arg6 : memref<128x128xf32, #tpu.memory_space<vmem>>)
        tpu.yield
      }) : () -> ()
      %mul3A_23 = arith.constant 128 : i32
      %mul3A_24 = arith.muli %add3A_22, %mul3A_23 : i32
      "tpu.region"() ({
        %run_scoped3A = tpu.sem_alloc : memref<!tpu.dma_semaphore, #tpu.memory_space<semaphore_mem>>
        %dma_start3A = arith.constant 0 : i32
        %dma_start3A_25 = tpu.memref_slice %arg4[%mul3A_24, %dma_start3A] : memref<200064x128xf32, #tpu.memory_space<hbm>> -> memref<128x128xf32, #tpu.memory_space<hbm>>
        %dma_start3A_26 = arith.constant 0 : i32
        %dma_start3A_27 = tpu.memref_slice %arg4[%mul3A_24, %dma_start3A_26] : memref<200064x128xf32, #tpu.memory_space<hbm>> -> memref<128x128xf32, #tpu.memory_space<hbm>>
        tpu.enqueue_dma source(%arg6 : memref<128x128xf32, #tpu.memory_space<vmem>>) target(%dma_start3A_27 : memref<128x128xf32, #tpu.memory_space<hbm>>) target_semaphore(%run_scoped3A : memref<!tpu.dma_semaphore, #tpu.memory_space<semaphore_mem>>)
        %dma_wait3A = arith.constant 0 : i32
        %dma_wait3A_28 = tpu.memref_slice %arg4[%mul3A_24, %dma_wait3A] : memref<200064x128xf32, #tpu.memory_space<hbm>> -> memref<128x128xf32, #tpu.memory_space<hbm>>
        %dma_wait3A_29 = arith.constant 0 : i32
        %dma_wait3A_30 = tpu.memref_slice %arg4[%mul3A_24, %dma_wait3A_29] : memref<200064x128xf32, #tpu.memory_space<hbm>> -> memref<128x128xf32, #tpu.memory_space<hbm>>
        tpu.wait_dma2 semaphore(%run_scoped3A : memref<!tpu.dma_semaphore, #tpu.memory_space<semaphore_mem>>) src(%arg6 : memref<128x128xf32, #tpu.memory_space<vmem>>) dst(%dma_wait3A_30 : memref<128x128xf32, #tpu.memory_space<hbm>>)
        tpu.yield
      }) : () -> ()
    }
    %while3A_19 = arith.constant 1 : i32
    scf.for %while3A_20 = %while3A_17 to %while3A_13 step %while3A_19  : i32 {
      %mul3A_21 = arith.muli %while3A_20, %while3A : i32
      %add3A_22 = arith.addi %add3A, %mul3A_21 : i32
      "tpu.region"() ({
        %run_scoped3A = tpu.sem_alloc : memref<!tpu.dma_semaphore, #tpu.memory_space<semaphore_mem>>
        %dma_start3A = arith.constant 0 : i32
        %dma_start3A_25 = tpu.memref_slice %arg3[%add3A_22, %dma_start3A] : memref<1563x128xi32, #tpu.memory_space<hbm>> -> memref<1x128xi32, #tpu.memory_space<hbm>>
        %dma_start3A_26 = tpu.memref_squeeze %dma_start3A_25 : memref<1x128xi32, #tpu.memory_space<hbm>> -> memref<128xi32, #tpu.memory_space<hbm>>
        %dma_start3A_27 = arith.constant 0 : i32
        %dma_start3A_28 = tpu.memref_slice %arg3[%add3A_22, %dma_start3A_27] : memref<1563x128xi32, #tpu.memory_space<hbm>> -> memref<1x128xi32, #tpu.memory_space<hbm>>
        %dma_start3A_29 = tpu.memref_squeeze %dma_start3A_28 : memref<1x128xi32, #tpu.memory_space<hbm>> -> memref<128xi32, #tpu.memory_space<hbm>>
        tpu.enqueue_dma source(%dma_start3A_29 : memref<128xi32, #tpu.memory_space<hbm>>) target(%arg5 : memref<128xi32, #tpu.memory_space<vmem>>) target_semaphore(%run_scoped3A : memref<!tpu.dma_semaphore, #tpu.memory_space<semaphore_mem>>)
        %dma_wait3A = arith.constant 0 : i32
        %dma_wait3A_30 = tpu.memref_slice %arg3[%add3A_22, %dma_wait3A] : memref<1563x128xi32, #tpu.memory_space<hbm>> -> memref<1x128xi32, #tpu.memory_space<hbm>>
        %dma_wait3A_31 = tpu.memref_squeeze %dma_wait3A_30 : memref<1x128xi32, #tpu.memory_space<hbm>> -> memref<128xi32, #tpu.memory_space<hbm>>
        %dma_wait3A_32 = arith.constant 0 : i32
        %dma_wait3A_33 = tpu.memref_slice %arg3[%add3A_22, %dma_wait3A_32] : memref<1563x128xi32, #tpu.memory_space<hbm>> -> memref<1x128xi32, #tpu.memory_space<hbm>>
        %dma_wait3A_34 = tpu.memref_squeeze %dma_wait3A_33 : memref<1x128xi32, #tpu.memory_space<hbm>> -> memref<128xi32, #tpu.memory_space<hbm>>
        tpu.wait_dma2 semaphore(%run_scoped3A : memref<!tpu.dma_semaphore, #tpu.memory_space<semaphore_mem>>) src(%dma_wait3A_34 : memref<128xi32, #tpu.memory_space<hbm>>) dst(%arg5 : memref<128xi32, #tpu.memory_space<vmem>>)
        tpu.yield
      }) : () -> ()
      "tpu.region"() ({
        %run_scoped3A = tpu.sem_alloc : memref<!tpu.dma_semaphore, #tpu.memory_space<semaphore_mem>>
        %dma_start3A = arith.constant 0 : i32
        %dma_start3A_25 = arith.constant 0 : i32
        %dma_start3A_26 = tpu.memref_slice %arg7[%dma_start3A, %dma_start3A_25] : memref<10240x128xf32, #tpu.memory_space<vmem_shared>> -> memref<10240x128xf32, #tpu.memory_space<vmem_shared>>
        tpu.enqueue_indirect_dma source(%dma_start3A_26 : memref<10240x128xf32, #tpu.memory_space<vmem_shared>>) target(%arg6 : memref<128x128xf32, #tpu.memory_space<vmem>>) offsets(%arg5 : memref<128xi32, #tpu.memory_space<vmem>>) semaphore(%run_scoped3A : memref<!tpu.dma_semaphore, #tpu.memory_space<semaphore_mem>>)
        %dma_wait3A = arith.constant 0 : i32
        %dma_wait3A_27 = arith.constant 0 : i32
        %dma_wait3A_28 = tpu.memref_slice %arg7[%dma_wait3A, %dma_wait3A_27] : memref<10240x128xf32, #tpu.memory_space<vmem_shared>> -> memref<10240x128xf32, #tpu.memory_space<vmem_shared>>
        tpu.wait_indirect_dma semaphore(%run_scoped3A : memref<!tpu.dma_semaphore, #tpu.memory_space<semaphore_mem>>) src(%dma_wait3A_28 : memref<10240x128xf32, #tpu.memory_space<vmem_shared>>) dst(%arg6 : memref<128x128xf32, #tpu.memory_space<vmem>>)
        tpu.yield
      }) : () -> ()
      %mul3A_23 = arith.constant 128 : i32
      %mul3A_24 = arith.muli %add3A_22, %mul3A_23 : i32
      "tpu.region"() ({
        %run_scoped3A = tpu.sem_alloc : memref<!tpu.dma_semaphore, #tpu.memory_space<semaphore_mem>>
        %dma_start3A = arith.constant 0 : i32
        %dma_start3A_25 = tpu.memref_slice %arg4[%mul3A_24, %dma_start3A] : memref<200064x128xf32, #tpu.memory_space<hbm>> -> memref<128x128xf32, #tpu.memory_space<hbm>>
        %dma_start3A_26 = arith.constant 0 : i32
        %dma_start3A_27 = tpu.memref_slice %arg4[%mul3A_24, %dma_start3A_26] : memref<200064x128xf32, #tpu.memory_space<hbm>> -> memref<128x128xf32, #tpu.memory_space<hbm>>
        tpu.enqueue_dma source(%arg6 : memref<128x128xf32, #tpu.memory_space<vmem>>) target(%dma_start3A_27 : memref<128x128xf32, #tpu.memory_space<hbm>>) target_semaphore(%run_scoped3A : memref<!tpu.dma_semaphore, #tpu.memory_space<semaphore_mem>>)
        %dma_wait3A = arith.constant 0 : i32
        %dma_wait3A_28 = tpu.memref_slice %arg4[%mul3A_24, %dma_wait3A] : memref<200064x128xf32, #tpu.memory_space<hbm>> -> memref<128x128xf32, #tpu.memory_space<hbm>>
        %dma_wait3A_29 = arith.constant 0 : i32
        %dma_wait3A_30 = tpu.memref_slice %arg4[%mul3A_24, %dma_wait3A_29] : memref<200064x128xf32, #tpu.memory_space<hbm>> -> memref<128x128xf32, #tpu.memory_space<hbm>>
        tpu.wait_dma2 semaphore(%run_scoped3A : memref<!tpu.dma_semaphore, #tpu.memory_space<semaphore_mem>>) src(%arg6 : memref<128x128xf32, #tpu.memory_space<vmem>>) dst(%dma_wait3A_30 : memref<128x128xf32, #tpu.memory_space<hbm>>)
        tpu.yield
      }) : () -> ()
    }
    return
  }
}

#map = affine_map<(d0, d1) -> (0, 0)>
#map1 = affine_map<(d0, d1) -> (0, 0, 0)>
module attributes {stable_mosaic.version = 14 : i64} {
  func.func @k(%arg0: i32, %arg1: i32, %arg2: memref<10240x128xf32, #tpu.memory_space<hbm>>, %arg3: memref<2500x2x128xi32, #tpu.memory_space<hbm>>, %arg4: memref<2x10240x128xf32, #tpu.memory_space<hbm>>, %arg5: memref<2x128xi32, #tpu.memory_space<vmem>>, %arg6: memref<128x128xf32, #tpu.memory_space<vmem>>, %arg7: memref<64x128xf32, #tpu.memory_space<vmem>>, %arg8: memref<10240x128xf32, #tpu.memory_space<vmem_shared>>) attributes {dimension_semantics = [#tpu.dimension_semantics<core_parallel>, #tpu.dimension_semantics<subcore_parallel>], iteration_bounds = array<i64: 2, 16>, scalar_prefetch = 0 : i64, scratch_operands = 4 : i64, tpu.core_type = #tpu.core_type<sc_vector_subcore>, window_params = [{transform_indices = #map}, {transform_indices = #map1}, {transform_indices = #map1}]} {
    %mul3A = arith.constant 2 : i32
    %mul3A_0 = arith.muli %arg1, %mul3A : i32
    %add3A = arith.addi %mul3A_0, %arg0 : i32
    %scan3A = arith.constant 0 : i32
    %scan3A_1 = arith.constant 64 : i32
    %scan3A_2 = arith.addi %scan3A, %scan3A_1 : i32
    %scan3A_3 = arith.constant 1 : i32
    scf.for %scan3A_31 = %scan3A to %scan3A_2 step %scan3A_3  : i32 {
      %mul3A_32 = arith.constant 1 : i32
      %mul3A_33 = arith.muli %scan3A_31, %mul3A_32 : i32
      %add3A_34 = arith.constant 0 : i32
      %add3A_35 = arith.addi %add3A_34, %mul3A_33 : i32
      %broadcast_in_dim3A = arith.constant 0.000000e+00 : f32
      %broadcast_in_dim3A_36 = vector.broadcast %broadcast_in_dim3A : f32 to vector<16xf32>
      %swap3A = arith.index_cast %add3A_35 : i32 to index
      %swap3A_37 = arith.constant 0 : index
      %swap3A_38 = tpu.vector_load %arg7[%swap3A, %swap3A_37] {strides = array<i32>} : memref<64x128xf32, #tpu.memory_space<vmem>>, vector<1x16xf32>,
      %swap3A_39 = vector.shape_cast %swap3A_38 : vector<1x16xf32> to vector<16xf32>
      %swap3A_40 = vector.shape_cast %broadcast_in_dim3A_36 : vector<16xf32> to vector<1x16xf32>
      tpu.vector_store %arg7[%swap3A, %swap3A_37], %swap3A_40 {strides = array<i32>} : memref<64x128xf32, #tpu.memory_space<vmem>>, vector<1x16xf32>,
      %broadcast_in_dim3A_41 = arith.constant 0.000000e+00 : f32
      %broadcast_in_dim3A_42 = vector.broadcast %broadcast_in_dim3A_41 : f32 to vector<16xf32>
      %swap3A_43 = arith.index_cast %add3A_35 : i32 to index
      %swap3A_44 = arith.constant 16 : index
      %swap3A_45 = tpu.vector_load %arg7[%swap3A_43, %swap3A_44] {strides = array<i32>} : memref<64x128xf32, #tpu.memory_space<vmem>>, vector<1x16xf32>,
      %swap3A_46 = vector.shape_cast %swap3A_45 : vector<1x16xf32> to vector<16xf32>
      %swap3A_47 = vector.shape_cast %broadcast_in_dim3A_42 : vector<16xf32> to vector<1x16xf32>
      tpu.vector_store %arg7[%swap3A_43, %swap3A_44], %swap3A_47 {strides = array<i32>} : memref<64x128xf32, #tpu.memory_space<vmem>>, vector<1x16xf32>,
      %broadcast_in_dim3A_48 = arith.constant 0.000000e+00 : f32
      %broadcast_in_dim3A_49 = vector.broadcast %broadcast_in_dim3A_48 : f32 to vector<16xf32>
      %swap3A_50 = arith.index_cast %add3A_35 : i32 to index
      %swap3A_51 = arith.constant 32 : index
      %swap3A_52 = tpu.vector_load %arg7[%swap3A_50, %swap3A_51] {strides = array<i32>} : memref<64x128xf32, #tpu.memory_space<vmem>>, vector<1x16xf32>,
      %swap3A_53 = vector.shape_cast %swap3A_52 : vector<1x16xf32> to vector<16xf32>
      %swap3A_54 = vector.shape_cast %broadcast_in_dim3A_49 : vector<16xf32> to vector<1x16xf32>
      tpu.vector_store %arg7[%swap3A_50, %swap3A_51], %swap3A_54 {strides = array<i32>} : memref<64x128xf32, #tpu.memory_space<vmem>>, vector<1x16xf32>,
      %broadcast_in_dim3A_55 = arith.constant 0.000000e+00 : f32
      %broadcast_in_dim3A_56 = vector.broadcast %broadcast_in_dim3A_55 : f32 to vector<16xf32>
      %swap3A_57 = arith.index_cast %add3A_35 : i32 to index
      %swap3A_58 = arith.constant 48 : index
      %swap3A_59 = tpu.vector_load %arg7[%swap3A_57, %swap3A_58] {strides = array<i32>} : memref<64x128xf32, #tpu.memory_space<vmem>>, vector<1x16xf32>,
      %swap3A_60 = vector.shape_cast %swap3A_59 : vector<1x16xf32> to vector<16xf32>
      %swap3A_61 = vector.shape_cast %broadcast_in_dim3A_56 : vector<16xf32> to vector<1x16xf32>
      tpu.vector_store %arg7[%swap3A_57, %swap3A_58], %swap3A_61 {strides = array<i32>} : memref<64x128xf32, #tpu.memory_space<vmem>>, vector<1x16xf32>,
      %broadcast_in_dim3A_62 = arith.constant 0.000000e+00 : f32
      %broadcast_in_dim3A_63 = vector.broadcast %broadcast_in_dim3A_62 : f32 to vector<16xf32>
      %swap3A_64 = arith.index_cast %add3A_35 : i32 to index
      %swap3A_65 = arith.constant 64 : index
      %swap3A_66 = tpu.vector_load %arg7[%swap3A_64, %swap3A_65] {strides = array<i32>} : memref<64x128xf32, #tpu.memory_space<vmem>>, vector<1x16xf32>,
      %swap3A_67 = vector.shape_cast %swap3A_66 : vector<1x16xf32> to vector<16xf32>
      %swap3A_68 = vector.shape_cast %broadcast_in_dim3A_63 : vector<16xf32> to vector<1x16xf32>
      tpu.vector_store %arg7[%swap3A_64, %swap3A_65], %swap3A_68 {strides = array<i32>} : memref<64x128xf32, #tpu.memory_space<vmem>>, vector<1x16xf32>,
      %broadcast_in_dim3A_69 = arith.constant 0.000000e+00 : f32
      %broadcast_in_dim3A_70 = vector.broadcast %broadcast_in_dim3A_69 : f32 to vector<16xf32>
      %swap3A_71 = arith.index_cast %add3A_35 : i32 to index
      %swap3A_72 = arith.constant 80 : index
      %swap3A_73 = tpu.vector_load %arg7[%swap3A_71, %swap3A_72] {strides = array<i32>} : memref<64x128xf32, #tpu.memory_space<vmem>>, vector<1x16xf32>,
      %swap3A_74 = vector.shape_cast %swap3A_73 : vector<1x16xf32> to vector<16xf32>
      %swap3A_75 = vector.shape_cast %broadcast_in_dim3A_70 : vector<16xf32> to vector<1x16xf32>
      tpu.vector_store %arg7[%swap3A_71, %swap3A_72], %swap3A_75 {strides = array<i32>} : memref<64x128xf32, #tpu.memory_space<vmem>>, vector<1x16xf32>,
      %broadcast_in_dim3A_76 = arith.constant 0.000000e+00 : f32
      %broadcast_in_dim3A_77 = vector.broadcast %broadcast_in_dim3A_76 : f32 to vector<16xf32>
      %swap3A_78 = arith.index_cast %add3A_35 : i32 to index
      %swap3A_79 = arith.constant 96 : index
      %swap3A_80 = tpu.vector_load %arg7[%swap3A_78, %swap3A_79] {strides = array<i32>} : memref<64x128xf32, #tpu.memory_space<vmem>>, vector<1x16xf32>,
      %swap3A_81 = vector.shape_cast %swap3A_80 : vector<1x16xf32> to vector<16xf32>
      %swap3A_82 = vector.shape_cast %broadcast_in_dim3A_77 : vector<16xf32> to vector<1x16xf32>
      tpu.vector_store %arg7[%swap3A_78, %swap3A_79], %swap3A_82 {strides = array<i32>} : memref<64x128xf32, #tpu.memory_space<vmem>>, vector<1x16xf32>,
      %broadcast_in_dim3A_83 = arith.constant 0.000000e+00 : f32
      %broadcast_in_dim3A_84 = vector.broadcast %broadcast_in_dim3A_83 : f32 to vector<16xf32>
      %swap3A_85 = arith.index_cast %add3A_35 : i32 to index
      %swap3A_86 = arith.constant 112 : index
      %swap3A_87 = tpu.vector_load %arg7[%swap3A_85, %swap3A_86] {strides = array<i32>} : memref<64x128xf32, #tpu.memory_space<vmem>>, vector<1x16xf32>,
      %swap3A_88 = vector.shape_cast %swap3A_87 : vector<1x16xf32> to vector<16xf32>
      %swap3A_89 = vector.shape_cast %broadcast_in_dim3A_84 : vector<16xf32> to vector<1x16xf32>
      tpu.vector_store %arg7[%swap3A_85, %swap3A_86], %swap3A_89 {strides = array<i32>} : memref<64x128xf32, #tpu.memory_space<vmem>>, vector<1x16xf32>,
    }
    %scan3A_4 = arith.constant 64 : i32
    %scan3A_5 = arith.constant 0 : i32
    %scan3A_6 = arith.constant 10 : i32
    %scan3A_7 = arith.addi %scan3A_5, %scan3A_6 : i32
    %scan3A_8 = arith.constant 1 : i32
    scf.for %scan3A_31 = %scan3A_5 to %scan3A_7 step %scan3A_8  : i32 {
      %mul3A_32 = arith.constant 1 : i32
      %mul3A_33 = arith.muli %scan3A_31, %mul3A_32 : i32
      %add3A_34 = arith.constant 0 : i32
      %add3A_35 = arith.addi %add3A_34, %mul3A_33 : i32
      %mul3A_36 = arith.constant 640 : i32
      %mul3A_37 = arith.muli %arg1, %mul3A_36 : i32
      %mul3A_38 = arith.constant 64 : i32
      %mul3A_39 = arith.muli %add3A_35, %mul3A_38 : i32
      %add3A_40 = arith.addi %mul3A_37, %mul3A_39 : i32
      "tpu.region"() ({
        %run_scoped3A = tpu.sem_alloc : memref<!tpu.dma_semaphore, #tpu.memory_space<semaphore_mem>>
        %dma_start3A = arith.constant 0 : i32
        %dma_start3A_41 = tpu.memref_slice %arg8[%add3A_40, %dma_start3A] : memref<10240x128xf32, #tpu.memory_space<vmem_shared>> -> memref<64x128xf32, #tpu.memory_space<vmem_shared>>
        %dma_start3A_42 = arith.constant 0 : i32
        %dma_start3A_43 = tpu.memref_slice %arg8[%add3A_40, %dma_start3A_42] : memref<10240x128xf32, #tpu.memory_space<vmem_shared>> -> memref<64x128xf32, #tpu.memory_space<vmem_shared>>
        tpu.enqueue_dma source(%arg7 : memref<64x128xf32, #tpu.memory_space<vmem>>) target(%dma_start3A_43 : memref<64x128xf32, #tpu.memory_space<vmem_shared>>) target_semaphore(%run_scoped3A : memref<!tpu.dma_semaphore, #tpu.memory_space<semaphore_mem>>)
        %dma_wait3A = arith.constant 0 : i32
        %dma_wait3A_44 = tpu.memref_slice %arg8[%add3A_40, %dma_wait3A] : memref<10240x128xf32, #tpu.memory_space<vmem_shared>> -> memref<64x128xf32, #tpu.memory_space<vmem_shared>>
        %dma_wait3A_45 = arith.constant 0 : i32
        %dma_wait3A_46 = tpu.memref_slice %arg8[%add3A_40, %dma_wait3A_45] : memref<10240x128xf32, #tpu.memory_space<vmem_shared>> -> memref<64x128xf32, #tpu.memory_space<vmem_shared>>
        tpu.wait_dma2 semaphore(%run_scoped3A : memref<!tpu.dma_semaphore, #tpu.memory_space<semaphore_mem>>) src(%arg7 : memref<64x128xf32, #tpu.memory_space<vmem>>) dst(%dma_wait3A_46 : memref<64x128xf32, #tpu.memory_space<vmem_shared>>)
        tpu.yield
      }) : () -> ()
    }
    %scan3A_9 = arith.constant 10 : i32
    %barrier3A = arith.constant 0 : index
    tpu.barrier barrier_id(%barrier3A)
    %sub3A = arith.constant 2500 : i32
    %sub3A_10 = arith.subi %sub3A, %add3A : i32
    %sub3A_11 = arith.constant 32 : i32
    %sub3A_12 = arith.constant 1 : i32
    %sub3A_13 = arith.subi %sub3A_11, %sub3A_12 : i32
    %add3A_14 = arith.addi %sub3A_10, %sub3A_13 : i32
    %div3A = arith.constant 32 : i32
    %div3A_15 = arith.divsi %add3A_14, %div3A : i32
    %while3A = arith.constant 32 : i32
    %while3A_16 = arith.constant 0 : i32
    %while3A_17 = arith.subi %div3A_15, %while3A_16 : i32
    %while3A_18 = arith.addi %while3A_16, %while3A_17 : i32
    %while3A_19 = arith.constant 1 : i32
    %while3A_20 = arith.divsi %while3A_17, %while3A_19 : i32
    %while3A_21 = arith.muli %while3A_20, %while3A_19 : i32
    %while3A_22 = arith.addi %while3A_16, %while3A_21 : i32
    %while3A_23 = arith.constant 1 : i32
    scf.for %while3A_31 = %while3A_16 to %while3A_22 step %while3A_23  : i32 {
      %mul3A_32 = arith.muli %while3A_31, %while3A : i32
      %add3A_33 = arith.addi %add3A, %mul3A_32 : i32
      "tpu.region"() ({
        %run_scoped3A_35 = tpu.sem_alloc : memref<!tpu.dma_semaphore, #tpu.memory_space<semaphore_mem>>
        %dma_start3A = arith.constant 0 : i32
        %dma_start3A_36 = arith.constant 0 : i32
        %dma_start3A_37 = tpu.memref_slice %arg3[%add3A_33, %dma_start3A, %dma_start3A_36] : memref<2500x2x128xi32, #tpu.memory_space<hbm>> -> memref<1x2x128xi32, #tpu.memory_space<hbm>>
        %dma_start3A_38 = tpu.memref_squeeze %dma_start3A_37 : memref<1x2x128xi32, #tpu.memory_space<hbm>> -> memref<2x128xi32, #tpu.memory_space<hbm>>
        %dma_start3A_39 = arith.constant 0 : i32
        %dma_start3A_40 = arith.constant 0 : i32
        %dma_start3A_41 = tpu.memref_slice %arg3[%add3A_33, %dma_start3A_39, %dma_start3A_40] : memref<2500x2x128xi32, #tpu.memory_space<hbm>> -> memref<1x2x128xi32, #tpu.memory_space<hbm>>
        %dma_start3A_42 = tpu.memref_squeeze %dma_start3A_41 : memref<1x2x128xi32, #tpu.memory_space<hbm>> -> memref<2x128xi32, #tpu.memory_space<hbm>>
        tpu.enqueue_dma source(%dma_start3A_42 : memref<2x128xi32, #tpu.memory_space<hbm>>) target(%arg5 : memref<2x128xi32, #tpu.memory_space<vmem>>) target_semaphore(%run_scoped3A_35 : memref<!tpu.dma_semaphore, #tpu.memory_space<semaphore_mem>>)
        %dma_wait3A = arith.constant 0 : i32
        %dma_wait3A_43 = arith.constant 0 : i32
        %dma_wait3A_44 = tpu.memref_slice %arg3[%add3A_33, %dma_wait3A, %dma_wait3A_43] : memref<2500x2x128xi32, #tpu.memory_space<hbm>> -> memref<1x2x128xi32, #tpu.memory_space<hbm>>
        %dma_wait3A_45 = tpu.memref_squeeze %dma_wait3A_44 : memref<1x2x128xi32, #tpu.memory_space<hbm>> -> memref<2x128xi32, #tpu.memory_space<hbm>>
        %dma_wait3A_46 = arith.constant 0 : i32
        %dma_wait3A_47 = arith.constant 0 : i32
        %dma_wait3A_48 = tpu.memref_slice %arg3[%add3A_33, %dma_wait3A_46, %dma_wait3A_47] : memref<2500x2x128xi32, #tpu.memory_space<hbm>> -> memref<1x2x128xi32, #tpu.memory_space<hbm>>
        %dma_wait3A_49 = tpu.memref_squeeze %dma_wait3A_48 : memref<1x2x128xi32, #tpu.memory_space<hbm>> -> memref<2x128xi32, #tpu.memory_space<hbm>>
        tpu.wait_dma2 semaphore(%run_scoped3A_35 : memref<!tpu.dma_semaphore, #tpu.memory_space<semaphore_mem>>) src(%dma_wait3A_49 : memref<2x128xi32, #tpu.memory_space<hbm>>) dst(%arg5 : memref<2x128xi32, #tpu.memory_space<vmem>>)
        tpu.yield
      }) : () -> ()
      %run_scoped3A = arith.constant 0 : i32
      "tpu.region"() ({
        %run_scoped3A_35 = tpu.sem_alloc : memref<!tpu.dma_semaphore, #tpu.memory_space<semaphore_mem>>
        %dma_start3A = arith.constant 0 : i32
        %dma_start3A_36 = tpu.memref_slice %arg5[%run_scoped3A, %dma_start3A] : memref<2x128xi32, #tpu.memory_space<vmem>> -> memref<1x128xi32, #tpu.memory_space<vmem>>
        %dma_start3A_37 = tpu.memref_squeeze %dma_start3A_36 : memref<1x128xi32, #tpu.memory_space<vmem>> -> memref<128xi32, #tpu.memory_space<vmem>>
        %dma_start3A_38 = arith.constant 0 : i32
        %dma_start3A_39 = arith.constant 0 : i32
        %dma_start3A_40 = tpu.memref_slice %arg2[%dma_start3A_38, %dma_start3A_39] : memref<10240x128xf32, #tpu.memory_space<hbm>> -> memref<10240x128xf32, #tpu.memory_space<hbm>>
        tpu.enqueue_indirect_dma source(%dma_start3A_40 : memref<10240x128xf32, #tpu.memory_space<hbm>>) target(%arg6 : memref<128x128xf32, #tpu.memory_space<vmem>>) offsets(%dma_start3A_37 : memref<128xi32, #tpu.memory_space<vmem>>) semaphore(%run_scoped3A_35 : memref<!tpu.dma_semaphore, #tpu.memory_space<semaphore_mem>>)
        %dma_wait3A = arith.constant 0 : i32
        %dma_wait3A_41 = tpu.memref_slice %arg5[%run_scoped3A, %dma_wait3A] : memref<2x128xi32, #tpu.memory_space<vmem>> -> memref<1x128xi32, #tpu.memory_space<vmem>>
        %dma_wait3A_42 = tpu.memref_squeeze %dma_wait3A_41 : memref<1x128xi32, #tpu.memory_space<vmem>> -> memref<128xi32, #tpu.memory_space<vmem>>
        %dma_wait3A_43 = arith.constant 0 : i32
        %dma_wait3A_44 = arith.constant 0 : i32
        %dma_wait3A_45 = tpu.memref_slice %arg2[%dma_wait3A_43, %dma_wait3A_44] : memref<10240x128xf32, #tpu.memory_space<hbm>> -> memref<10240x128xf32, #tpu.memory_space<hbm>>
        tpu.wait_indirect_dma semaphore(%run_scoped3A_35 : memref<!tpu.dma_semaphore, #tpu.memory_space<semaphore_mem>>) src(%dma_wait3A_45 : memref<10240x128xf32, #tpu.memory_space<hbm>>) dst(%arg6 : memref<128x128xf32, #tpu.memory_space<vmem>>)
        tpu.yield
      }) : () -> ()
      %run_scoped3A_34 = arith.constant 1 : i32
      "tpu.region"() ({
        %run_scoped3A_35 = tpu.sem_alloc : memref<!tpu.dma_semaphore, #tpu.memory_space<semaphore_mem>>
        %dma_start3A = arith.constant 0 : i32
        %dma_start3A_36 = tpu.memref_slice %arg5[%run_scoped3A_34, %dma_start3A] : memref<2x128xi32, #tpu.memory_space<vmem>> -> memref<1x128xi32, #tpu.memory_space<vmem>>
        %dma_start3A_37 = tpu.memref_squeeze %dma_start3A_36 : memref<1x128xi32, #tpu.memory_space<vmem>> -> memref<128xi32, #tpu.memory_space<vmem>>
        %dma_start3A_38 = arith.constant 0 : i32
        %dma_start3A_39 = arith.constant 0 : i32
        %dma_start3A_40 = tpu.memref_slice %arg8[%dma_start3A_38, %dma_start3A_39] : memref<10240x128xf32, #tpu.memory_space<vmem_shared>> -> memref<10240x128xf32, #tpu.memory_space<vmem_shared>>
        tpu.enqueue_indirect_dma source(%arg6 : memref<128x128xf32, #tpu.memory_space<vmem>>) target(%dma_start3A_40 : memref<10240x128xf32, #tpu.memory_space<vmem_shared>>) offsets(%dma_start3A_37 : memref<128xi32, #tpu.memory_space<vmem>>) semaphore(%run_scoped3A_35 : memref<!tpu.dma_semaphore, #tpu.memory_space<semaphore_mem>>) {add = true}
        %dma_wait3A = arith.constant 0 : i32
        %dma_wait3A_41 = tpu.memref_slice %arg5[%run_scoped3A_34, %dma_wait3A] : memref<2x128xi32, #tpu.memory_space<vmem>> -> memref<1x128xi32, #tpu.memory_space<vmem>>
        %dma_wait3A_42 = tpu.memref_squeeze %dma_wait3A_41 : memref<1x128xi32, #tpu.memory_space<vmem>> -> memref<128xi32, #tpu.memory_space<vmem>>
        %dma_wait3A_43 = arith.constant 0 : i32
        %dma_wait3A_44 = arith.constant 0 : i32
        %dma_wait3A_45 = tpu.memref_slice %arg8[%dma_wait3A_43, %dma_wait3A_44] : memref<10240x128xf32, #tpu.memory_space<vmem_shared>> -> memref<10240x128xf32, #tpu.memory_space<vmem_shared>>
        tpu.wait_indirect_dma semaphore(%run_scoped3A_35 : memref<!tpu.dma_semaphore, #tpu.memory_space<semaphore_mem>>) src(%arg6 : memref<128x128xf32, #tpu.memory_space<vmem>>) dst(%dma_wait3A_45 : memref<10240x128xf32, #tpu.memory_space<vmem_shared>>)
        tpu.yield
      }) : () -> ()
    }
    %while3A_24 = arith.constant 1 : i32
    scf.for %while3A_31 = %while3A_22 to %while3A_18 step %while3A_24  : i32 {
      %mul3A_32 = arith.muli %while3A_31, %while3A : i32
      %add3A_33 = arith.addi %add3A, %mul3A_32 : i32
      "tpu.region"() ({
        %run_scoped3A_35 = tpu.sem_alloc : memref<!tpu.dma_semaphore, #tpu.memory_space<semaphore_mem>>
        %dma_start3A = arith.constant 0 : i32
        %dma_start3A_36 = arith.constant 0 : i32
        %dma_start3A_37 = tpu.memref_slice %arg3[%add3A_33, %dma_start3A, %dma_start3A_36] : memref<2500x2x128xi32, #tpu.memory_space<hbm>> -> memref<1x2x128xi32, #tpu.memory_space<hbm>>
        %dma_start3A_38 = tpu.memref_squeeze %dma_start3A_37 : memref<1x2x128xi32, #tpu.memory_space<hbm>> -> memref<2x128xi32, #tpu.memory_space<hbm>>
        %dma_start3A_39 = arith.constant 0 : i32
        %dma_start3A_40 = arith.constant 0 : i32
        %dma_start3A_41 = tpu.memref_slice %arg3[%add3A_33, %dma_start3A_39, %dma_start3A_40] : memref<2500x2x128xi32, #tpu.memory_space<hbm>> -> memref<1x2x128xi32, #tpu.memory_space<hbm>>
        %dma_start3A_42 = tpu.memref_squeeze %dma_start3A_41 : memref<1x2x128xi32, #tpu.memory_space<hbm>> -> memref<2x128xi32, #tpu.memory_space<hbm>>
        tpu.enqueue_dma source(%dma_start3A_42 : memref<2x128xi32, #tpu.memory_space<hbm>>) target(%arg5 : memref<2x128xi32, #tpu.memory_space<vmem>>) target_semaphore(%run_scoped3A_35 : memref<!tpu.dma_semaphore, #tpu.memory_space<semaphore_mem>>)
        %dma_wait3A = arith.constant 0 : i32
        %dma_wait3A_43 = arith.constant 0 : i32
        %dma_wait3A_44 = tpu.memref_slice %arg3[%add3A_33, %dma_wait3A, %dma_wait3A_43] : memref<2500x2x128xi32, #tpu.memory_space<hbm>> -> memref<1x2x128xi32, #tpu.memory_space<hbm>>
        %dma_wait3A_45 = tpu.memref_squeeze %dma_wait3A_44 : memref<1x2x128xi32, #tpu.memory_space<hbm>> -> memref<2x128xi32, #tpu.memory_space<hbm>>
        %dma_wait3A_46 = arith.constant 0 : i32
        %dma_wait3A_47 = arith.constant 0 : i32
        %dma_wait3A_48 = tpu.memref_slice %arg3[%add3A_33, %dma_wait3A_46, %dma_wait3A_47] : memref<2500x2x128xi32, #tpu.memory_space<hbm>> -> memref<1x2x128xi32, #tpu.memory_space<hbm>>
        %dma_wait3A_49 = tpu.memref_squeeze %dma_wait3A_48 : memref<1x2x128xi32, #tpu.memory_space<hbm>> -> memref<2x128xi32, #tpu.memory_space<hbm>>
        tpu.wait_dma2 semaphore(%run_scoped3A_35 : memref<!tpu.dma_semaphore, #tpu.memory_space<semaphore_mem>>) src(%dma_wait3A_49 : memref<2x128xi32, #tpu.memory_space<hbm>>) dst(%arg5 : memref<2x128xi32, #tpu.memory_space<vmem>>)
        tpu.yield
      }) : () -> ()
      %run_scoped3A = arith.constant 0 : i32
      "tpu.region"() ({
        %run_scoped3A_35 = tpu.sem_alloc : memref<!tpu.dma_semaphore, #tpu.memory_space<semaphore_mem>>
        %dma_start3A = arith.constant 0 : i32
        %dma_start3A_36 = tpu.memref_slice %arg5[%run_scoped3A, %dma_start3A] : memref<2x128xi32, #tpu.memory_space<vmem>> -> memref<1x128xi32, #tpu.memory_space<vmem>>
        %dma_start3A_37 = tpu.memref_squeeze %dma_start3A_36 : memref<1x128xi32, #tpu.memory_space<vmem>> -> memref<128xi32, #tpu.memory_space<vmem>>
        %dma_start3A_38 = arith.constant 0 : i32
        %dma_start3A_39 = arith.constant 0 : i32
        %dma_start3A_40 = tpu.memref_slice %arg2[%dma_start3A_38, %dma_start3A_39] : memref<10240x128xf32, #tpu.memory_space<hbm>> -> memref<10240x128xf32, #tpu.memory_space<hbm>>
        tpu.enqueue_indirect_dma source(%dma_start3A_40 : memref<10240x128xf32, #tpu.memory_space<hbm>>) target(%arg6 : memref<128x128xf32, #tpu.memory_space<vmem>>) offsets(%dma_start3A_37 : memref<128xi32, #tpu.memory_space<vmem>>) semaphore(%run_scoped3A_35 : memref<!tpu.dma_semaphore, #tpu.memory_space<semaphore_mem>>)
        %dma_wait3A = arith.constant 0 : i32
        %dma_wait3A_41 = tpu.memref_slice %arg5[%run_scoped3A, %dma_wait3A] : memref<2x128xi32, #tpu.memory_space<vmem>> -> memref<1x128xi32, #tpu.memory_space<vmem>>
        %dma_wait3A_42 = tpu.memref_squeeze %dma_wait3A_41 : memref<1x128xi32, #tpu.memory_space<vmem>> -> memref<128xi32, #tpu.memory_space<vmem>>
        %dma_wait3A_43 = arith.constant 0 : i32
        %dma_wait3A_44 = arith.constant 0 : i32
        %dma_wait3A_45 = tpu.memref_slice %arg2[%dma_wait3A_43, %dma_wait3A_44] : memref<10240x128xf32, #tpu.memory_space<hbm>> -> memref<10240x128xf32, #tpu.memory_space<hbm>>
        tpu.wait_indirect_dma semaphore(%run_scoped3A_35 : memref<!tpu.dma_semaphore, #tpu.memory_space<semaphore_mem>>) src(%dma_wait3A_45 : memref<10240x128xf32, #tpu.memory_space<hbm>>) dst(%arg6 : memref<128x128xf32, #tpu.memory_space<vmem>>)
        tpu.yield
      }) : () -> ()
      %run_scoped3A_34 = arith.constant 1 : i32
      "tpu.region"() ({
        %run_scoped3A_35 = tpu.sem_alloc : memref<!tpu.dma_semaphore, #tpu.memory_space<semaphore_mem>>
        %dma_start3A = arith.constant 0 : i32
        %dma_start3A_36 = tpu.memref_slice %arg5[%run_scoped3A_34, %dma_start3A] : memref<2x128xi32, #tpu.memory_space<vmem>> -> memref<1x128xi32, #tpu.memory_space<vmem>>
        %dma_start3A_37 = tpu.memref_squeeze %dma_start3A_36 : memref<1x128xi32, #tpu.memory_space<vmem>> -> memref<128xi32, #tpu.memory_space<vmem>>
        %dma_start3A_38 = arith.constant 0 : i32
        %dma_start3A_39 = arith.constant 0 : i32
        %dma_start3A_40 = tpu.memref_slice %arg8[%dma_start3A_38, %dma_start3A_39] : memref<10240x128xf32, #tpu.memory_space<vmem_shared>> -> memref<10240x128xf32, #tpu.memory_space<vmem_shared>>
        tpu.enqueue_indirect_dma source(%arg6 : memref<128x128xf32, #tpu.memory_space<vmem>>) target(%dma_start3A_40 : memref<10240x128xf32, #tpu.memory_space<vmem_shared>>) offsets(%dma_start3A_37 : memref<128xi32, #tpu.memory_space<vmem>>) semaphore(%run_scoped3A_35 : memref<!tpu.dma_semaphore, #tpu.memory_space<semaphore_mem>>) {add = true}
        %dma_wait3A = arith.constant 0 : i32
        %dma_wait3A_41 = tpu.memref_slice %arg5[%run_scoped3A_34, %dma_wait3A] : memref<2x128xi32, #tpu.memory_space<vmem>> -> memref<1x128xi32, #tpu.memory_space<vmem>>
        %dma_wait3A_42 = tpu.memref_squeeze %dma_wait3A_41 : memref<1x128xi32, #tpu.memory_space<vmem>> -> memref<128xi32, #tpu.memory_space<vmem>>
        %dma_wait3A_43 = arith.constant 0 : i32
        %dma_wait3A_44 = arith.constant 0 : i32
        %dma_wait3A_45 = tpu.memref_slice %arg8[%dma_wait3A_43, %dma_wait3A_44] : memref<10240x128xf32, #tpu.memory_space<vmem_shared>> -> memref<10240x128xf32, #tpu.memory_space<vmem_shared>>
        tpu.wait_indirect_dma semaphore(%run_scoped3A_35 : memref<!tpu.dma_semaphore, #tpu.memory_space<semaphore_mem>>) src(%arg6 : memref<128x128xf32, #tpu.memory_space<vmem>>) dst(%dma_wait3A_45 : memref<10240x128xf32, #tpu.memory_space<vmem_shared>>)
        tpu.yield
      }) : () -> ()
    }
    %barrier3A_25 = arith.constant 0 : index
    tpu.barrier barrier_id(%barrier3A_25)
    %scan3A_26 = arith.constant 0 : i32
    %scan3A_27 = arith.constant 10 : i32
    %scan3A_28 = arith.addi %scan3A_26, %scan3A_27 : i32
    %scan3A_29 = arith.constant 1 : i32
    scf.for %scan3A_31 = %scan3A_26 to %scan3A_28 step %scan3A_29  : i32 {
      %mul3A_32 = arith.constant 1 : i32
      %mul3A_33 = arith.muli %scan3A_31, %mul3A_32 : i32
      %add3A_34 = arith.constant 0 : i32
      %add3A_35 = arith.addi %add3A_34, %mul3A_33 : i32
      %mul3A_36 = arith.constant 640 : i32
      %mul3A_37 = arith.muli %arg1, %mul3A_36 : i32
      %mul3A_38 = arith.constant 64 : i32
      %mul3A_39 = arith.muli %add3A_35, %mul3A_38 : i32
      %add3A_40 = arith.addi %mul3A_37, %mul3A_39 : i32
      "tpu.region"() ({
        %run_scoped3A = tpu.sem_alloc : memref<!tpu.dma_semaphore, #tpu.memory_space<semaphore_mem>>
        %dma_start3A = arith.constant 0 : i32
        %dma_start3A_46 = tpu.memref_slice %arg8[%add3A_40, %dma_start3A] : memref<10240x128xf32, #tpu.memory_space<vmem_shared>> -> memref<64x128xf32, #tpu.memory_space<vmem_shared>>
        %dma_start3A_47 = arith.constant 0 : i32
        %dma_start3A_48 = tpu.memref_slice %arg8[%add3A_40, %dma_start3A_47] : memref<10240x128xf32, #tpu.memory_space<vmem_shared>> -> memref<64x128xf32, #tpu.memory_space<vmem_shared>>
        tpu.enqueue_dma source(%dma_start3A_48 : memref<64x128xf32, #tpu.memory_space<vmem_shared>>) target(%arg7 : memref<64x128xf32, #tpu.memory_space<vmem>>) target_semaphore(%run_scoped3A : memref<!tpu.dma_semaphore, #tpu.memory_space<semaphore_mem>>)
        %dma_wait3A = arith.constant 0 : i32
        %dma_wait3A_49 = tpu.memref_slice %arg8[%add3A_40, %dma_wait3A] : memref<10240x128xf32, #tpu.memory_space<vmem_shared>> -> memref<64x128xf32, #tpu.memory_space<vmem_shared>>
        %dma_wait3A_50 = arith.constant 0 : i32
        %dma_wait3A_51 = tpu.memref_slice %arg8[%add3A_40, %dma_wait3A_50] : memref<10240x128xf32, #tpu.memory_space<vmem_shared>> -> memref<64x128xf32, #tpu.memory_space<vmem_shared>>
        tpu.wait_dma2 semaphore(%run_scoped3A : memref<!tpu.dma_semaphore, #tpu.memory_space<semaphore_mem>>) src(%dma_wait3A_51 : memref<64x128xf32, #tpu.memory_space<vmem_shared>>) dst(%arg7 : memref<64x128xf32, #tpu.memory_space<vmem>>)
        tpu.yield
      }) : () -> ()
      %mul3A_41 = arith.constant 640 : i32
      %mul3A_42 = arith.muli %arg1, %mul3A_41 : i32
      %mul3A_43 = arith.constant 64 : i32
      %mul3A_44 = arith.muli %add3A_35, %mul3A_43 : i32
      %add3A_45 = arith.addi %mul3A_42, %mul3A_44 : i32
      "tpu.region"() ({
        %run_scoped3A = tpu.sem_alloc : memref<!tpu.dma_semaphore, #tpu.memory_space<semaphore_mem>>
        %dma_start3A = arith.constant 0 : i32
        %dma_start3A_46 = tpu.memref_slice %arg4[%arg0, %add3A_45, %dma_start3A] : memref<2x10240x128xf32, #tpu.memory_space<hbm>> -> memref<1x64x128xf32, #tpu.memory_space<hbm>>
        %dma_start3A_47 = tpu.memref_squeeze %dma_start3A_46 : memref<1x64x128xf32, #tpu.memory_space<hbm>> -> memref<64x128xf32, #tpu.memory_space<hbm>>
        %dma_start3A_48 = arith.constant 0 : i32
        %dma_start3A_49 = tpu.memref_slice %arg4[%arg0, %add3A_45, %dma_start3A_48] : memref<2x10240x128xf32, #tpu.memory_space<hbm>> -> memref<1x64x128xf32, #tpu.memory_space<hbm>>
        %dma_start3A_50 = tpu.memref_squeeze %dma_start3A_49 : memref<1x64x128xf32, #tpu.memory_space<hbm>> -> memref<64x128xf32, #tpu.memory_space<hbm>>
        tpu.enqueue_dma source(%arg7 : memref<64x128xf32, #tpu.memory_space<vmem>>) target(%dma_start3A_50 : memref<64x128xf32, #tpu.memory_space<hbm>>) target_semaphore(%run_scoped3A : memref<!tpu.dma_semaphore, #tpu.memory_space<semaphore_mem>>)
        %dma_wait3A = arith.constant 0 : i32
        %dma_wait3A_51 = tpu.memref_slice %arg4[%arg0, %add3A_45, %dma_wait3A] : memref<2x10240x128xf32, #tpu.memory_space<hbm>> -> memref<1x64x128xf32, #tpu.memory_space<hbm>>
        %dma_wait3A_52 = tpu.memref_squeeze %dma_wait3A_51 : memref<1x64x128xf32, #tpu.memory_space<hbm>> -> memref<64x128xf32, #tpu.memory_space<hbm>>
        %dma_wait3A_53 = arith.constant 0 : i32
        %dma_wait3A_54 = tpu.memref_slice %arg4[%arg0, %add3A_45, %dma_wait3A_53] : memref<2x10240x128xf32, #tpu.memory_space<hbm>> -> memref<1x64x128xf32, #tpu.memory_space<hbm>>
        %dma_wait3A_55 = tpu.memref_squeeze %dma_wait3A_54 : memref<1x64x128xf32, #tpu.memory_space<hbm>> -> memref<64x128xf32, #tpu.memory_space<hbm>>
        tpu.wait_dma2 semaphore(%run_scoped3A : memref<!tpu.dma_semaphore, #tpu.memory_space<semaphore_mem>>) src(%arg7 : memref<64x128xf32, #tpu.memory_space<vmem>>) dst(%dma_wait3A_55 : memref<64x128xf32, #tpu.memory_space<hbm>>)
        tpu.yield
      }) : () -> ()
    }
    %scan3A_30 = arith.constant 10 : i32
    return
  }
}

#map = affine_map<(d0, d1) -> (0, 0)>
#map1 = affine_map<(d0, d1) -> (0, 0, 0)>
module attributes {stable_mosaic.version = 14 : i64} {
  func.func @k(%arg0: i32, %arg1: i32, %arg2: memref<10240x128xf32, #tpu.memory_space<hbm>>, %arg3: memref<2500x2x128xi32, #tpu.memory_space<hbm>>, %arg4: memref<2x10240x128xf32, #tpu.memory_space<hbm>>, %arg5: memref<2x128xi32, #tpu.memory_space<vmem>>, %arg6: memref<128x128xf32, #tpu.memory_space<vmem>>, %arg7: memref<64x128xf32, #tpu.memory_space<vmem>>, %arg8: memref<10240x128xf32, #tpu.memory_space<vmem_shared>>) attributes {dimension_semantics = [#tpu.dimension_semantics<core_parallel>, #tpu.dimension_semantics<subcore_parallel>], iteration_bounds = array<i64: 2, 16>, scalar_prefetch = 0 : i64, scratch_operands = 4 : i64, tpu.core_type = #tpu.core_type<sc_vector_subcore>, window_params = [{transform_indices = #map}, {transform_indices = #map1}, {transform_indices = #map1}]} {
    %mul3A = arith.constant 2 : i32
    %mul3A_0 = arith.muli %arg1, %mul3A : i32
    %add3A = arith.addi %mul3A_0, %arg0 : i32
    %scan3A = arith.constant 0 : i32
    %scan3A_1 = arith.constant 64 : i32
    %scan3A_2 = arith.addi %scan3A, %scan3A_1 : i32
    %scan3A_3 = arith.constant 1 : i32
    scf.for %scan3A_31 = %scan3A to %scan3A_2 step %scan3A_3  : i32 {
      %mul3A_32 = arith.constant 1 : i32
      %mul3A_33 = arith.muli %scan3A_31, %mul3A_32 : i32
      %add3A_34 = arith.constant 0 : i32
      %add3A_35 = arith.addi %add3A_34, %mul3A_33 : i32
      %broadcast_in_dim3A = arith.constant 0.000000e+00 : f32
      %broadcast_in_dim3A_36 = vector.broadcast %broadcast_in_dim3A : f32 to vector<16xf32>
      %swap3A = arith.index_cast %add3A_35 : i32 to index
      %swap3A_37 = arith.constant 0 : index
      %swap3A_38 = tpu.vector_load %arg7[%swap3A, %swap3A_37] {strides = array<i32>} : memref<64x128xf32, #tpu.memory_space<vmem>>, vector<1x16xf32>,
      %swap3A_39 = vector.shape_cast %swap3A_38 : vector<1x16xf32> to vector<16xf32>
      %swap3A_40 = vector.shape_cast %broadcast_in_dim3A_36 : vector<16xf32> to vector<1x16xf32>
      tpu.vector_store %arg7[%swap3A, %swap3A_37], %swap3A_40 {strides = array<i32>} : memref<64x128xf32, #tpu.memory_space<vmem>>, vector<1x16xf32>,
      %broadcast_in_dim3A_41 = arith.constant 0.000000e+00 : f32
      %broadcast_in_dim3A_42 = vector.broadcast %broadcast_in_dim3A_41 : f32 to vector<16xf32>
      %swap3A_43 = arith.index_cast %add3A_35 : i32 to index
      %swap3A_44 = arith.constant 16 : index
      %swap3A_45 = tpu.vector_load %arg7[%swap3A_43, %swap3A_44] {strides = array<i32>} : memref<64x128xf32, #tpu.memory_space<vmem>>, vector<1x16xf32>,
      %swap3A_46 = vector.shape_cast %swap3A_45 : vector<1x16xf32> to vector<16xf32>
      %swap3A_47 = vector.shape_cast %broadcast_in_dim3A_42 : vector<16xf32> to vector<1x16xf32>
      tpu.vector_store %arg7[%swap3A_43, %swap3A_44], %swap3A_47 {strides = array<i32>} : memref<64x128xf32, #tpu.memory_space<vmem>>, vector<1x16xf32>,
      %broadcast_in_dim3A_48 = arith.constant 0.000000e+00 : f32
      %broadcast_in_dim3A_49 = vector.broadcast %broadcast_in_dim3A_48 : f32 to vector<16xf32>
      %swap3A_50 = arith.index_cast %add3A_35 : i32 to index
      %swap3A_51 = arith.constant 32 : index
      %swap3A_52 = tpu.vector_load %arg7[%swap3A_50, %swap3A_51] {strides = array<i32>} : memref<64x128xf32, #tpu.memory_space<vmem>>, vector<1x16xf32>,
      %swap3A_53 = vector.shape_cast %swap3A_52 : vector<1x16xf32> to vector<16xf32>
      %swap3A_54 = vector.shape_cast %broadcast_in_dim3A_49 : vector<16xf32> to vector<1x16xf32>
      tpu.vector_store %arg7[%swap3A_50, %swap3A_51], %swap3A_54 {strides = array<i32>} : memref<64x128xf32, #tpu.memory_space<vmem>>, vector<1x16xf32>,
      %broadcast_in_dim3A_55 = arith.constant 0.000000e+00 : f32
      %broadcast_in_dim3A_56 = vector.broadcast %broadcast_in_dim3A_55 : f32 to vector<16xf32>
      %swap3A_57 = arith.index_cast %add3A_35 : i32 to index
      %swap3A_58 = arith.constant 48 : index
      %swap3A_59 = tpu.vector_load %arg7[%swap3A_57, %swap3A_58] {strides = array<i32>} : memref<64x128xf32, #tpu.memory_space<vmem>>, vector<1x16xf32>,
      %swap3A_60 = vector.shape_cast %swap3A_59 : vector<1x16xf32> to vector<16xf32>
      %swap3A_61 = vector.shape_cast %broadcast_in_dim3A_56 : vector<16xf32> to vector<1x16xf32>
      tpu.vector_store %arg7[%swap3A_57, %swap3A_58], %swap3A_61 {strides = array<i32>} : memref<64x128xf32, #tpu.memory_space<vmem>>, vector<1x16xf32>,
      %broadcast_in_dim3A_62 = arith.constant 0.000000e+00 : f32
      %broadcast_in_dim3A_63 = vector.broadcast %broadcast_in_dim3A_62 : f32 to vector<16xf32>
      %swap3A_64 = arith.index_cast %add3A_35 : i32 to index
      %swap3A_65 = arith.constant 64 : index
      %swap3A_66 = tpu.vector_load %arg7[%swap3A_64, %swap3A_65] {strides = array<i32>} : memref<64x128xf32, #tpu.memory_space<vmem>>, vector<1x16xf32>,
      %swap3A_67 = vector.shape_cast %swap3A_66 : vector<1x16xf32> to vector<16xf32>
      %swap3A_68 = vector.shape_cast %broadcast_in_dim3A_63 : vector<16xf32> to vector<1x16xf32>
      tpu.vector_store %arg7[%swap3A_64, %swap3A_65], %swap3A_68 {strides = array<i32>} : memref<64x128xf32, #tpu.memory_space<vmem>>, vector<1x16xf32>,
      %broadcast_in_dim3A_69 = arith.constant 0.000000e+00 : f32
      %broadcast_in_dim3A_70 = vector.broadcast %broadcast_in_dim3A_69 : f32 to vector<16xf32>
      %swap3A_71 = arith.index_cast %add3A_35 : i32 to index
      %swap3A_72 = arith.constant 80 : index
      %swap3A_73 = tpu.vector_load %arg7[%swap3A_71, %swap3A_72] {strides = array<i32>} : memref<64x128xf32, #tpu.memory_space<vmem>>, vector<1x16xf32>,
      %swap3A_74 = vector.shape_cast %swap3A_73 : vector<1x16xf32> to vector<16xf32>
      %swap3A_75 = vector.shape_cast %broadcast_in_dim3A_70 : vector<16xf32> to vector<1x16xf32>
      tpu.vector_store %arg7[%swap3A_71, %swap3A_72], %swap3A_75 {strides = array<i32>} : memref<64x128xf32, #tpu.memory_space<vmem>>, vector<1x16xf32>,
      %broadcast_in_dim3A_76 = arith.constant 0.000000e+00 : f32
      %broadcast_in_dim3A_77 = vector.broadcast %broadcast_in_dim3A_76 : f32 to vector<16xf32>
      %swap3A_78 = arith.index_cast %add3A_35 : i32 to index
      %swap3A_79 = arith.constant 96 : index
      %swap3A_80 = tpu.vector_load %arg7[%swap3A_78, %swap3A_79] {strides = array<i32>} : memref<64x128xf32, #tpu.memory_space<vmem>>, vector<1x16xf32>,
      %swap3A_81 = vector.shape_cast %swap3A_80 : vector<1x16xf32> to vector<16xf32>
      %swap3A_82 = vector.shape_cast %broadcast_in_dim3A_77 : vector<16xf32> to vector<1x16xf32>
      tpu.vector_store %arg7[%swap3A_78, %swap3A_79], %swap3A_82 {strides = array<i32>} : memref<64x128xf32, #tpu.memory_space<vmem>>, vector<1x16xf32>,
      %broadcast_in_dim3A_83 = arith.constant 0.000000e+00 : f32
      %broadcast_in_dim3A_84 = vector.broadcast %broadcast_in_dim3A_83 : f32 to vector<16xf32>
      %swap3A_85 = arith.index_cast %add3A_35 : i32 to index
      %swap3A_86 = arith.constant 112 : index
      %swap3A_87 = tpu.vector_load %arg7[%swap3A_85, %swap3A_86] {strides = array<i32>} : memref<64x128xf32, #tpu.memory_space<vmem>>, vector<1x16xf32>,
      %swap3A_88 = vector.shape_cast %swap3A_87 : vector<1x16xf32> to vector<16xf32>
      %swap3A_89 = vector.shape_cast %broadcast_in_dim3A_84 : vector<16xf32> to vector<1x16xf32>
      tpu.vector_store %arg7[%swap3A_85, %swap3A_86], %swap3A_89 {strides = array<i32>} : memref<64x128xf32, #tpu.memory_space<vmem>>, vector<1x16xf32>,
    }
    %scan3A_4 = arith.constant 64 : i32
    %scan3A_5 = arith.constant 0 : i32
    %scan3A_6 = arith.constant 10 : i32
    %scan3A_7 = arith.addi %scan3A_5, %scan3A_6 : i32
    %scan3A_8 = arith.constant 1 : i32
    scf.for %scan3A_31 = %scan3A_5 to %scan3A_7 step %scan3A_8  : i32 {
      %mul3A_32 = arith.constant 1 : i32
      %mul3A_33 = arith.muli %scan3A_31, %mul3A_32 : i32
      %add3A_34 = arith.constant 0 : i32
      %add3A_35 = arith.addi %add3A_34, %mul3A_33 : i32
      %mul3A_36 = arith.constant 640 : i32
      %mul3A_37 = arith.muli %arg1, %mul3A_36 : i32
      %mul3A_38 = arith.constant 64 : i32
      %mul3A_39 = arith.muli %add3A_35, %mul3A_38 : i32
      %add3A_40 = arith.addi %mul3A_37, %mul3A_39 : i32
      "tpu.region"() ({
        %run_scoped3A = tpu.sem_alloc : memref<!tpu.dma_semaphore, #tpu.memory_space<semaphore_mem>>
        %dma_start3A = arith.constant 0 : i32
        %dma_start3A_41 = tpu.memref_slice %arg8[%add3A_40, %dma_start3A] : memref<10240x128xf32, #tpu.memory_space<vmem_shared>> -> memref<64x128xf32, #tpu.memory_space<vmem_shared>>
        %dma_start3A_42 = arith.constant 0 : i32
        %dma_start3A_43 = tpu.memref_slice %arg8[%add3A_40, %dma_start3A_42] : memref<10240x128xf32, #tpu.memory_space<vmem_shared>> -> memref<64x128xf32, #tpu.memory_space<vmem_shared>>
        tpu.enqueue_dma source(%arg7 : memref<64x128xf32, #tpu.memory_space<vmem>>) target(%dma_start3A_43 : memref<64x128xf32, #tpu.memory_space<vmem_shared>>) target_semaphore(%run_scoped3A : memref<!tpu.dma_semaphore, #tpu.memory_space<semaphore_mem>>)
        %dma_wait3A = arith.constant 0 : i32
        %dma_wait3A_44 = tpu.memref_slice %arg8[%add3A_40, %dma_wait3A] : memref<10240x128xf32, #tpu.memory_space<vmem_shared>> -> memref<64x128xf32, #tpu.memory_space<vmem_shared>>
        %dma_wait3A_45 = arith.constant 0 : i32
        %dma_wait3A_46 = tpu.memref_slice %arg8[%add3A_40, %dma_wait3A_45] : memref<10240x128xf32, #tpu.memory_space<vmem_shared>> -> memref<64x128xf32, #tpu.memory_space<vmem_shared>>
        tpu.wait_dma2 semaphore(%run_scoped3A : memref<!tpu.dma_semaphore, #tpu.memory_space<semaphore_mem>>) src(%arg7 : memref<64x128xf32, #tpu.memory_space<vmem>>) dst(%dma_wait3A_46 : memref<64x128xf32, #tpu.memory_space<vmem_shared>>)
        tpu.yield
      }) : () -> ()
    }
    %scan3A_9 = arith.constant 10 : i32
    %barrier3A = arith.constant 0 : index
    tpu.barrier barrier_id(%barrier3A)
    %sub3A = arith.constant 2500 : i32
    %sub3A_10 = arith.subi %sub3A, %add3A : i32
    %sub3A_11 = arith.constant 32 : i32
    %sub3A_12 = arith.constant 1 : i32
    %sub3A_13 = arith.subi %sub3A_11, %sub3A_12 : i32
    %add3A_14 = arith.addi %sub3A_10, %sub3A_13 : i32
    %div3A = arith.constant 32 : i32
    %div3A_15 = arith.divsi %add3A_14, %div3A : i32
    %while3A = arith.constant 32 : i32
    %while3A_16 = arith.constant 0 : i32
    %while3A_17 = arith.subi %div3A_15, %while3A_16 : i32
    %while3A_18 = arith.addi %while3A_16, %while3A_17 : i32
    %while3A_19 = arith.constant 1 : i32
    %while3A_20 = arith.divsi %while3A_17, %while3A_19 : i32
    %while3A_21 = arith.muli %while3A_20, %while3A_19 : i32
    %while3A_22 = arith.addi %while3A_16, %while3A_21 : i32
    %while3A_23 = arith.constant 1 : i32
    scf.for %while3A_31 = %while3A_16 to %while3A_22 step %while3A_23  : i32 {
      %mul3A_32 = arith.muli %while3A_31, %while3A : i32
      %add3A_33 = arith.addi %add3A, %mul3A_32 : i32
      "tpu.region"() ({
        %run_scoped3A_35 = tpu.sem_alloc : memref<!tpu.dma_semaphore, #tpu.memory_space<semaphore_mem>>
        %dma_start3A = arith.constant 0 : i32
        %dma_start3A_36 = arith.constant 0 : i32
        %dma_start3A_37 = tpu.memref_slice %arg3[%add3A_33, %dma_start3A, %dma_start3A_36] : memref<2500x2x128xi32, #tpu.memory_space<hbm>> -> memref<1x2x128xi32, #tpu.memory_space<hbm>>
        %dma_start3A_38 = tpu.memref_squeeze %dma_start3A_37 : memref<1x2x128xi32, #tpu.memory_space<hbm>> -> memref<2x128xi32, #tpu.memory_space<hbm>>
        %dma_start3A_39 = arith.constant 0 : i32
        %dma_start3A_40 = arith.constant 0 : i32
        %dma_start3A_41 = tpu.memref_slice %arg3[%add3A_33, %dma_start3A_39, %dma_start3A_40] : memref<2500x2x128xi32, #tpu.memory_space<hbm>> -> memref<1x2x128xi32, #tpu.memory_space<hbm>>
        %dma_start3A_42 = tpu.memref_squeeze %dma_start3A_41 : memref<1x2x128xi32, #tpu.memory_space<hbm>> -> memref<2x128xi32, #tpu.memory_space<hbm>>
        tpu.enqueue_dma source(%dma_start3A_42 : memref<2x128xi32, #tpu.memory_space<hbm>>) target(%arg5 : memref<2x128xi32, #tpu.memory_space<vmem>>) target_semaphore(%run_scoped3A_35 : memref<!tpu.dma_semaphore, #tpu.memory_space<semaphore_mem>>)
        %dma_wait3A = arith.constant 0 : i32
        %dma_wait3A_43 = arith.constant 0 : i32
        %dma_wait3A_44 = tpu.memref_slice %arg3[%add3A_33, %dma_wait3A, %dma_wait3A_43] : memref<2500x2x128xi32, #tpu.memory_space<hbm>> -> memref<1x2x128xi32, #tpu.memory_space<hbm>>
        %dma_wait3A_45 = tpu.memref_squeeze %dma_wait3A_44 : memref<1x2x128xi32, #tpu.memory_space<hbm>> -> memref<2x128xi32, #tpu.memory_space<hbm>>
        %dma_wait3A_46 = arith.constant 0 : i32
        %dma_wait3A_47 = arith.constant 0 : i32
        %dma_wait3A_48 = tpu.memref_slice %arg3[%add3A_33, %dma_wait3A_46, %dma_wait3A_47] : memref<2500x2x128xi32, #tpu.memory_space<hbm>> -> memref<1x2x128xi32, #tpu.memory_space<hbm>>
        %dma_wait3A_49 = tpu.memref_squeeze %dma_wait3A_48 : memref<1x2x128xi32, #tpu.memory_space<hbm>> -> memref<2x128xi32, #tpu.memory_space<hbm>>
        tpu.wait_dma2 semaphore(%run_scoped3A_35 : memref<!tpu.dma_semaphore, #tpu.memory_space<semaphore_mem>>) src(%dma_wait3A_49 : memref<2x128xi32, #tpu.memory_space<hbm>>) dst(%arg5 : memref<2x128xi32, #tpu.memory_space<vmem>>)
        tpu.yield
      }) : () -> ()
      %run_scoped3A = arith.constant 0 : i32
      "tpu.region"() ({
        %run_scoped3A_35 = tpu.sem_alloc : memref<!tpu.dma_semaphore, #tpu.memory_space<semaphore_mem>>
        %dma_start3A = arith.constant 0 : i32
        %dma_start3A_36 = tpu.memref_slice %arg5[%run_scoped3A, %dma_start3A] : memref<2x128xi32, #tpu.memory_space<vmem>> -> memref<1x128xi32, #tpu.memory_space<vmem>>
        %dma_start3A_37 = tpu.memref_squeeze %dma_start3A_36 : memref<1x128xi32, #tpu.memory_space<vmem>> -> memref<128xi32, #tpu.memory_space<vmem>>
        %dma_start3A_38 = arith.constant 0 : i32
        %dma_start3A_39 = arith.constant 0 : i32
        %dma_start3A_40 = tpu.memref_slice %arg2[%dma_start3A_38, %dma_start3A_39] : memref<10240x128xf32, #tpu.memory_space<hbm>> -> memref<10240x128xf32, #tpu.memory_space<hbm>>
        tpu.enqueue_indirect_dma source(%dma_start3A_40 : memref<10240x128xf32, #tpu.memory_space<hbm>>) target(%arg6 : memref<128x128xf32, #tpu.memory_space<vmem>>) offsets(%dma_start3A_37 : memref<128xi32, #tpu.memory_space<vmem>>) semaphore(%run_scoped3A_35 : memref<!tpu.dma_semaphore, #tpu.memory_space<semaphore_mem>>)
        %dma_wait3A = arith.constant 0 : i32
        %dma_wait3A_41 = tpu.memref_slice %arg5[%run_scoped3A, %dma_wait3A] : memref<2x128xi32, #tpu.memory_space<vmem>> -> memref<1x128xi32, #tpu.memory_space<vmem>>
        %dma_wait3A_42 = tpu.memref_squeeze %dma_wait3A_41 : memref<1x128xi32, #tpu.memory_space<vmem>> -> memref<128xi32, #tpu.memory_space<vmem>>
        %dma_wait3A_43 = arith.constant 0 : i32
        %dma_wait3A_44 = arith.constant 0 : i32
        %dma_wait3A_45 = tpu.memref_slice %arg2[%dma_wait3A_43, %dma_wait3A_44] : memref<10240x128xf32, #tpu.memory_space<hbm>> -> memref<10240x128xf32, #tpu.memory_space<hbm>>
        tpu.wait_indirect_dma semaphore(%run_scoped3A_35 : memref<!tpu.dma_semaphore, #tpu.memory_space<semaphore_mem>>) src(%dma_wait3A_45 : memref<10240x128xf32, #tpu.memory_space<hbm>>) dst(%arg6 : memref<128x128xf32, #tpu.memory_space<vmem>>)
        tpu.yield
      }) : () -> ()
      %run_scoped3A_34 = arith.constant 1 : i32
      "tpu.region"() ({
        %run_scoped3A_35 = tpu.sem_alloc : memref<!tpu.dma_semaphore, #tpu.memory_space<semaphore_mem>>
        %dma_start3A = arith.constant 0 : i32
        %dma_start3A_36 = tpu.memref_slice %arg5[%run_scoped3A_34, %dma_start3A] : memref<2x128xi32, #tpu.memory_space<vmem>> -> memref<1x128xi32, #tpu.memory_space<vmem>>
        %dma_start3A_37 = tpu.memref_squeeze %dma_start3A_36 : memref<1x128xi32, #tpu.memory_space<vmem>> -> memref<128xi32, #tpu.memory_space<vmem>>
        %dma_start3A_38 = arith.constant 0 : i32
        %dma_start3A_39 = arith.constant 0 : i32
        %dma_start3A_40 = tpu.memref_slice %arg8[%dma_start3A_38, %dma_start3A_39] : memref<10240x128xf32, #tpu.memory_space<vmem_shared>> -> memref<10240x128xf32, #tpu.memory_space<vmem_shared>>
        tpu.enqueue_indirect_dma source(%arg6 : memref<128x128xf32, #tpu.memory_space<vmem>>) target(%dma_start3A_40 : memref<10240x128xf32, #tpu.memory_space<vmem_shared>>) offsets(%dma_start3A_37 : memref<128xi32, #tpu.memory_space<vmem>>) semaphore(%run_scoped3A_35 : memref<!tpu.dma_semaphore, #tpu.memory_space<semaphore_mem>>) {add = true}
        %dma_wait3A = arith.constant 0 : i32
        %dma_wait3A_41 = tpu.memref_slice %arg5[%run_scoped3A_34, %dma_wait3A] : memref<2x128xi32, #tpu.memory_space<vmem>> -> memref<1x128xi32, #tpu.memory_space<vmem>>
        %dma_wait3A_42 = tpu.memref_squeeze %dma_wait3A_41 : memref<1x128xi32, #tpu.memory_space<vmem>> -> memref<128xi32, #tpu.memory_space<vmem>>
        %dma_wait3A_43 = arith.constant 0 : i32
        %dma_wait3A_44 = arith.constant 0 : i32
        %dma_wait3A_45 = tpu.memref_slice %arg8[%dma_wait3A_43, %dma_wait3A_44] : memref<10240x128xf32, #tpu.memory_space<vmem_shared>> -> memref<10240x128xf32, #tpu.memory_space<vmem_shared>>
        tpu.wait_indirect_dma semaphore(%run_scoped3A_35 : memref<!tpu.dma_semaphore, #tpu.memory_space<semaphore_mem>>) src(%arg6 : memref<128x128xf32, #tpu.memory_space<vmem>>) dst(%dma_wait3A_45 : memref<10240x128xf32, #tpu.memory_space<vmem_shared>>)
        tpu.yield
      }) : () -> ()
    }
    %while3A_24 = arith.constant 1 : i32
    scf.for %while3A_31 = %while3A_22 to %while3A_18 step %while3A_24  : i32 {
      %mul3A_32 = arith.muli %while3A_31, %while3A : i32
      %add3A_33 = arith.addi %add3A, %mul3A_32 : i32
      "tpu.region"() ({
        %run_scoped3A_35 = tpu.sem_alloc : memref<!tpu.dma_semaphore, #tpu.memory_space<semaphore_mem>>
        %dma_start3A = arith.constant 0 : i32
        %dma_start3A_36 = arith.constant 0 : i32
        %dma_start3A_37 = tpu.memref_slice %arg3[%add3A_33, %dma_start3A, %dma_start3A_36] : memref<2500x2x128xi32, #tpu.memory_space<hbm>> -> memref<1x2x128xi32, #tpu.memory_space<hbm>>
        %dma_start3A_38 = tpu.memref_squeeze %dma_start3A_37 : memref<1x2x128xi32, #tpu.memory_space<hbm>> -> memref<2x128xi32, #tpu.memory_space<hbm>>
        %dma_start3A_39 = arith.constant 0 : i32
        %dma_start3A_40 = arith.constant 0 : i32
        %dma_start3A_41 = tpu.memref_slice %arg3[%add3A_33, %dma_start3A_39, %dma_start3A_40] : memref<2500x2x128xi32, #tpu.memory_space<hbm>> -> memref<1x2x128xi32, #tpu.memory_space<hbm>>
        %dma_start3A_42 = tpu.memref_squeeze %dma_start3A_41 : memref<1x2x128xi32, #tpu.memory_space<hbm>> -> memref<2x128xi32, #tpu.memory_space<hbm>>
        tpu.enqueue_dma source(%dma_start3A_42 : memref<2x128xi32, #tpu.memory_space<hbm>>) target(%arg5 : memref<2x128xi32, #tpu.memory_space<vmem>>) target_semaphore(%run_scoped3A_35 : memref<!tpu.dma_semaphore, #tpu.memory_space<semaphore_mem>>)
        %dma_wait3A = arith.constant 0 : i32
        %dma_wait3A_43 = arith.constant 0 : i32
        %dma_wait3A_44 = tpu.memref_slice %arg3[%add3A_33, %dma_wait3A, %dma_wait3A_43] : memref<2500x2x128xi32, #tpu.memory_space<hbm>> -> memref<1x2x128xi32, #tpu.memory_space<hbm>>
        %dma_wait3A_45 = tpu.memref_squeeze %dma_wait3A_44 : memref<1x2x128xi32, #tpu.memory_space<hbm>> -> memref<2x128xi32, #tpu.memory_space<hbm>>
        %dma_wait3A_46 = arith.constant 0 : i32
        %dma_wait3A_47 = arith.constant 0 : i32
        %dma_wait3A_48 = tpu.memref_slice %arg3[%add3A_33, %dma_wait3A_46, %dma_wait3A_47] : memref<2500x2x128xi32, #tpu.memory_space<hbm>> -> memref<1x2x128xi32, #tpu.memory_space<hbm>>
        %dma_wait3A_49 = tpu.memref_squeeze %dma_wait3A_48 : memref<1x2x128xi32, #tpu.memory_space<hbm>> -> memref<2x128xi32, #tpu.memory_space<hbm>>
        tpu.wait_dma2 semaphore(%run_scoped3A_35 : memref<!tpu.dma_semaphore, #tpu.memory_space<semaphore_mem>>) src(%dma_wait3A_49 : memref<2x128xi32, #tpu.memory_space<hbm>>) dst(%arg5 : memref<2x128xi32, #tpu.memory_space<vmem>>)
        tpu.yield
      }) : () -> ()
      %run_scoped3A = arith.constant 0 : i32
      "tpu.region"() ({
        %run_scoped3A_35 = tpu.sem_alloc : memref<!tpu.dma_semaphore, #tpu.memory_space<semaphore_mem>>
        %dma_start3A = arith.constant 0 : i32
        %dma_start3A_36 = tpu.memref_slice %arg5[%run_scoped3A, %dma_start3A] : memref<2x128xi32, #tpu.memory_space<vmem>> -> memref<1x128xi32, #tpu.memory_space<vmem>>
        %dma_start3A_37 = tpu.memref_squeeze %dma_start3A_36 : memref<1x128xi32, #tpu.memory_space<vmem>> -> memref<128xi32, #tpu.memory_space<vmem>>
        %dma_start3A_38 = arith.constant 0 : i32
        %dma_start3A_39 = arith.constant 0 : i32
        %dma_start3A_40 = tpu.memref_slice %arg2[%dma_start3A_38, %dma_start3A_39] : memref<10240x128xf32, #tpu.memory_space<hbm>> -> memref<10240x128xf32, #tpu.memory_space<hbm>>
        tpu.enqueue_indirect_dma source(%dma_start3A_40 : memref<10240x128xf32, #tpu.memory_space<hbm>>) target(%arg6 : memref<128x128xf32, #tpu.memory_space<vmem>>) offsets(%dma_start3A_37 : memref<128xi32, #tpu.memory_space<vmem>>) semaphore(%run_scoped3A_35 : memref<!tpu.dma_semaphore, #tpu.memory_space<semaphore_mem>>)
        %dma_wait3A = arith.constant 0 : i32
        %dma_wait3A_41 = tpu.memref_slice %arg5[%run_scoped3A, %dma_wait3A] : memref<2x128xi32, #tpu.memory_space<vmem>> -> memref<1x128xi32, #tpu.memory_space<vmem>>
        %dma_wait3A_42 = tpu.memref_squeeze %dma_wait3A_41 : memref<1x128xi32, #tpu.memory_space<vmem>> -> memref<128xi32, #tpu.memory_space<vmem>>
        %dma_wait3A_43 = arith.constant 0 : i32
        %dma_wait3A_44 = arith.constant 0 : i32
        %dma_wait3A_45 = tpu.memref_slice %arg2[%dma_wait3A_43, %dma_wait3A_44] : memref<10240x128xf32, #tpu.memory_space<hbm>> -> memref<10240x128xf32, #tpu.memory_space<hbm>>
        tpu.wait_indirect_dma semaphore(%run_scoped3A_35 : memref<!tpu.dma_semaphore, #tpu.memory_space<semaphore_mem>>) src(%dma_wait3A_45 : memref<10240x128xf32, #tpu.memory_space<hbm>>) dst(%arg6 : memref<128x128xf32, #tpu.memory_space<vmem>>)
        tpu.yield
      }) : () -> ()
      %run_scoped3A_34 = arith.constant 1 : i32
      "tpu.region"() ({
        %run_scoped3A_35 = tpu.sem_alloc : memref<!tpu.dma_semaphore, #tpu.memory_space<semaphore_mem>>
        %dma_start3A = arith.constant 0 : i32
        %dma_start3A_36 = tpu.memref_slice %arg5[%run_scoped3A_34, %dma_start3A] : memref<2x128xi32, #tpu.memory_space<vmem>> -> memref<1x128xi32, #tpu.memory_space<vmem>>
        %dma_start3A_37 = tpu.memref_squeeze %dma_start3A_36 : memref<1x128xi32, #tpu.memory_space<vmem>> -> memref<128xi32, #tpu.memory_space<vmem>>
        %dma_start3A_38 = arith.constant 0 : i32
        %dma_start3A_39 = arith.constant 0 : i32
        %dma_start3A_40 = tpu.memref_slice %arg8[%dma_start3A_38, %dma_start3A_39] : memref<10240x128xf32, #tpu.memory_space<vmem_shared>> -> memref<10240x128xf32, #tpu.memory_space<vmem_shared>>
        tpu.enqueue_indirect_dma source(%arg6 : memref<128x128xf32, #tpu.memory_space<vmem>>) target(%dma_start3A_40 : memref<10240x128xf32, #tpu.memory_space<vmem_shared>>) offsets(%dma_start3A_37 : memref<128xi32, #tpu.memory_space<vmem>>) semaphore(%run_scoped3A_35 : memref<!tpu.dma_semaphore, #tpu.memory_space<semaphore_mem>>) {add = true}
        %dma_wait3A = arith.constant 0 : i32
        %dma_wait3A_41 = tpu.memref_slice %arg5[%run_scoped3A_34, %dma_wait3A] : memref<2x128xi32, #tpu.memory_space<vmem>> -> memref<1x128xi32, #tpu.memory_space<vmem>>
        %dma_wait3A_42 = tpu.memref_squeeze %dma_wait3A_41 : memref<1x128xi32, #tpu.memory_space<vmem>> -> memref<128xi32, #tpu.memory_space<vmem>>
        %dma_wait3A_43 = arith.constant 0 : i32
        %dma_wait3A_44 = arith.constant 0 : i32
        %dma_wait3A_45 = tpu.memref_slice %arg8[%dma_wait3A_43, %dma_wait3A_44] : memref<10240x128xf32, #tpu.memory_space<vmem_shared>> -> memref<10240x128xf32, #tpu.memory_space<vmem_shared>>
        tpu.wait_indirect_dma semaphore(%run_scoped3A_35 : memref<!tpu.dma_semaphore, #tpu.memory_space<semaphore_mem>>) src(%arg6 : memref<128x128xf32, #tpu.memory_space<vmem>>) dst(%dma_wait3A_45 : memref<10240x128xf32, #tpu.memory_space<vmem_shared>>)
        tpu.yield
      }) : () -> ()
    }
    %barrier3A_25 = arith.constant 0 : index
    tpu.barrier barrier_id(%barrier3A_25)
    %scan3A_26 = arith.constant 0 : i32
    %scan3A_27 = arith.constant 10 : i32
    %scan3A_28 = arith.addi %scan3A_26, %scan3A_27 : i32
    %scan3A_29 = arith.constant 1 : i32
    scf.for %scan3A_31 = %scan3A_26 to %scan3A_28 step %scan3A_29  : i32 {
      %mul3A_32 = arith.constant 1 : i32
      %mul3A_33 = arith.muli %scan3A_31, %mul3A_32 : i32
      %add3A_34 = arith.constant 0 : i32
      %add3A_35 = arith.addi %add3A_34, %mul3A_33 : i32
      %mul3A_36 = arith.constant 640 : i32
      %mul3A_37 = arith.muli %arg1, %mul3A_36 : i32
      %mul3A_38 = arith.constant 64 : i32
      %mul3A_39 = arith.muli %add3A_35, %mul3A_38 : i32
      %add3A_40 = arith.addi %mul3A_37, %mul3A_39 : i32
      "tpu.region"() ({
        %run_scoped3A = tpu.sem_alloc : memref<!tpu.dma_semaphore, #tpu.memory_space<semaphore_mem>>
        %dma_start3A = arith.constant 0 : i32
        %dma_start3A_46 = tpu.memref_slice %arg8[%add3A_40, %dma_start3A] : memref<10240x128xf32, #tpu.memory_space<vmem_shared>> -> memref<64x128xf32, #tpu.memory_space<vmem_shared>>
        %dma_start3A_47 = arith.constant 0 : i32
        %dma_start3A_48 = tpu.memref_slice %arg8[%add3A_40, %dma_start3A_47] : memref<10240x128xf32, #tpu.memory_space<vmem_shared>> -> memref<64x128xf32, #tpu.memory_space<vmem_shared>>
        tpu.enqueue_dma source(%dma_start3A_48 : memref<64x128xf32, #tpu.memory_space<vmem_shared>>) target(%arg7 : memref<64x128xf32, #tpu.memory_space<vmem>>) target_semaphore(%run_scoped3A : memref<!tpu.dma_semaphore, #tpu.memory_space<semaphore_mem>>)
        %dma_wait3A = arith.constant 0 : i32
        %dma_wait3A_49 = tpu.memref_slice %arg8[%add3A_40, %dma_wait3A] : memref<10240x128xf32, #tpu.memory_space<vmem_shared>> -> memref<64x128xf32, #tpu.memory_space<vmem_shared>>
        %dma_wait3A_50 = arith.constant 0 : i32
        %dma_wait3A_51 = tpu.memref_slice %arg8[%add3A_40, %dma_wait3A_50] : memref<10240x128xf32, #tpu.memory_space<vmem_shared>> -> memref<64x128xf32, #tpu.memory_space<vmem_shared>>
        tpu.wait_dma2 semaphore(%run_scoped3A : memref<!tpu.dma_semaphore, #tpu.memory_space<semaphore_mem>>) src(%dma_wait3A_51 : memref<64x128xf32, #tpu.memory_space<vmem_shared>>) dst(%arg7 : memref<64x128xf32, #tpu.memory_space<vmem>>)
        tpu.yield
      }) : () -> ()
      %mul3A_41 = arith.constant 640 : i32
      %mul3A_42 = arith.muli %arg1, %mul3A_41 : i32
      %mul3A_43 = arith.constant 64 : i32
      %mul3A_44 = arith.muli %add3A_35, %mul3A_43 : i32
      %add3A_45 = arith.addi %mul3A_42, %mul3A_44 : i32
      "tpu.region"() ({
        %run_scoped3A = tpu.sem_alloc : memref<!tpu.dma_semaphore, #tpu.memory_space<semaphore_mem>>
        %dma_start3A = arith.constant 0 : i32
        %dma_start3A_46 = tpu.memref_slice %arg4[%arg0, %add3A_45, %dma_start3A] : memref<2x10240x128xf32, #tpu.memory_space<hbm>> -> memref<1x64x128xf32, #tpu.memory_space<hbm>>
        %dma_start3A_47 = tpu.memref_squeeze %dma_start3A_46 : memref<1x64x128xf32, #tpu.memory_space<hbm>> -> memref<64x128xf32, #tpu.memory_space<hbm>>
        %dma_start3A_48 = arith.constant 0 : i32
        %dma_start3A_49 = tpu.memref_slice %arg4[%arg0, %add3A_45, %dma_start3A_48] : memref<2x10240x128xf32, #tpu.memory_space<hbm>> -> memref<1x64x128xf32, #tpu.memory_space<hbm>>
        %dma_start3A_50 = tpu.memref_squeeze %dma_start3A_49 : memref<1x64x128xf32, #tpu.memory_space<hbm>> -> memref<64x128xf32, #tpu.memory_space<hbm>>
        tpu.enqueue_dma source(%arg7 : memref<64x128xf32, #tpu.memory_space<vmem>>) target(%dma_start3A_50 : memref<64x128xf32, #tpu.memory_space<hbm>>) target_semaphore(%run_scoped3A : memref<!tpu.dma_semaphore, #tpu.memory_space<semaphore_mem>>)
        %dma_wait3A = arith.constant 0 : i32
        %dma_wait3A_51 = tpu.memref_slice %arg4[%arg0, %add3A_45, %dma_wait3A] : memref<2x10240x128xf32, #tpu.memory_space<hbm>> -> memref<1x64x128xf32, #tpu.memory_space<hbm>>
        %dma_wait3A_52 = tpu.memref_squeeze %dma_wait3A_51 : memref<1x64x128xf32, #tpu.memory_space<hbm>> -> memref<64x128xf32, #tpu.memory_space<hbm>>
        %dma_wait3A_53 = arith.constant 0 : i32
        %dma_wait3A_54 = tpu.memref_slice %arg4[%arg0, %add3A_45, %dma_wait3A_53] : memref<2x10240x128xf32, #tpu.memory_space<hbm>> -> memref<1x64x128xf32, #tpu.memory_space<hbm>>
        %dma_wait3A_55 = tpu.memref_squeeze %dma_wait3A_54 : memref<1x64x128xf32, #tpu.memory_space<hbm>> -> memref<64x128xf32, #tpu.memory_space<hbm>>
        tpu.wait_dma2 semaphore(%run_scoped3A : memref<!tpu.dma_semaphore, #tpu.memory_space<semaphore_mem>>) src(%arg7 : memref<64x128xf32, #tpu.memory_space<vmem>>) dst(%dma_wait3A_55 : memref<64x128xf32, #tpu.memory_space<hbm>>)
        tpu.yield
      }) : () -> ()
    }
    %scan3A_30 = arith.constant 10 : i32
    return
  }
}

module attributes {stable_mosaic.version = 14 : i64} {
  func.func @body(%arg0: memref<4x10240xf32, #tpu.memory_space<vmem>>, %arg1: memref<10240x128xf32, #tpu.memory_space<vmem>>, %arg2: memref<10240x128xf32, #tpu.memory_space<vmem>>, %arg3: memref<2x10240xf32, #tpu.memory_space<vmem>>) attributes {dimension_semantics = [], scalar_prefetch = 0 : i64, scratch_operands = 0 : i64, tpu.core_type = #tpu.core_type<tc>} {
    %get3A = arith.constant 0 : index
    %get3A_0 = arith.constant 0 : index
    %get3A_1 = vector.load %arg0[%get3A, %get3A_0] : memref<4x10240xf32, #tpu.memory_space<vmem>>, vector<1x10240xf32>
    %get3A_2 = vector.shape_cast %get3A_1 : vector<1x10240xf32> to vector<10240xf32>
    %get3A_3 = arith.constant 1 : index
    %get3A_4 = arith.constant 0 : index
    %get3A_5 = vector.load %arg0[%get3A_3, %get3A_4] : memref<4x10240xf32, #tpu.memory_space<vmem>>, vector<1x10240xf32>
    %get3A_6 = vector.shape_cast %get3A_5 : vector<1x10240xf32> to vector<10240xf32>
    %add3A = arith.addf %get3A_2, %get3A_6 : vector<10240xf32>
    %get3A_7 = arith.constant 2 : index
    %get3A_8 = arith.constant 0 : index
    %get3A_9 = vector.load %arg0[%get3A_7, %get3A_8] : memref<4x10240xf32, #tpu.memory_space<vmem>>, vector<1x10240xf32>
    %get3A_10 = vector.shape_cast %get3A_9 : vector<1x10240xf32> to vector<10240xf32>
    %get3A_11 = arith.constant 3 : index
    %get3A_12 = arith.constant 0 : index
    %get3A_13 = vector.load %arg0[%get3A_11, %get3A_12] : memref<4x10240xf32, #tpu.memory_space<vmem>>, vector<1x10240xf32>
    %get3A_14 = vector.shape_cast %get3A_13 : vector<1x10240xf32> to vector<10240xf32>
    %add3A_15 = arith.addf %get3A_10, %get3A_14 : vector<10240xf32>
    %max3A = arith.constant 1.000000e+00 : f32
    %max3A_16 = vector.broadcast %max3A : f32 to vector<10240xf32>
    %max3A_17 = arith.maximumf %add3A, %max3A_16 : vector<10240xf32>
    %rsqrt3A = math.rsqrt %max3A_17 : vector<10240xf32>
    %max3A_18 = arith.constant 1.000000e+00 : f32
    %max3A_19 = vector.broadcast %max3A_18 : f32 to vector<10240xf32>
    %max3A_20 = arith.maximumf %add3A_15, %max3A_19 : vector<10240xf32>
    %rsqrt3A_21 = math.rsqrt %max3A_20 : vector<10240xf32>
    %get3A_22 = arith.constant 0 : index
    %get3A_23 = arith.constant 0 : index
    %get3A_24 = vector.load %arg1[%get3A_22, %get3A_23] : memref<10240x128xf32, #tpu.memory_space<vmem>>, vector<10240x128xf32>
    %broadcast_in_dim3A = vector.shape_cast %rsqrt3A : vector<10240xf32> to vector<10240x1xf32>
    %mul3A = vector.broadcast %broadcast_in_dim3A : vector<10240x1xf32> to vector<10240x128xf32>
    %mul3A_25 = arith.mulf %get3A_24, %mul3A : vector<10240x128xf32>
    %swap3A = arith.constant 0 : index
    %swap3A_26 = arith.constant 0 : index
    %swap3A_27 = vector.load %arg2[%swap3A, %swap3A_26] : memref<10240x128xf32, #tpu.memory_space<vmem>>, vector<10240x128xf32>
    tpu.vector_store %arg2[%swap3A, %swap3A_26], %mul3A_25 {strides = array<i32>} : memref<10240x128xf32, #tpu.memory_space<vmem>>, vector<10240x128xf32>,
    %swap3A_28 = arith.constant 0 : index
    %swap3A_29 = arith.constant 0 : index
    %swap3A_30 = vector.load %arg3[%swap3A_28, %swap3A_29] : memref<2x10240xf32, #tpu.memory_space<vmem>>, vector<1x10240xf32>
    %swap3A_31 = vector.shape_cast %swap3A_30 : vector<1x10240xf32> to vector<10240xf32>
    %swap3A_32 = vector.shape_cast %rsqrt3A : vector<10240xf32> to vector<1x10240xf32>
    tpu.vector_store %arg3[%swap3A_28, %swap3A_29], %swap3A_32 {strides = array<i32>} : memref<2x10240xf32, #tpu.memory_space<vmem>>, vector<1x10240xf32>,
    %swap3A_33 = arith.constant 1 : index
    %swap3A_34 = arith.constant 0 : index
    %swap3A_35 = vector.load %arg3[%swap3A_33, %swap3A_34] : memref<2x10240xf32, #tpu.memory_space<vmem>>, vector<1x10240xf32>
    %swap3A_36 = vector.shape_cast %swap3A_35 : vector<1x10240xf32> to vector<10240xf32>
    %swap3A_37 = vector.shape_cast %rsqrt3A_21 : vector<10240xf32> to vector<1x10240xf32>
    tpu.vector_store %arg3[%swap3A_33, %swap3A_34], %swap3A_37 {strides = array<i32>} : memref<2x10240xf32, #tpu.memory_space<vmem>>, vector<1x10240xf32>,
    return
  }
}

module attributes {stable_mosaic.version = 14 : i64} {
  func.func @body(%arg0: memref<2x10240x128xf32, #tpu.memory_space<vmem>>, %arg1: memref<2x10240xf32, #tpu.memory_space<vmem>>, %arg2: memref<128x128xf32, #tpu.memory_space<vmem>>, %arg3: memref<1x128xf32, #tpu.memory_space<vmem>>, %arg4: memref<10240x128xf32, #tpu.memory_space<vmem>>) attributes {dimension_semantics = [], scalar_prefetch = 0 : i64, scratch_operands = 0 : i64, tpu.core_type = #tpu.core_type<tc>} {
    %get3A = arith.constant 0 : index
    %get3A_0 = arith.constant 0 : index
    %get3A_1 = arith.constant 0 : index
    %get3A_2 = vector.load %arg0[%get3A, %get3A_0, %get3A_1] : memref<2x10240x128xf32, #tpu.memory_space<vmem>>, vector<1x10240x128xf32>
    %get3A_3 = vector.shape_cast %get3A_2 : vector<1x10240x128xf32> to vector<10240x128xf32>
    %get3A_4 = arith.constant 1 : index
    %get3A_5 = arith.constant 0 : index
    %get3A_6 = arith.constant 0 : index
    %get3A_7 = vector.load %arg0[%get3A_4, %get3A_5, %get3A_6] : memref<2x10240x128xf32, #tpu.memory_space<vmem>>, vector<1x10240x128xf32>
    %get3A_8 = vector.shape_cast %get3A_7 : vector<1x10240x128xf32> to vector<10240x128xf32>
    %add3A = arith.addf %get3A_3, %get3A_8 : vector<10240x128xf32>
    %get3A_9 = arith.constant 1 : index
    %get3A_10 = arith.constant 0 : index
    %get3A_11 = vector.load %arg1[%get3A_9, %get3A_10] : memref<2x10240xf32, #tpu.memory_space<vmem>>, vector<1x10240xf32>
    %get3A_12 = vector.shape_cast %get3A_11 : vector<1x10240xf32> to vector<10240xf32>
    %broadcast_in_dim3A = vector.shape_cast %get3A_12 : vector<10240xf32> to vector<10240x1xf32>
    %mul3A = vector.broadcast %broadcast_in_dim3A : vector<10240x1xf32> to vector<10240x128xf32>
    %mul3A_13 = arith.mulf %add3A, %mul3A : vector<10240x128xf32>
    %get3A_14 = arith.constant 0 : index
    %get3A_15 = arith.constant 0 : index
    %get3A_16 = vector.load %arg2[%get3A_14, %get3A_15] : memref<128x128xf32, #tpu.memory_space<vmem>>, vector<128x128xf32>
    %dot_general3A = arith.constant dense<0.000000e+00> : vector<10240x128xf32>
    %dot_general3A_17 = tpu.matmul %mul3A_13, %get3A_16, %dot_general3A {dimension_numbers = #tpu.dot_dimension_numbers<[1], [0], [0], [1], [0, 0, 1, 1], [], []>, precision = #tpu.contract_precision<fp32>, transpose_lhs_hint = false} : vector<10240x128xf32>, vector<128x128xf32>, vector<10240x128xf32> -> vector<10240x128xf32>
    %get3A_18 = arith.constant 0 : index
    %get3A_19 = arith.constant 0 : index
    %get3A_20 = vector.load %arg3[%get3A_18, %get3A_19] : memref<1x128xf32, #tpu.memory_space<vmem>>, vector<1x128xf32>
    %add3A_21 = vector.broadcast %get3A_20 : vector<1x128xf32> to vector<10240x128xf32>
    %add3A_22 = arith.addf %dot_general3A_17, %add3A_21 : vector<10240x128xf32>
    %max3A = arith.constant 0.000000e+00 : f32
    %max3A_23 = vector.broadcast %max3A : f32 to vector<10240x128xf32>
    %max3A_24 = arith.maximumf %add3A_22, %max3A_23 : vector<10240x128xf32>
    %get3A_25 = arith.constant 0 : index
    %get3A_26 = arith.constant 0 : index
    %get3A_27 = vector.load %arg1[%get3A_25, %get3A_26] : memref<2x10240xf32, #tpu.memory_space<vmem>>, vector<1x10240xf32>
    %get3A_28 = vector.shape_cast %get3A_27 : vector<1x10240xf32> to vector<10240xf32>
    %broadcast_in_dim3A_29 = vector.shape_cast %get3A_28 : vector<10240xf32> to vector<10240x1xf32>
    %mul3A_30 = vector.broadcast %broadcast_in_dim3A_29 : vector<10240x1xf32> to vector<10240x128xf32>
    %mul3A_31 = arith.mulf %max3A_24, %mul3A_30 : vector<10240x128xf32>
    %swap3A = arith.constant 0 : index
    %swap3A_32 = arith.constant 0 : index
    %swap3A_33 = vector.load %arg4[%swap3A, %swap3A_32] : memref<10240x128xf32, #tpu.memory_space<vmem>>, vector<10240x128xf32>
    tpu.vector_store %arg4[%swap3A, %swap3A_32], %mul3A_31 {strides = array<i32>} : memref<10240x128xf32, #tpu.memory_space<vmem>>, vector<10240x128xf32>,
    return
  }
}

module attributes {stable_mosaic.version = 14 : i64} {
  func.func @body(%arg0: memref<2x10240x128xf32, #tpu.memory_space<vmem>>, %arg1: memref<2x10240xf32, #tpu.memory_space<vmem>>, %arg2: memref<128x128xf32, #tpu.memory_space<vmem>>, %arg3: memref<1x128xf32, #tpu.memory_space<vmem>>, %arg4: memref<10240x128xf32, #tpu.memory_space<vmem>>) attributes {dimension_semantics = [], scalar_prefetch = 0 : i64, scratch_operands = 0 : i64, tpu.core_type = #tpu.core_type<tc>} {
    %get3A = arith.constant 0 : index
    %get3A_0 = arith.constant 0 : index
    %get3A_1 = arith.constant 0 : index
    %get3A_2 = vector.load %arg0[%get3A, %get3A_0, %get3A_1] : memref<2x10240x128xf32, #tpu.memory_space<vmem>>, vector<1x10240x128xf32>
    %get3A_3 = vector.shape_cast %get3A_2 : vector<1x10240x128xf32> to vector<10240x128xf32>
    %get3A_4 = arith.constant 1 : index
    %get3A_5 = arith.constant 0 : index
    %get3A_6 = arith.constant 0 : index
    %get3A_7 = vector.load %arg0[%get3A_4, %get3A_5, %get3A_6] : memref<2x10240x128xf32, #tpu.memory_space<vmem>>, vector<1x10240x128xf32>
    %get3A_8 = vector.shape_cast %get3A_7 : vector<1x10240x128xf32> to vector<10240x128xf32>
    %add3A = arith.addf %get3A_3, %get3A_8 : vector<10240x128xf32>
    %get3A_9 = arith.constant 1 : index
    %get3A_10 = arith.constant 0 : index
    %get3A_11 = vector.load %arg1[%get3A_9, %get3A_10] : memref<2x10240xf32, #tpu.memory_space<vmem>>, vector<1x10240xf32>
    %get3A_12 = vector.shape_cast %get3A_11 : vector<1x10240xf32> to vector<10240xf32>
    %broadcast_in_dim3A = vector.shape_cast %get3A_12 : vector<10240xf32> to vector<10240x1xf32>
    %mul3A = vector.broadcast %broadcast_in_dim3A : vector<10240x1xf32> to vector<10240x128xf32>
    %mul3A_13 = arith.mulf %add3A, %mul3A : vector<10240x128xf32>
    %get3A_14 = arith.constant 0 : index
    %get3A_15 = arith.constant 0 : index
    %get3A_16 = vector.load %arg2[%get3A_14, %get3A_15] : memref<128x128xf32, #tpu.memory_space<vmem>>, vector<128x128xf32>
    %dot_general3A = arith.constant dense<0.000000e+00> : vector<10240x128xf32>
    %dot_general3A_17 = tpu.matmul %mul3A_13, %get3A_16, %dot_general3A {dimension_numbers = #tpu.dot_dimension_numbers<[1], [0], [0], [1], [0, 0, 1, 1], [], []>, precision = #tpu.contract_precision<fp32>, transpose_lhs_hint = false} : vector<10240x128xf32>, vector<128x128xf32>, vector<10240x128xf32> -> vector<10240x128xf32>
    %get3A_18 = arith.constant 0 : index
    %get3A_19 = arith.constant 0 : index
    %get3A_20 = vector.load %arg3[%get3A_18, %get3A_19] : memref<1x128xf32, #tpu.memory_space<vmem>>, vector<1x128xf32>
    %add3A_21 = vector.broadcast %get3A_20 : vector<1x128xf32> to vector<10240x128xf32>
    %add3A_22 = arith.addf %dot_general3A_17, %add3A_21 : vector<10240x128xf32>
    %max3A = arith.constant 0.000000e+00 : f32
    %max3A_23 = vector.broadcast %max3A : f32 to vector<10240x128xf32>
    %max3A_24 = arith.maximumf %add3A_22, %max3A_23 : vector<10240x128xf32>
    %swap3A = arith.constant 0 : index
    %swap3A_25 = arith.constant 0 : index
    %swap3A_26 = vector.load %arg4[%swap3A, %swap3A_25] : memref<10240x128xf32, #tpu.memory_space<vmem>>, vector<10240x128xf32>
    tpu.vector_store %arg4[%swap3A, %swap3A_25], %max3A_24 {strides = array<i32>} : memref<10240x128xf32, #tpu.memory_space<vmem>>, vector<10240x128xf32>,
    return
  }
}

module attributes {stable_mosaic.version = 14 : i64} {
  func.func @body(%arg0: i32, %arg1: memref<2000x128xf32, #tpu.memory_space<vmem>>, %arg2: memref<2000x128xf32, #tpu.memory_space<vmem>>, %arg3: memref<384x2xf32, #tpu.memory_space<vmem>>, %arg4: memref<1x2xf32, #tpu.memory_space<vmem>>, %arg5: memref<2000x2xf32, #tpu.memory_space<vmem>>) attributes {dimension_semantics = [#tpu.dimension_semantics<arbitrary>], iteration_bounds = array<i64: 50>, scalar_prefetch = 0 : i64, scratch_operands = 0 : i64, tpu.core_type = #tpu.core_type<tc>, window_params = [{transform_indices = @transform_0, window_bounds = array<i64: 2000, 128>}, {transform_indices = @transform_1, window_bounds = array<i64: 2000, 128>}, {pipeline_mode = #tpu.pipeline_mode<synchronous>, transform_indices = @transform_2, window_bounds = array<i64: 384, 2>}, {pipeline_mode = #tpu.pipeline_mode<synchronous>, transform_indices = @transform_3, window_bounds = array<i64: 1, 2>}, {transform_indices = @transform_4, window_bounds = array<i64: 2000, 2>}]} {
    %get3A = arith.constant 0 : index
    %get3A_0 = arith.constant 0 : index
    %get3A_1 = vector.load %arg1[%get3A, %get3A_0] : memref<2000x128xf32, #tpu.memory_space<vmem>>, vector<2000x128xf32>
    %get3A_2 = arith.constant 0 : index
    %get3A_3 = arith.constant 0 : index
    %get3A_4 = vector.load %arg2[%get3A_2, %get3A_3] : memref<2000x128xf32, #tpu.memory_space<vmem>>, vector<2000x128xf32>
    %get3A_5 = arith.constant 0 : index
    %get3A_6 = arith.constant 0 : index
    %get3A_7 = vector.load %arg3[%get3A_5, %get3A_6] : memref<384x2xf32, #tpu.memory_space<vmem>>, vector<384x2xf32>
    %slice3A = vector.extract_strided_slice %get3A_7 {offsets = [0, 0], sizes = [128, 2], strides = [1, 1]} : vector<384x2xf32> to vector<128x2xf32>
    %dot_general3A = arith.constant dense<0.000000e+00> : vector<2000x2xf32>
    %dot_general3A_8 = tpu.matmul %get3A_1, %slice3A, %dot_general3A {dimension_numbers = #tpu.dot_dimension_numbers<[1], [0], [0], [1], [0, 0, 1, 1], [], []>, precision = #tpu.contract_precision<fp32>, transpose_lhs_hint = false} : vector<2000x128xf32>, vector<128x2xf32>, vector<2000x2xf32> -> vector<2000x2xf32>
    %slice3A_9 = vector.extract_strided_slice %get3A_7 {offsets = [128, 0], sizes = [128, 2], strides = [1, 1]} : vector<384x2xf32> to vector<128x2xf32>
    %dot_general3A_10 = arith.constant dense<0.000000e+00> : vector<2000x2xf32>
    %dot_general3A_11 = tpu.matmul %get3A_4, %slice3A_9, %dot_general3A_10 {dimension_numbers = #tpu.dot_dimension_numbers<[1], [0], [0], [1], [0, 0, 1, 1], [], []>, precision = #tpu.contract_precision<fp32>, transpose_lhs_hint = false} : vector<2000x128xf32>, vector<128x2xf32>, vector<2000x2xf32> -> vector<2000x2xf32>
    %add3A = arith.addf %dot_general3A_8, %dot_general3A_11 : vector<2000x2xf32>
    %sub3A = arith.subf %get3A_1, %get3A_4 : vector<2000x128xf32>
    %abs3A = math.absf %sub3A : vector<2000x128xf32>
    %slice3A_12 = vector.extract_strided_slice %get3A_7 {offsets = [256, 0], sizes = [128, 2], strides = [1, 1]} : vector<384x2xf32> to vector<128x2xf32>
    %dot_general3A_13 = arith.constant dense<0.000000e+00> : vector<2000x2xf32>
    %dot_general3A_14 = tpu.matmul %abs3A, %slice3A_12, %dot_general3A_13 {dimension_numbers = #tpu.dot_dimension_numbers<[1], [0], [0], [1], [0, 0, 1, 1], [], []>, precision = #tpu.contract_precision<fp32>, transpose_lhs_hint = false} : vector<2000x128xf32>, vector<128x2xf32>, vector<2000x2xf32> -> vector<2000x2xf32>
    %add3A_15 = arith.addf %add3A, %dot_general3A_14 : vector<2000x2xf32>
    %get3A_16 = arith.constant 0 : index
    %get3A_17 = arith.constant 0 : index
    %get3A_18 = vector.load %arg4[%get3A_16, %get3A_17] : memref<1x2xf32, #tpu.memory_space<vmem>>, vector<1x2xf32>
    %add3A_19 = vector.broadcast %get3A_18 : vector<1x2xf32> to vector<2000x2xf32>
    %add3A_20 = arith.addf %add3A_15, %add3A_19 : vector<2000x2xf32>
    %swap3A = arith.constant 0 : index
    %swap3A_21 = arith.constant 0 : index
    %swap3A_22 = vector.load %arg5[%swap3A, %swap3A_21] : memref<2000x2xf32, #tpu.memory_space<vmem>>, vector<2000x2xf32>
    tpu.vector_store %arg5[%swap3A, %swap3A_21], %add3A_20 {strides = array<i32>} : memref<2000x2xf32, #tpu.memory_space<vmem>>, vector<2000x2xf32>,
    return
  }
  func.func @transform_0(%arg0: i32) -> (i32, i32) {
    %c0_i32 = arith.constant 0 : i32
    %c0_i32_0 = arith.constant 0 : i32
    return %arg0, %c0_i32 : i32, i32
  }
  func.func @transform_1(%arg0: i32) -> (i32, i32) {
    %add3A = arith.constant 50 : i32
    %add3A_0 = arith.addi %arg0, %add3A : i32
    %c0_i32 = arith.constant 0 : i32
    %c0_i32_1 = arith.constant 0 : i32
    return %add3A_0, %c0_i32 : i32, i32
  }
  func.func @transform_2(%arg0: i32) -> (i32, i32) {
    %c0_i32 = arith.constant 0 : i32
    %c0_i32_0 = arith.constant 0 : i32
    %c0_i32_1 = arith.constant 0 : i32
    return %c0_i32, %c0_i32_0 : i32, i32
  }
  func.func @transform_3(%arg0: i32) -> (i32, i32) {
    %c0_i32 = arith.constant 0 : i32
    %c0_i32_0 = arith.constant 0 : i32
    %c0_i32_1 = arith.constant 0 : i32
    return %c0_i32, %c0_i32_0 : i32, i32
  }
  func.func @transform_4(%arg0: i32) -> (i32, i32) {
    %c0_i32 = arith.constant 0 : i32
    %c0_i32_0 = arith.constant 0 : i32
    return %arg0, %c0_i32 : i32, i32
  }
}

</mosaic_0001>

<sc_bundles>
// kernel: kernel.10.cloned.1.call-start
scs
__scs_entry_jumppad:
0x0: {  	(pc) =	sbr.rel $0x88, $3  }
0x1: {  	(tag) =	ssettag $0x0;
	lr =	simm.s32 $0x1  }
0x2: {  	[smem:$0x3F97] =	sst lr;
	_ =	strace $0xD0000000  }
0x3: {  	_ = 	snop  }
0x4: {  	_ = 	snop  }
0x5: {  	_ = 	snop  }
0x6: {  	_ = 	snop  }
0x7: {  	_ = 	snop  }
__scs_overlays_trampoline_lowered:
0x8: {  	[smem:$0x3FA6] =	sst s0  }
0x9: {  	[smem:$0x3FA7] =	sst s1  }
0xa: {  	[smem:$0x3FA8] =	sst s2  }
0xb: {  	[smem:$0x3FA9] =	sst s3  }
0xc: {  	[smem:$0x3FAA] =	sst s4  }
0xd: {  	[smem:$0x3FAB] =	sst s5  }
0xe: {  	[smem:$0x3FAC] =	sst s6  }
0xf: {  	[smem:$0x3FAD] =	sst s7  }
0x10: {  	[smem:$0x3FAE] =	sst s8  }
0x11: {  	[smem:$0x3FAF] =	sst s9;
	s0 =	simm.s32 @!p0 $0x0  }
0x12: {  	s1 =	sld [smem:$0x3F95];
	s0 =	simm.s32 @p0 $0x1  }
0x13: {  	[smem:$0x3FB0] =	sst s0;
	s0 =	simm.s32 @!p1 $0x0  }
0x14: {  	s2 =	sld [smem:$0x3F94];
	s0 =	simm.s32 @p1 $0x1  }
0x15: {  	[smem:$0x3FB1] =	sst s0;
	s0 =	simm.s32 @!p2 $0x0  }
0x16: {  	s3 =	sld [smem:$0x3FDB];
	s0 =	simm.s32 @p2 $0x1  }
0x17: {  	s4 =	simm.s32 $0x1BF5;
	[smem:$0x3FB3] =	sst s0  }
0x18: {  	s0 =	sld [smem:$0x3F96];
	_ =	swait.ge [sflag:s4], $0x0  }
0x19: {  	s7 =	sld [smem:$0x3F97]  }
0x1a: {  	s8 =	sadd.s32 $0xFFFFE003, lr  }
0x1b: {  	s9 =	sadd.s32 $0xFFFFFEF7, lr;
	s5 =	simm.s32 $0xFFFFFFFF;
	p2 =	slt.u32 s8, $0xFFFFF086  }
0x1c: {  	p1 =	slt.u32 s9, $0xF7A;
	s5 =	simm.s32 @!p2 $0x0  }
0x1d: {  	s5 =	simm.s32 @p1 $0x1;
	p0 =	seq.s32 s7, s2  }
0x1e: {  	s7 =	smul.u32 @!p0 $0xF7A, s2;
	p2 =	seq.s32 @!p0 s5, $0x0  }
0x1f: {  	s9 =	smul.u32 $0xF7A, s1;
	s8 =	simm.s32 @!p0 $0x1BF5;
	p2 =	por !p2, p0  }
0x20: {  	[sflag:s8] =	ssyncset.s32 @!p0 $0xFFFFF086;
	s6 =	sadd.s32 @!p0 s3, s7;
	s7 =	simm.s32 @!p0 $0x108  }
0x21: {  	s3 =	sadd.s32 s3, s9;
	s6 =	sadd.s32 @!p0 $0x88, s6;
	s7 =	simm.s32 @p2 $0x1082  }
0x22: {  	[simem:s7], [sflag:s8] =	dma.local @!p0 [hbm:s6], $0xF7A  }
0x23: {  	s9 =	sor.u32 $0xD0000000, s2;
	s6 =	simm.s32 $0x108;
	_ =	swait.ge @!p0 [sflag:s8], $0x0  }
0x24: {  	s3 =	sadd.s32 $0x88, s3;
	s6 =	simm.s32 @!p1 $0x1082;
	[sflag:s4] =	ssyncset.s32 $0xFFFFF086  }
0x25: {  	[simem:s6], [sflag:s4] =	dma.local [hbm:s3], $0xF7A  }
0x26: {  	[smem:$0x3F97] =	sst s1;
	(tag) =	ssettag s2;
	_ =	strace s9  }
0x27: {  	s1 =	sld [smem:$0x3FA7]  }
0x28: {  	s2 =	sld [smem:$0x3FA8]  }
0x29: {  	s4 =	sld [smem:$0x3FAA]  }
0x2a: {  	p0 =	seq.s32 s5, $0x0;
	s5 =	sld [smem:$0x3FAB]  }
0x2b: {  	s6 =	sld [smem:$0x3FAC]  }
0x2c: {  	s7 =	sld [smem:$0x3FAD]  }
0x2d: {  	s3 =	simm.s32 $0x108;
	s8 =	sld [smem:$0x3FAE]  }
0x2e: {  	s3 =	simm.s32 @!p0 $0x1082;
	s9 =	sld [smem:$0x3FAF]  }
0x2f: {  	lr =	sadd.s32 s0, s3;
	s0 =	sld [smem:$0x3FA6]  }
0x30: {  	s3 =	sld [smem:$0x3FA9]  }
0x31: {  	[smem:$0x3FB2] =	sst s10  }
0x32: {  	s10 =	sld [smem:$0x3FB0];
	_ =	sdelay $0x3  }
0x33: {  	p0 =	seq.s32 s10, $0x1;
	s10 =	sld [smem:$0x3FB2];
	_ =	sdelay $0x3  }
0x34: {  	[smem:$0x3FB2] =	sst s10  }
0x35: {  	s10 =	sld [smem:$0x3FB1];
	_ =	sdelay $0x3  }
0x36: {  	p1 =	seq.s32 s10, $0x1;
	s10 =	sld [smem:$0x3FB2];
	_ =	sdelay $0x3  }
0x37: {  	[smem:$0x3FB2] =	sst s10  }
0x38: {  	s10 =	sld [smem:$0x3FB3]  }
0x39: {  	_ = 	snop;
	(pc) =	sbr.ind lr, $3  }
0x3a: {  	_ = 	snop  }
0x3b: {  	_ = 	snop  }
0x3c: {  	p2 =	seq.s32 s10, $0x1;
	s10 =	sld [smem:$0x3FB2]  }
0x3d: {  	_ =	shalt  }
0x3e: {  	_ =	shalt  }
0x3f: {  	_ =	shalt  }
0x40: {  	_ =	shalt  }
0x41: {  	_ =	shalt  }
0x42: {  	_ =	shalt  }
0x43: {  	_ =	shalt  }
0x44: {  	_ =	shalt  }
0x45: {  	_ =	shalt  }
0x46: {  	_ =	shalt  }
0x47: {  	_ =	shalt  }
0x48: {  	_ =	shalt  }
0x49: {  	_ =	shalt  }
0x4a: {  	_ =	shalt  }
0x4b: {  	_ =	shalt  }
0x4c: {  	_ =	shalt  }
0x4d: {  	_ =	shalt  }
0x4e: {  	_ =	shalt  }
0x4f: {  	_ =	shalt  }
0x50: {  	_ =	shalt  }
0x51: {  	_ =	shalt  }
0x52: {  	_ =	shalt  }
0x53: {  	_ =	shalt  }
0x54: {  	_ =	shalt  }
0x55: {  	_ =	shalt  }
0x56: {  	_ =	shalt  }
0x57: {  	_ =	shalt  }
0x58: {  	_ =	shalt  }
0x59: {  	_ =	shalt  }
0x5a: {  	_ =	shalt  }
0x5b: {  	_ =	shalt  }
0x5c: {  	_ =	shalt  }
0x5d: {  	_ =	shalt  }
0x5e: {  	_ =	shalt  }
0x5f: {  	_ =	shalt  }
0x60: {  	_ =	shalt  }
0x61: {  	_ =	shalt  }
0x62: {  	_ =	shalt  }
0x63: {  	_ =	shalt  }
0x64: {  	_ =	shalt  }
0x65: {  	_ =	shalt  }
0x66: {  	_ =	shalt  }
0x67: {  	_ =	shalt  }
0x68: {  	_ =	shalt  }
0x69: {  	_ =	shalt  }
0x6a: {  	_ =	shalt  }
0x6b: {  	_ =	shalt  }
0x6c: {  	_ =	shalt  }
0x6d: {  	_ =	shalt  }
0x6e: {  	_ =	shalt  }
0x6f: {  	_ =	shalt  }
0x70: {  	_ =	shalt  }
0x71: {  	_ =	shalt  }
0x72: {  	_ =	shalt  }
0x73: {  	_ =	shalt  }
0x74: {  	_ =	shalt  }
0x75: {  	_ =	shalt  }
0x76: {  	_ =	shalt  }
0x77: {  	_ =	shalt  }
0x78: {  	_ =	shalt  }
0x79: {  	_ =	shalt  }
0x7a: {  	_ =	shalt  }
0x7b: {  	_ =	shalt  }
0x7c: {  	_ =	shalt  }
0x7d: {  	_ =	shalt  }
0x7e: {  	_ =	shalt  }
0x7f: {  	_ =	shalt  }
0x80: {  	_ =	shalt  }
0x81: {  	_ =	shalt  }
0x82: {  	_ =	shalt  }
0x83: {  	_ =	shalt  }
0x84: {  	_ =	shalt  }
0x85: {  	_ =	shalt  }
0x86: {  	_ =	shalt  }
0x87: {  	_ =	shalt  }
.Lfunc_end0:
.L_simem_size_0:
called_computation_lowered:
.L_overlay_start_0:
0x88: {  	s2 =	sld [smem:$0x3FD9]  }
0x89: {  	s3 =	sld [smem:$0x3FFE];
	_ =	sdelay $0x1  }
0x8a: {  	s1 =	srdreg.scid  }
0x8b: {  	s0 =	sand.u32 $0x1, s1  }
0x8c: {  	s17 =	sshll.u32 s0, $0xA;
	s2 =	sadd.s32 s3, s2  }
0x8d: {  	s2 =	sadd.s32 s2, s17  }
0x8e: {  	[smem:$0x3FBE] =	sst s2  }
0x8f: {  	_ = 	snop  }
0x90: {  	s2 =	sld [smem:$0x3FD0];
	(tm) =	ssettm $0x1  }
0x91: {  	s18 =	sld [smem:$0x3FFB];
	_ =	sdelay $0x3  }
0x92: {  	_ =	strace s18  }
0x93: {  	s3 =	sld [smem:$0x3FFC];
	_ =	sdelay $0x3  }
0x94: {  	_ =	strace s3  }
0x95: {  	s3 =	sld [smem:$0x3FFD];
	_ =	sdelay $0x3  }
0x96: {  	_ =	strace s3  }
0x97: {  	_ =	strace $0x8FFFFFFF  }
0x98: {  	s19 =	sld [smem:$0x3FDB];
	_ =	sdelay $0x1  }
0x99: {  	s4 =	simm.s32 $_scs_section_size  }
0x9a: {  	s5 =	simm.s32 $_size__tile_overlayer_lowered;
	s6 =	simm.s32 $_tile_overlayer_lowered  }
0x9b: {  	s22 =	simm.s32 $0x1BFF;
	s21 =	sshll.u32 s6, $0x1;
	s3 =	sadd.s32 s4, s19  }
0x9c: {  	s7 =	simm.s32 $0x0;
	s20 =	sshll.u32 s5, $0x1;
	s5 =	sadd.s32 s21, s3  }
0x9d: {  	[timem:s7], [sflag:s22] =	dma.local [hbm:s5], s20  }
0x9e: {  	_ =	swait.ge [sflag:s22], s20  }
0x9f: {  	s4 =	ssub.s32 $0x0, s20;
	[sflag:s22] =	ssyncset.done $0x0  }
0xa0: {  	[sflag:s22] =	ssyncadd.s32 s4;
	_ =	sdelay $0x1  }
0xa1: {  	s23 =	simm.s32 $0x1B8B  }
0xa2: {  	_ =	swait.ge [sflag:s23], $0x1  }
0xa3: {  	[sflag:s23] =	ssyncset.done $0x0  }
0xa4: {  	s25 =	simm.s32 $0x1B8E;
	s24 =	sld [smem:$0x3FFE];
	[sflag:s23] =	ssyncadd.s32 $0xFFFFFFFF  }
0xa5: {  	s26 =	simm.s32 $execute0_lowered;
	[smem:$0x3FD2] =	sst s25  }
0xa6: {  	s5 =	sshll.u32 s26, $0x1;
	_ =	strace $0x80000046;
	[dreg:$0x1] =	wrdreg $0xFFFFFFFF  }
0xa7: {  	s28 =	simm.s32 $_size_execute0_lowered;
	s3 =	sadd.s32 s3, s5;
	[dreg:$0x0] =	wrdreg $0x0  }
0xa8: {  	s5 =	sshll.u32 s28, $0x1;
	[dreg:$0x2] =	wrdreg s3  }
0xa9: {  	[dreg:$0x3] =	wrdreg s5  }
0xaa: {  	[dreg:$0x4] =	wrdreg $0xC0  }
0xab: {  	_ =	task [dreg:s7], $0x5FFFF  }
0xac: {  	[dreg:$0x1] =	wrdreg $0xFFFFFFFF  }
0xad: {  	[dreg:$0x0] =	wrdreg $0x60  }
0xae: {  	[dreg:$0x2] =	wrdreg s24  }
0xaf: {  	[dreg:$0x3] =	wrdreg s2  }
0xb0: {  	[dreg:$0x4] =	wrdreg $0x4000  }
0xb1: {  	[dreg:$0x5] =	wrdreg $0x6800  }
0xb2: {  	[dreg:$0x6] =	wrdreg $0x9  }
0xb3: {  	_ =	task.clear_ibuf [dreg:s7], $0x7FFFF;
	_ =	strace $0x90000046  }
0xb4: {  	s29 =	simm.s32 $0x9;
	_ =	strace $0x80000048  }
0xb5: {  	_ =	swait.ge [sflag:s29], $0x1  }
0xb6: {  	[sflag:s29] =	ssyncadd.s32 $0xFFFFFFFF  }
0xb7: {  	_ =	strace $0x90000048  }
0xb8: {  	_ =	sfence  }
0xb9: {  	s30 =	sld [smem:$0x0];
	_ =	sdelay $0x2  }
0xba: {  	s31 =	sshll.u32 s1, $0xD;
	s1 =	sshrl.u32 s1, $0x2  }
0xbb: {  	s3 =	sand.u32 $0x4000, s31;
	s1 =	sadd.s32 s1, s30  }
0xbc: {  	s0 =	sor.u32 s3, s0;
	s1 =	sshll.u32 s1, $0x11  }
0xbd: {  	s0 =	sor.u32 s1, s0  }
0xbe: {  	s0 =	sadd.s32 $0x8F2B, s0  }
0xbf: {  	[sflag:s0] =	ssyncadd.remote.s32 $0x1  }
0xc0: {  	_ =	sfence.sel $0xFFFF  }
0xc1: {  	[dreg:$0x0] =	wrdreg $0xFFFFFFFF;
	(pc) =	sbr.abs _section_cstart, $3  }
0xc2: {  	[dreg:$0x1] =	wrdreg $0xFFFFFFFF  }
0xc3: {  	_ =	task.clear_ibuf [dreg:s7], $0x2FFFF;
	_ =	strace $0x9FFFFFFF  }
0xc4: {  	(tm) =	ssettm $0x7FFFFFFF  }
0xc5: {  	_ =	shalt  }
tec
execute0_lowered:
.L_overlay_start_1:
0x0: {  	(tag) =	ssettag $0x1  }
0x1: {  	s5 =	rddreg [dreg:$0x0]  }
0x2: {  	s7 =	rddreg [dreg:$0x1]  }
0x3: {  	s1 =	rddreg [dreg:$0x2]  }
0x4: {  	s3 =	rddreg [dreg:$0x3]  }
0x5: {  	s0 =	rddreg [dreg:$0x4]  }
0x6: {  	s4 =	simm.s32 $0x0;
	s6 =	srdreg.scid;
	s2 =	stileid.u32  }
0x7: {  	s15 =	simm.s32 $0x80;
	s16 =	simm.s32 $0x100;
	s17 =	simm.s32 $0x200  }
0x8: {  	s18 =	simm.s32 $0x0;
	[smem:$0x7FF] =	sst s4;
	s28 =	smul.u32 $0xA00, s2  }
0x9: {  	s10 =	sand.u32 $0x1, s6;
	s12 =	smul.u32 $0x280, s2;
	s5 =	sadd.s32 $0x3800, s5  }
0xa: {  	s13 =	sshll.u32 s2, $0x1;
	s31 =	sshll.u32 s2, $0x9;
	_ =	strace $0x80000047  }
0xb: {  	s8 =	ssub.s32 $0x2, s10;
	s9 =	sshll.u32 s10, $0x7;
	s30 =	sor.u32 s13, s10  }
0xc: {  	s14 =	sshll.u32 s10, $0x8;
	s11 =	sshrl.u32 s8, $0x1;
	s6 =	sor.u32 s9, s28  }
0xd: {  	s13 =	simm.s32 $0x180;
	s11 =	ssub.s32 s8, s11;
	s29 =	sshrl.u32 s6, $0x3  }
0xe: {  	s6 =	sadd.s32 s12, s1;
	s8 =	sadd.s32 s12, s3;
	s12 =	ssub.s32 $0x9E3, s30  }
0xf: {  	s7 =	sadd.s32 s7, s29;
	s10 =	smax.u32 s11, $0x1;
	s11 =	sshrl.u32 s12, $0x5  }
0x10: {  	v0 =	vimm.f32 $1.000000000e+00;
	v1 =	vimm.f32 $0.0e+00;
	s12 =	sor.u32 s14, s31;
	s14 =	simm.s32 $0x1;
	s9 =	sadd.s32 $0x20, s7  }
.LBB2_1:
0x11: {  	[tilespmem:$0x100] =	vst v0  }
0x12: {  	[tilespmem:$0x110] =	vst v0  }
0x13: {  	[tilespmem:$0x120] =	vst v0  }
0x14: {  	[tilespmem:$0x130] =	vst v0  }
0x15: {  	[tilespmem:$0x140] =	vst v0  }
0x16: {  	[tilespmem:$0x150] =	vst v0  }
0x17: {  	[tilespmem:$0x160] =	vst v0  }
0x18: {  	[tilespmem:$0x170] =	vst v0  }
0x19: {  	[tilespmem:$0x180] =	vst v1  }
0x1a: {  	[tilespmem:$0x190] =	vst v1  }
0x1b: {  	[tilespmem:$0x1A0] =	vst v1  }
0x1c: {  	[tilespmem:$0x1B0] =	vst v1  }
0x1d: {  	[tilespmem:$0x1C0] =	vst v1  }
0x1e: {  	[tilespmem:$0x1D0] =	vst v1  }
0x1f: {  	[tilespmem:$0x1E0] =	vst v1  }
0x20: {  	[tilespmem:$0x1F0] =	vst v1  }
0x21: {  	[tilespmem:$0x200] =	vst v1  }
0x22: {  	[tilespmem:$0x210] =	vst v1  }
0x23: {  	[tilespmem:$0x220] =	vst v1  }
0x24: {  	[tilespmem:$0x230] =	vst v1  }
0x25: {  	[tilespmem:$0x240] =	vst v1  }
0x26: {  	[tilespmem:$0x250] =	vst v1  }
0x27: {  	[tilespmem:$0x260] =	vst v1  }
0x28: {  	[tilespmem:$0x270] =	vst v1  }
0x29: {  	[tilespmem:$0x280] =	vst v1  }
0x2a: {  	[tilespmem:$0x290] =	vst v1  }
0x2b: {  	[tilespmem:$0x2A0] =	vst v1  }
0x2c: {  	[tilespmem:$0x2B0] =	vst v1  }
0x2d: {  	[tilespmem:$0x2C0] =	vst v1  }
0x2e: {  	[tilespmem:$0x2D0] =	vst v1  }
0x2f: {  	[tilespmem:$0x2E0] =	vst v1  }
0x30: {  	[tilespmem:$0x2F0] =	vst v1  }
0x31: {  	[tilespmem:$0x300] =	vst v1  }
0x32: {  	[tilespmem:$0x310] =	vst v1  }
0x33: {  	[tilespmem:$0x320] =	vst v1  }
0x34: {  	[tilespmem:$0x330] =	vst v1  }
0x35: {  	[tilespmem:$0x340] =	vst v1  }
0x36: {  	[tilespmem:$0x350] =	vst v1  }
0x37: {  	[tilespmem:$0x360] =	vst v1  }
0x38: {  	[tilespmem:$0x370] =	vst v1  }
0x39: {  	[tilespmem:$0x380] =	vst v1  }
0x3a: {  	[tilespmem:$0x390] =	vst v1  }
0x3b: {  	[tilespmem:$0x3A0] =	vst v1  }
0x3c: {  	[tilespmem:$0x3B0] =	vst v1  }
0x3d: {  	[tilespmem:$0x3C0] =	vst v1  }
0x3e: {  	[tilespmem:$0x3D0] =	vst v1  }
0x3f: {  	[tilespmem:$0x3E0] =	vst v1  }
0x40: {  	[tilespmem:$0x3F0] =	vst v1  }
0x41: {  	[spmem:s6] =	stream.linear.scatter [tilespmem:s13], [sflag:$0x1], $0x280, $0x38;
	[tilespmem:$0x900] =	vst v63  }
0x42: {  	_ =	swait.ge [sflag:s14], $0x280  }
0x43: {  	[sflag:s14] =	ssyncset.done $0x0  }
0x44: {  	p1 =	sne.s32 s11, $0x1;
	[sflag:s14] =	ssyncadd.s32 $0xFFFFFD80  }
0x45: {  	[spmem:s8] =	stream.linear.scatter [tilespmem:s13], [sflag:$0x1], $0x280, $0x38;
	[tilespmem:$0x900] =	vst v63  }
.Ltmp0:
0x46: {  	_ =	swait.ge [sflag:s14], $0x280;
	(pc) =	sbr.rel @!p1 .LBB2_4-.Ltmp0, $4  }
0x47: {  	[sflag:s14] =	ssyncset.done $0x0  }
0x48: {  	[sflag:s14] =	ssyncadd.s32 $0xFFFFFD80  }
0x49: {  	[bflag:$0x0] =	sbarrier.arrive $0xFFFF  }
0x4a: {  	s19 =	sadd.s32 $0xFFFFFFFF, s11;
	s21 =	sshrl.u32 s12, $0x3;
	p0 =	por $0x0, $0x0  }
0x4b: {  	s20 =	sadd.s32 s5, s21  }
0x4c: {  	[tilespmem:s4], [sflag:$0x1] =	stream.linear.gather [hbm4b:s20+s4], $0x100, $0x38;
	[tilespmem:$0x900] =	vst v63  }
0x4d: {  	_ =	swait.ge [sflag:s14], $0x100  }
0x4e: {  	[sflag:s14] =	ssyncset.done $0x0  }
0x4f: {  	[sflag:s14] =	ssyncadd.s32 $0xFFFFFF00  }
0x50: {  	[spmem:s1] =	stream.indirect.scatter.add.f32 [tilespmem:s16], [sflag:$0x1], $0x1, s4, s15, $0xb8;
	[tilespmem:$0x900] =	vst v63  }
0x51: {  	p1 =	sne.s32 s19, $0x1;
	_ =	swait.ge [sflag:s14], $0x80  }
.Ltmp1:
0x52: {  	[sflag:s14] =	ssyncset.done $0x0;
	(pc) =	sbr.rel @!p1 .LBB2_4-.Ltmp1, $4  }
0x53: {  	[sflag:s14] =	ssyncadd.s32 $0xFFFFFF80  }
0x54: {  	[spmem:s3] =	stream.indirect.scatter.add.f32 [tilespmem:s16], [sflag:$0x1], $0x1, s15, s15, $0xb8;
	[tilespmem:$0x900] =	vst v63  }
0x55: {  	s19 =	sadd.s32 $0xFFFFFFFF, s19;
	s20 =	sadd.s32 $0x2000, s12;
	_ =	swait.ge [sflag:s14], $0x80  }
0x56: {  	p0 =	por $0x1, $0x1;
	s21 =	sshrl.u32 s20, $0x3;
	[sflag:s14] =	ssyncset.done $0x0  }
.LBB2_3:
0x57: {  	p1 =	sne.s32 s19, $0x1;
	s21 =	sadd.s32 s5, s21;
	[sflag:s14] =	ssyncadd.s32 $0xFFFFFF80  }
0x58: {  	[tilespmem:s4], [sflag:$0x1] =	stream.linear.gather [hbm4b:s21+s4], $0x100, $0x38;
	[tilespmem:$0x900] =	vst v63  }
0x59: {  	s19 =	sadd.s32 $0xFFFFFFFF, s19;
	_ =	swait.ge [sflag:s14], $0x100  }
0x5a: {  	[sflag:s14] =	ssyncset.done $0x0  }
0x5b: {  	[sflag:s14] =	ssyncadd.s32 $0xFFFFFF00  }
0x5c: {  	[spmem:s1] =	stream.indirect.scatter.add.f32 [tilespmem:s16], [sflag:$0x1], $0x1, s4, s15, $0xb8;
	[tilespmem:$0x900] =	vst v63  }
0x5d: {  	_ =	swait.ge [sflag:s14], $0x80  }
.Ltmp2:
0x5e: {  	[sflag:s14] =	ssyncset.done $0x0;
	(pc) =	sbr.rel @p1 .LBB2_3-.Ltmp2, $4  }
0x5f: {  	[sflag:s14] =	ssyncadd.s32 $0xFFFFFF80  }
0x60: {  	[spmem:s3] =	stream.indirect.scatter.add.f32 [tilespmem:s16], [sflag:$0x1], $0x1, s15, s15, $0xb8;
	[tilespmem:$0x900] =	vst v63  }
0x61: {  	s20 =	sadd.s32 $0x2000, s20;
	_ =	swait.ge [sflag:s14], $0x80  }
0x62: {  	s21 =	sshrl.u32 s20, $0x3;
	[sflag:s14] =	ssyncset.done $0x0  }
.LBB2_4:
0x63: {  	s19 =	sadd.s32 s5, s21;
	[sflag:s14] =	ssyncadd.s32 @p0 $0xFFFFFF80  }
0x64: {  	[tilespmem:s4], [sflag:$0x1] =	stream.linear.gather [hbm4b:s19+s4], $0x100, $0x38;
	[tilespmem:$0x900] =	vst v63  }
0x65: {  	_ =	swait.ge [sflag:s14], $0x100  }
0x66: {  	[sflag:s14] =	ssyncset.done $0x0  }
0x67: {  	[sflag:s14] =	ssyncadd.s32 $0xFFFFFF00  }
0x68: {  	[spmem:s1] =	stream.indirect.scatter.add.f32 [tilespmem:s16], [sflag:$0x1], $0x1, s4, s15, $0xb8;
	[tilespmem:$0x900] =	vst v63  }
0x69: {  	_ =	swait.ge [sflag:s14], $0x80  }
0x6a: {  	[sflag:s14] =	ssyncset.done $0x0  }
0x6b: {  	[sflag:s14] =	ssyncadd.s32 $0xFFFFFF80  }
0x6c: {  	[spmem:s3] =	stream.indirect.scatter.add.f32 [tilespmem:s16], [sflag:$0x1], $0x1, s15, s15, $0xb8;
	[tilespmem:$0x900] =	vst v63  }
0x6d: {  	_ =	swait.ge [sflag:s14], $0x80  }
0x6e: {  	[sflag:s14] =	ssyncset.done $0x0  }
0x6f: {  	[sflag:s14] =	ssyncadd.s32 $0xFFFFFF80  }
0x70: {  	[bflag:$0x0] =	sbarrier.arrive $0xFFFF  }
0x71: {  	[tilespmem:s13], [sflag:$0x1] =	stream.linear.gather [spmem:s6], $0x280, $0x38;
	[tilespmem:$0x900] =	vst v63  }
0x72: {  	_ =	swait.ge [sflag:s14], $0x280  }
0x73: {  	[sflag:s14] =	ssyncset.done $0x0  }
0x74: {  	[sflag:s14] =	ssyncadd.s32 $0xFFFFFD80  }
0x75: {  	[hbm4b:s7+s15] =	stream.strided.scatter [tilespmem:s13], [sflag:$0x1], $0x280, s17, s15, $0x38;
	[tilespmem:$0x900] =	vst v63  }
0x76: {  	_ =	swait.ge [sflag:s14], $0x280  }
0x77: {  	[sflag:s14] =	ssyncset.done $0x0  }
0x78: {  	[sflag:s14] =	ssyncadd.s32 $0xFFFFFD80  }
0x79: {  	[tilespmem:s13], [sflag:$0x1] =	stream.linear.gather [spmem:s8], $0x280, $0x38;
	[tilespmem:$0x900] =	vst v63  }
0x7a: {  	s18 =	sadd.s32 $0x1, s18;
	_ =	swait.ge [sflag:s14], $0x280  }
0x7b: {  	p0 =	sne.s32 s18, s10;
	[sflag:s14] =	ssyncset.done $0x0  }
.Ltmp3:
0x7c: {  	[sflag:s14] =	ssyncadd.s32 $0xFFFFFD80;
	(pc) =	sbr.rel @p0 .LBB2_1-.Ltmp3, $4  }
0x7d: {  	[hbm4b:s9+s15] =	stream.strided.scatter [tilespmem:s13], [sflag:$0x1], $0x280, s17, s15, $0x38;
	[tilespmem:$0x900] =	vst v63  }
0x7e: {  	_ =	swait.ge [sflag:s14], $0x280  }
0x7f: {  	[sflag:s14] =	ssyncset.done $0x0  }
0x80: {  	[sflag:s14] =	ssyncadd.s32 $0xFFFFFD80  }
0x81: {  	_ =	sfence.sel $0x180000  }
0x82: {  	[bflag:$0x0] =	sbarrier.arrive $0xFFFF  }
0x83: {  	p0 =	sne.s32 s2, $0x0;
	_ =	strace $0x90000047  }
0x84: {  	s0 =	sadd.s32 @!p0 $0x100000, s0;
	[bflag:$0x2] =	sbarrier.arrive $0xFFFF  }
0x85: {  	[sflag:s0] =	ssyncadd.tile.s32 @!p0 $0x1;
	_ =	shalt  }
.Lfunc_end2:
_tile_overlayer_lowered:
.L_overlay_start_2:
0x86: {  	(tag) =	ssettag $0x2  }
0x87: {  	s0 =	rddreg [dreg:$0x0];
	s2 =	stileid.u32  }
0x88: {  	s1 =	rddreg [dreg:$0x1];
	p0 =	sne.s32 s2, $0x0  }
0x89: {  	s3 =	rddreg [dreg:$0x2];
	[bflag:$0x3] =	sbarrier.arrive $0xFFFF;
	s2 =	simm.s32 @!p0 $0x1C01  }
0x8a: {  	[timem:s3], [sflag:s2] =	dma.local @!p0 [hbm:s0], s1  }
0x8b: {  	s0 =	simm.s32 @!p0 $0x1  }
0x8c: {  	_ =	swait.ge @!p0 [sflag:s0], s1  }
0x8d: {  	s1 =	ssub.s32 @!p0 $0x0, s1;
	[sflag:s0] =	ssyncset.done @!p0 $0x0  }
0x8e: {  	[sflag:s0] =	ssyncadd.s32 @!p0 s1  }
0x8f: {  	[bflag:$0x3] =	sbarrier.arrive $0xFFFF  }
0x90: {  	_ =	shalt  }

// kernel: kernel.13.cloned.1.call-start
scs
__scs_entry_jumppad:
0x0: {  	(pc) =	sbr.rel $0x88, $3  }
0x1: {  	(tag) =	ssettag $0x0;
	lr =	simm.s32 $0x1  }
0x2: {  	[smem:$0x3F97] =	sst lr;
	_ =	strace $0xD0000000  }
0x3: {  	_ = 	snop  }
0x4: {  	_ = 	snop  }
0x5: {  	_ = 	snop  }
0x6: {  	_ = 	snop  }
0x7: {  	_ = 	snop  }
__scs_overlays_trampoline_lowered:
0x8: {  	[smem:$0x3FA6] =	sst s0  }
0x9: {  	[smem:$0x3FA7] =	sst s1  }
0xa: {  	[smem:$0x3FA8] =	sst s2  }
0xb: {  	[smem:$0x3FA9] =	sst s3  }
0xc: {  	[smem:$0x3FAA] =	sst s4  }
0xd: {  	[smem:$0x3FAB] =	sst s5  }
0xe: {  	[smem:$0x3FAC] =	sst s6  }
0xf: {  	[smem:$0x3FAD] =	sst s7  }
0x10: {  	[smem:$0x3FAE] =	sst s8  }
0x11: {  	[smem:$0x3FAF] =	sst s9;
	s0 =	simm.s32 @!p0 $0x0  }
0x12: {  	s1 =	sld [smem:$0x3F95];
	s0 =	simm.s32 @p0 $0x1  }
0x13: {  	[smem:$0x3FB0] =	sst s0;
	s0 =	simm.s32 @!p1 $0x0  }
0x14: {  	s2 =	sld [smem:$0x3F94];
	s0 =	simm.s32 @p1 $0x1  }
0x15: {  	[smem:$0x3FB1] =	sst s0;
	s0 =	simm.s32 @!p2 $0x0  }
0x16: {  	s3 =	sld [smem:$0x3FDB];
	s0 =	simm.s32 @p2 $0x1  }
0x17: {  	s4 =	simm.s32 $0x1BF5;
	[smem:$0x3FB3] =	sst s0  }
0x18: {  	s0 =	sld [smem:$0x3F96];
	_ =	swait.ge [sflag:s4], $0x0  }
0x19: {  	s7 =	sld [smem:$0x3F97]  }
0x1a: {  	s8 =	sadd.s32 $0xFFFFE003, lr  }
0x1b: {  	s9 =	sadd.s32 $0xFFFFFEF7, lr;
	s5 =	simm.s32 $0xFFFFFFFF;
	p2 =	slt.u32 s8, $0xFFFFF086  }
0x1c: {  	p1 =	slt.u32 s9, $0xF7A;
	s5 =	simm.s32 @!p2 $0x0  }
0x1d: {  	s5 =	simm.s32 @p1 $0x1;
	p0 =	seq.s32 s7, s2  }
0x1e: {  	s7 =	smul.u32 @!p0 $0xF7A, s2;
	p2 =	seq.s32 @!p0 s5, $0x0  }
0x1f: {  	s9 =	smul.u32 $0xF7A, s1;
	s8 =	simm.s32 @!p0 $0x1BF5;
	p2 =	por !p2, p0  }
0x20: {  	[sflag:s8] =	ssyncset.s32 @!p0 $0xFFFFF086;
	s6 =	sadd.s32 @!p0 s3, s7;
	s7 =	simm.s32 @!p0 $0x108  }
0x21: {  	s3 =	sadd.s32 s3, s9;
	s6 =	sadd.s32 @!p0 $0x88, s6;
	s7 =	simm.s32 @p2 $0x1082  }
0x22: {  	[simem:s7], [sflag:s8] =	dma.local @!p0 [hbm:s6], $0xF7A  }
0x23: {  	s9 =	sor.u32 $0xD0000000, s2;
	s6 =	simm.s32 $0x108;
	_ =	swait.ge @!p0 [sflag:s8], $0x0  }
0x24: {  	s3 =	sadd.s32 $0x88, s3;
	s6 =	simm.s32 @!p1 $0x1082;
	[sflag:s4] =	ssyncset.s32 $0xFFFFF086  }
0x25: {  	[simem:s6], [sflag:s4] =	dma.local [hbm:s3], $0xF7A  }
0x26: {  	[smem:$0x3F97] =	sst s1;
	(tag) =	ssettag s2;
	_ =	strace s9  }
0x27: {  	s1 =	sld [smem:$0x3FA7]  }
0x28: {  	s2 =	sld [smem:$0x3FA8]  }
0x29: {  	s4 =	sld [smem:$0x3FAA]  }
0x2a: {  	p0 =	seq.s32 s5, $0x0;
	s5 =	sld [smem:$0x3FAB]  }
0x2b: {  	s6 =	sld [smem:$0x3FAC]  }
0x2c: {  	s7 =	sld [smem:$0x3FAD]  }
0x2d: {  	s3 =	simm.s32 $0x108;
	s8 =	sld [smem:$0x3FAE]  }
0x2e: {  	s3 =	simm.s32 @!p0 $0x1082;
	s9 =	sld [smem:$0x3FAF]  }
0x2f: {  	lr =	sadd.s32 s0, s3;
	s0 =	sld [smem:$0x3FA6]  }
0x30: {  	s3 =	sld [smem:$0x3FA9]  }
0x31: {  	[smem:$0x3FB2] =	sst s10  }
0x32: {  	s10 =	sld [smem:$0x3FB0];
	_ =	sdelay $0x3  }
0x33: {  	p0 =	seq.s32 s10, $0x1;
	s10 =	sld [smem:$0x3FB2];
	_ =	sdelay $0x3  }
0x34: {  	[smem:$0x3FB2] =	sst s10  }
0x35: {  	s10 =	sld [smem:$0x3FB1];
	_ =	sdelay $0x3  }
0x36: {  	p1 =	seq.s32 s10, $0x1;
	s10 =	sld [smem:$0x3FB2];
	_ =	sdelay $0x3  }
0x37: {  	[smem:$0x3FB2] =	sst s10  }
0x38: {  	s10 =	sld [smem:$0x3FB3]  }
0x39: {  	_ = 	snop;
	(pc) =	sbr.ind lr, $3  }
0x3a: {  	_ = 	snop  }
0x3b: {  	_ = 	snop  }
0x3c: {  	p2 =	seq.s32 s10, $0x1;
	s10 =	sld [smem:$0x3FB2]  }
0x3d: {  	_ =	shalt  }
0x3e: {  	_ =	shalt  }
0x3f: {  	_ =	shalt  }
0x40: {  	_ =	shalt  }
0x41: {  	_ =	shalt  }
0x42: {  	_ =	shalt  }
0x43: {  	_ =	shalt  }
0x44: {  	_ =	shalt  }
0x45: {  	_ =	shalt  }
0x46: {  	_ =	shalt  }
0x47: {  	_ =	shalt  }
0x48: {  	_ =	shalt  }
0x49: {  	_ =	shalt  }
0x4a: {  	_ =	shalt  }
0x4b: {  	_ =	shalt  }
0x4c: {  	_ =	shalt  }
0x4d: {  	_ =	shalt  }
0x4e: {  	_ =	shalt  }
0x4f: {  	_ =	shalt  }
0x50: {  	_ =	shalt  }
0x51: {  	_ =	shalt  }
0x52: {  	_ =	shalt  }
0x53: {  	_ =	shalt  }
0x54: {  	_ =	shalt  }
0x55: {  	_ =	shalt  }
0x56: {  	_ =	shalt  }
0x57: {  	_ =	shalt  }
0x58: {  	_ =	shalt  }
0x59: {  	_ =	shalt  }
0x5a: {  	_ =	shalt  }
0x5b: {  	_ =	shalt  }
0x5c: {  	_ =	shalt  }
0x5d: {  	_ =	shalt  }
0x5e: {  	_ =	shalt  }
0x5f: {  	_ =	shalt  }
0x60: {  	_ =	shalt  }
0x61: {  	_ =	shalt  }
0x62: {  	_ =	shalt  }
0x63: {  	_ =	shalt  }
0x64: {  	_ =	shalt  }
0x65: {  	_ =	shalt  }
0x66: {  	_ =	shalt  }
0x67: {  	_ =	shalt  }
0x68: {  	_ =	shalt  }
0x69: {  	_ =	shalt  }
0x6a: {  	_ =	shalt  }
0x6b: {  	_ =	shalt  }
0x6c: {  	_ =	shalt  }
0x6d: {  	_ =	shalt  }
0x6e: {  	_ =	shalt  }
0x6f: {  	_ =	shalt  }
0x70: {  	_ =	shalt  }
0x71: {  	_ =	shalt  }
0x72: {  	_ =	shalt  }
0x73: {  	_ =	shalt  }
0x74: {  	_ =	shalt  }
0x75: {  	_ =	shalt  }
0x76: {  	_ =	shalt  }
0x77: {  	_ =	shalt  }
0x78: {  	_ =	shalt  }
0x79: {  	_ =	shalt  }
0x7a: {  	_ =	shalt  }
0x7b: {  	_ =	shalt  }
0x7c: {  	_ =	shalt  }
0x7d: {  	_ =	shalt  }
0x7e: {  	_ =	shalt  }
0x7f: {  	_ =	shalt  }
0x80: {  	_ =	shalt  }
0x81: {  	_ =	shalt  }
0x82: {  	_ =	shalt  }
0x83: {  	_ =	shalt  }
0x84: {  	_ =	shalt  }
0x85: {  	_ =	shalt  }
0x86: {  	_ =	shalt  }
0x87: {  	_ =	shalt  }
.Lfunc_end0:
.L_simem_size_0:
called_computation.1_lowered:
.L_overlay_start_0:
0x88: {  	s2 =	sld [smem:$0x3FD9]  }
0x89: {  	s3 =	sld [smem:$0x3FFE];
	_ =	sdelay $0x1  }
0x8a: {  	s1 =	srdreg.scid  }
0x8b: {  	s0 =	sand.u32 $0x1, s1  }
0x8c: {  	s16 =	sshll.u32 s0, $0xA;
	s2 =	sadd.s32 s3, s2  }
0x8d: {  	s2 =	sadd.s32 s2, s16  }
0x8e: {  	[smem:$0x3FBE] =	sst s2  }
0x8f: {  	_ = 	snop  }
0x90: {  	(tm) =	ssettm $0x1  }
0x91: {  	s17 =	sld [smem:$0x3FFB];
	_ =	sdelay $0x3  }
0x92: {  	_ =	strace s17  }
0x93: {  	s2 =	sld [smem:$0x3FFC];
	_ =	sdelay $0x3  }
0x94: {  	_ =	strace s2  }
0x95: {  	s2 =	sld [smem:$0x3FFD];
	_ =	sdelay $0x3  }
0x96: {  	_ =	strace s2  }
0x97: {  	_ =	strace $0x8FFFFFFF  }
0x98: {  	s18 =	sld [smem:$0x3FDB];
	_ =	sdelay $0x1  }
0x99: {  	s19 =	simm.s32 $_scs_section_size  }
0x9a: {  	s4 =	simm.s32 $_size__tile_overlayer_lowered;
	s5 =	simm.s32 $_tile_overlayer_lowered  }
0x9b: {  	s22 =	simm.s32 $0x1BFF;
	s21 =	sshll.u32 s5, $0x1;
	s2 =	sadd.s32 s19, s18  }
0x9c: {  	s6 =	simm.s32 $0x0;
	s20 =	sshll.u32 s4, $0x1;
	s4 =	sadd.s32 s21, s2  }
0x9d: {  	[timem:s6], [sflag:s22] =	dma.local [hbm:s4], s20  }
0x9e: {  	_ =	swait.ge [sflag:s22], s20  }
0x9f: {  	s3 =	ssub.s32 $0x0, s20;
	[sflag:s22] =	ssyncset.done $0x0  }
0xa0: {  	[sflag:s22] =	ssyncadd.s32 s3;
	_ =	sdelay $0x1  }
0xa1: {  	s23 =	simm.s32 $0x1B8B  }
0xa2: {  	_ =	swait.ge [sflag:s23], $0x1  }
0xa3: {  	[sflag:s23] =	ssyncset.done $0x0  }
0xa4: {  	s25 =	simm.s32 $0x1B8E;
	s24 =	sld [smem:$0x3FFE];
	[sflag:s23] =	ssyncadd.s32 $0xFFFFFFFF  }
0xa5: {  	s26 =	simm.s32 $execute0_lowered;
	[smem:$0x3FD2] =	sst s25  }
0xa6: {  	s4 =	sshll.u32 s26, $0x1;
	_ =	strace $0x80000049;
	[dreg:$0x1] =	wrdreg $0xFFFFFFFF  }
0xa7: {  	s28 =	simm.s32 $_size_execute0_lowered;
	s2 =	sadd.s32 s2, s4;
	[dreg:$0x0] =	wrdreg $0x0  }
0xa8: {  	s4 =	sshll.u32 s28, $0x1;
	[dreg:$0x2] =	wrdreg s2  }
0xa9: {  	[dreg:$0x3] =	wrdreg s4  }
0xaa: {  	[dreg:$0x4] =	wrdreg $0xC0  }
0xab: {  	_ =	task [dreg:s6], $0x5FFFF  }
0xac: {  	[dreg:$0x1] =	wrdreg $0xFFFFFFFF  }
0xad: {  	[dreg:$0x0] =	wrdreg $0x60  }
0xae: {  	[dreg:$0x2] =	wrdreg s24  }
0xaf: {  	[dreg:$0x3] =	wrdreg $0x61000  }
0xb0: {  	[dreg:$0x4] =	wrdreg $0x9  }
0xb1: {  	_ =	task.clear_ibuf [dreg:s6], $0x5FFFF;
	_ =	strace $0x90000049  }
0xb2: {  	s29 =	simm.s32 $0x9;
	_ =	strace $0x8000004B  }
0xb3: {  	_ =	swait.ge [sflag:s29], $0x1  }
0xb4: {  	[sflag:s29] =	ssyncadd.s32 $0xFFFFFFFF  }
0xb5: {  	_ =	strace $0x9000004B  }
0xb6: {  	_ =	sfence  }
0xb7: {  	s30 =	sld [smem:$0x0];
	_ =	sdelay $0x2  }
0xb8: {  	s31 =	sshll.u32 s1, $0xD;
	s1 =	sshrl.u32 s1, $0x2  }
0xb9: {  	s3 =	sand.u32 $0x4000, s31;
	s1 =	sadd.s32 s1, s30  }
0xba: {  	s0 =	sor.u32 s3, s0;
	s1 =	sshll.u32 s1, $0x11  }
0xbb: {  	s0 =	sor.u32 s1, s0  }
0xbc: {  	s0 =	sadd.s32 $0x8F2B, s0  }
0xbd: {  	[sflag:s0] =	ssyncadd.remote.s32 $0x1  }
0xbe: {  	_ =	sfence.sel $0xFFFF  }
0xbf: {  	[dreg:$0x0] =	wrdreg $0xFFFFFFFF;
	(pc) =	sbr.abs _section_cstart, $3  }
0xc0: {  	[dreg:$0x1] =	wrdreg $0xFFFFFFFF  }
0xc1: {  	_ =	task.clear_ibuf [dreg:s6], $0x2FFFF;
	_ =	strace $0x9FFFFFFF  }
0xc2: {  	(tm) =	ssettm $0x7FFFFFFF  }
0xc3: {  	_ =	shalt  }
tec
execute0_lowered:
.L_overlay_start_1:
0x0: {  	(tag) =	ssettag $0x1  }
0x1: {  	s0 =	srdreg.scid  }
0x2: {  	s1 =	rddreg [dreg:$0x0];
	s14 =	stileid.u32  }
0x3: {  	s2 =	rddreg [dreg:$0x1];
	s0 =	sand.u32 $0x1, s0;
	s4 =	smul.u32 $0x14000, s14  }
0x4: {  	s6 =	sadd.s32 $0x3F200, s1;
	s3 =	smul.u32 $0x140000, s0;
	s5 =	ssub.s32 $0x2, s0  }
0x5: {  	s7 =	sshrl.u32 s5, $0x1;
	s9 =	sadd.s32 $0x4000, s4;
	s11 =	sadd.s32 $0x6000, s4  }
0x6: {  	s13 =	sadd.s32 $0xA000, s4;
	s8 =	sadd.s32 s3, s4;
	s5 =	ssub.s32 s5, s7  }
0x7: {  	s10 =	sadd.s32 s3, s9;
	s19 =	sadd.s32 s3, s11;
	s12 =	sadd.s32 s3, s13  }
0x8: {  	s16 =	sshrl.u32 s8, $0x3;
	s8 =	sor.u32 $0x2000, s4;
	s18 =	sshrl.u32 s10, $0x3  }
0x9: {  	s20 =	sshrl.u32 s19, $0x3;
	s10 =	sadd.s32 $0x8000, s4;
	s22 =	sshrl.u32 s12, $0x3  }
0xa: {  	s19 =	sadd.s32 $0xE000, s4;
	s12 =	simm.s32 $0x0;
	s7 =	sadd.s32 s6, s16  }
0xb: {  	s17 =	sadd.s32 s3, s8;
	s21 =	sadd.s32 s3, s10;
	[smem:$0x7FF] =	sst s12  }
0xc: {  	s25 =	sadd.s32 s3, s19;
	[dreg:$0x3] =	wrdreg s7;
	s7 =	sshrl.u32 s17, $0x3  }
0xd: {  	s16 =	sshll.u32 s14, $0x1;
	s17 =	smul.u32 $0x50000, s14;
	s7 =	sadd.s32 s6, s7  }
0xe: {  	[dreg:$0x4] =	wrdreg s7;
	s7 =	sadd.s32 s6, s18;
	s18 =	sadd.s32 $0xC000, s4  }
0xf: {  	[dreg:$0x5] =	wrdreg s7;
	s7 =	sadd.s32 s6, s20;
	s23 =	sadd.s32 s3, s18  }
0x10: {  	s20 =	sadd.s32 $0x10000, s4;
	s4 =	sadd.s32 $0x12000, s4;
	[dreg:$0x6] =	wrdreg s7  }
0x11: {  	s7 =	sshrl.u32 s21, $0x3;
	s24 =	sshrl.u32 s23, $0x3;
	s26 =	sadd.s32 s3, s20  }
0x12: {  	s3 =	sadd.s32 s3, s4;
	s21 =	sshll.u32 s14, $0x9;
	s23 =	sshrl.u32 s17, $0x2  }
0x13: {  	s28 =	sadd.s32 s4, s2;
	s7 =	sadd.s32 s6, s7;
	s15 =	sshrl.u32 s26, $0x3  }
0x14: {  	s3 =	sshrl.u32 s3, $0x3;
	s17 =	sadd.s32 s23, s2;
	s26 =	sadd.s32 s9, s2  }
0x15: {  	s23 =	sadd.s32 s13, s2;
	s9 =	simm.s32 $0x1;
	s13 =	simm.s32 $0x0  }
0x16: {  	[dreg:$0x7] =	wrdreg s7;
	s7 =	sadd.s32 s6, s22;
	s3 =	sadd.s32 s6, s3  }
0x17: {  	s22 =	sshll.u32 s0, $0x8;
	s0 =	sor.u32 s16, s0;
	s16 =	sadd.s32 $0x3800, s1  }
0x18: {  	s30 =	sadd.s32 $0x2000, s17;
	s31 =	sadd.s32 $0x4000, s17;
	[dreg:$0x8] =	wrdreg s7  }
0x19: {  	s4 =	sadd.s32 $0xC000, s17;
	s7 =	sadd.s32 s6, s24;
	[dreg:$0xc] =	wrdreg s3  }
0x1a: {  	s14 =	sor.u32 s22, s21;
	s24 =	smax.u32 s5, $0x1;
	s21 =	sadd.s32 s11, s2  }
0x1b: {  	s22 =	sadd.s32 s10, s2;
	s0 =	ssub.s32 $0x9E3, s0;
	s3 =	sadd.s32 $0xA000, s17  }
0x1c: {  	s5 =	sadd.s32 $0xE000, s17;
	[dreg:$0x9] =	wrdreg s7;
	s7 =	sshrl.u32 s25, $0x3  }
0x1d: {  	s10 =	simm.s32 $0x80;
	s11 =	simm.s32 $0x100;
	s7 =	sadd.s32 s6, s7  }
0x1e: {  	s25 =	sadd.s32 s8, s2;
	[dreg:$0xa] =	wrdreg s7;
	s7 =	sadd.s32 s6, s15  }
0x1f: {  	s29 =	sshrl.u32 s0, $0x5;
	s0 =	sadd.s32 $0x8000, s17;
	[dreg:$0xb] =	wrdreg s7  }
0x20: {  	s8 =	simm.s32 $0x4100;
	_ =	strace $0x8000004A;
	[dreg:$0xd] =	wrdreg s24  }
0x21: {  	s15 =	sadd.s32 $0x17200, s1;
	s1 =	sadd.s32 $0x6000, s17;
	[dreg:$0xe] =	wrdreg s25  }
0x22: {  	s6 =	sadd.s32 $0x10000, s17;
	s7 =	sadd.s32 $0x12000, s17;
	[dreg:$0xf] =	wrdreg s26  }
0x23: {  	v0 =	vimm.f32 $0.0e+00;
	s24 =	sadd.s32 s18, s2;
	s25 =	sadd.s32 s19, s2;
	s26 =	sadd.s32 s20, s2  }
.LBB2_1:
0x24: {  	s18 =	simm.s32 $0x0;
	s19 =	simm.s32 $0x200  }
.LBB2_2:
0x25: {  	p0 =	sne.s32 s19, $0x7E00;
	[tilespmem:s18+$0x4170] =	vst v0  }
0x26: {  	[tilespmem:s18+$0x4100] =	vst v0  }
0x27: {  	[tilespmem:s18+$0x4110] =	vst v0  }
.Ltmp0:
0x28: {  	[tilespmem:s18+$0x4120] =	vst v0;
	(pc) =	sbr.rel @p0 .LBB2_2-.Ltmp0, $4  }
0x29: {  	[tilespmem:s18+$0x4130] =	vst v0  }
0x2a: {  	[tilespmem:s18+$0x4140] =	vst v0  }
0x2b: {  	[tilespmem:s18+$0x4150] =	vst v0  }
0x2c: {  	[tilespmem:s18+$0x4160] =	vst v0;
	s18 =	sshra.s32 s19, $0x2;
	s19 =	sadd.s32 $0x200, s19  }
0x2d: {  	[tilespmem:s18+$0x4170] =	vst v0  }
0x2e: {  	[tilespmem:s18+$0x4100] =	vst v0  }
0x2f: {  	[tilespmem:s18+$0x4110] =	vst v0  }
0x30: {  	[tilespmem:s18+$0x4120] =	vst v0  }
0x31: {  	[tilespmem:s18+$0x4130] =	vst v0  }
0x32: {  	[tilespmem:s18+$0x4140] =	vst v0  }
0x33: {  	[tilespmem:s18+$0x4150] =	vst v0  }
0x34: {  	[tilespmem:s18+$0x4160] =	vst v0  }
0x35: {  	[spmem:s17] =	stream.linear.scatter [tilespmem:s8], [sflag:$0x1], $0x2000, $0x38;
	[tilespmem:$0x1A100] =	vst v63  }
0x36: {  	_ =	swait.ge [sflag:s9], $0x2000  }
0x37: {  	[sflag:s9] =	ssyncset.done $0x0  }
0x38: {  	[sflag:s9] =	ssyncadd.s32 $0xFFFFE000  }
0x39: {  	[spmem:s30] =	stream.linear.scatter [tilespmem:s8], [sflag:$0x1], $0x2000, $0x38;
	[tilespmem:$0x1A100] =	vst v63  }
0x3a: {  	_ =	swait.ge [sflag:s9], $0x2000  }
0x3b: {  	[sflag:s9] =	ssyncset.done $0x0  }
0x3c: {  	[sflag:s9] =	ssyncadd.s32 $0xFFFFE000  }
0x3d: {  	[spmem:s31] =	stream.linear.scatter [tilespmem:s8], [sflag:$0x1], $0x2000, $0x38;
	[tilespmem:$0x1A100] =	vst v63  }
0x3e: {  	_ =	swait.ge [sflag:s9], $0x2000  }
0x3f: {  	[sflag:s9] =	ssyncset.done $0x0  }
0x40: {  	[sflag:s9] =	ssyncadd.s32 $0xFFFFE000  }
0x41: {  	[spmem:s1] =	stream.linear.scatter [tilespmem:s8], [sflag:$0x1], $0x2000, $0x38;
	[tilespmem:$0x1A100] =	vst v63  }
0x42: {  	_ =	swait.ge [sflag:s9], $0x2000  }
0x43: {  	[sflag:s9] =	ssyncset.done $0x0  }
0x44: {  	[sflag:s9] =	ssyncadd.s32 $0xFFFFE000  }
0x45: {  	[spmem:s0] =	stream.linear.scatter [tilespmem:s8], [sflag:$0x1], $0x2000, $0x38;
	[tilespmem:$0x1A100] =	vst v63  }
0x46: {  	_ =	swait.ge [sflag:s9], $0x2000  }
0x47: {  	[sflag:s9] =	ssyncset.done $0x0  }
0x48: {  	[sflag:s9] =	ssyncadd.s32 $0xFFFFE000  }
0x49: {  	[spmem:s3] =	stream.linear.scatter [tilespmem:s8], [sflag:$0x1], $0x2000, $0x38;
	[tilespmem:$0x1A100] =	vst v63  }
0x4a: {  	_ =	swait.ge [sflag:s9], $0x2000  }
0x4b: {  	[sflag:s9] =	ssyncset.done $0x0  }
0x4c: {  	[sflag:s9] =	ssyncadd.s32 $0xFFFFE000  }
0x4d: {  	[spmem:s4] =	stream.linear.scatter [tilespmem:s8], [sflag:$0x1], $0x2000, $0x38;
	[tilespmem:$0x1A100] =	vst v63  }
0x4e: {  	_ =	swait.ge [sflag:s9], $0x2000  }
0x4f: {  	[sflag:s9] =	ssyncset.done $0x0  }
0x50: {  	[sflag:s9] =	ssyncadd.s32 $0xFFFFE000  }
0x51: {  	[spmem:s5] =	stream.linear.scatter [tilespmem:s8], [sflag:$0x1], $0x2000, $0x38;
	[tilespmem:$0x1A100] =	vst v63  }
0x52: {  	_ =	swait.ge [sflag:s9], $0x2000  }
0x53: {  	[sflag:s9] =	ssyncset.done $0x0  }
0x54: {  	[sflag:s9] =	ssyncadd.s32 $0xFFFFE000  }
0x55: {  	[spmem:s6] =	stream.linear.scatter [tilespmem:s8], [sflag:$0x1], $0x2000, $0x38;
	[tilespmem:$0x1A100] =	vst v63  }
0x56: {  	_ =	swait.ge [sflag:s9], $0x2000  }
0x57: {  	[sflag:s9] =	ssyncset.done $0x0  }
0x58: {  	p1 =	sne.s32 s29, $0x1;
	[sflag:s9] =	ssyncadd.s32 $0xFFFFE000  }
0x59: {  	[spmem:s7] =	stream.linear.scatter [tilespmem:s8], [sflag:$0x1], $0x2000, $0x38;
	[tilespmem:$0x1A100] =	vst v63  }
.Ltmp1:
0x5a: {  	_ =	swait.ge [sflag:s9], $0x2000;
	(pc) =	sbr.rel @!p1 .LBB2_6-.Ltmp1, $4  }
0x5b: {  	[sflag:s9] =	ssyncset.done $0x0  }
0x5c: {  	[sflag:s9] =	ssyncadd.s32 $0xFFFFE000  }
0x5d: {  	[bflag:$0x0] =	sbarrier.arrive $0xFFFF  }
0x5e: {  	s18 =	sadd.s32 $0xFFFFFFFF, s29;
	s20 =	sshrl.u32 s14, $0x3;
	p0 =	por $0x0, $0x0  }
0x5f: {  	s19 =	sadd.s32 s16, s20  }
0x60: {  	[tilespmem:s12], [sflag:$0x1] =	stream.linear.gather [hbm4b:s19+s12], $0x100, $0x38;
	[tilespmem:$0x1A100] =	vst v63  }
0x61: {  	_ =	swait.ge [sflag:s9], $0x100  }
0x62: {  	[sflag:s9] =	ssyncset.done $0x0  }
0x63: {  	[sflag:s9] =	ssyncadd.s32 $0xFFFFFF00  }
0x64: {  	[tilespmem:s11], [sflag:$0x1] =	stream.indirect.gather [hbm4b:s15+s10], $0x80, s12, s10, $0xb8;
	[tilespmem:$0x1A100] =	vst v63  }
0x65: {  	p1 =	sne.s32 s18, $0x1;
	_ =	swait.ge [sflag:s9], $0x4000  }
.Ltmp2:
0x66: {  	[sflag:s9] =	ssyncset.done $0x0;
	(pc) =	sbr.rel @!p1 .LBB2_6-.Ltmp2, $4  }
0x67: {  	[sflag:s9] =	ssyncadd.s32 $0xFFFFC000  }
0x68: {  	[spmem:s2] =	stream.indirect.scatter.add.f32 [tilespmem:s11], [sflag:$0x1], $0x80, s10, s10, $0xb8;
	[tilespmem:$0x1A100] =	vst v63  }
0x69: {  	s18 =	sadd.s32 $0xFFFFFFFF, s18;
	s19 =	sadd.s32 $0x2000, s14;
	_ =	swait.ge [sflag:s9], $0x4000  }
0x6a: {  	p0 =	por $0x1, $0x1;
	s20 =	sshrl.u32 s19, $0x3;
	[sflag:s9] =	ssyncset.done $0x0  }
.LBB2_5:
0x6b: {  	p1 =	sne.s32 s18, $0x1;
	s20 =	sadd.s32 s16, s20;
	[sflag:s9] =	ssyncadd.s32 $0xFFFFC000  }
0x6c: {  	[tilespmem:s12], [sflag:$0x1] =	stream.linear.gather [hbm4b:s20+s12], $0x100, $0x38;
	[tilespmem:$0x1A100] =	vst v63  }
0x6d: {  	s18 =	sadd.s32 $0xFFFFFFFF, s18;
	_ =	swait.ge [sflag:s9], $0x100  }
0x6e: {  	[sflag:s9] =	ssyncset.done $0x0  }
0x6f: {  	[sflag:s9] =	ssyncadd.s32 $0xFFFFFF00  }
0x70: {  	[tilespmem:s11], [sflag:$0x1] =	stream.indirect.gather [hbm4b:s15+s10], $0x80, s12, s10, $0xb8;
	[tilespmem:$0x1A100] =	vst v63  }
0x71: {  	_ =	swait.ge [sflag:s9], $0x4000  }
.Ltmp3:
0x72: {  	[sflag:s9] =	ssyncset.done $0x0;
	(pc) =	sbr.rel @p1 .LBB2_5-.Ltmp3, $4  }
0x73: {  	[sflag:s9] =	ssyncadd.s32 $0xFFFFC000  }
0x74: {  	[spmem:s2] =	stream.indirect.scatter.add.f32 [tilespmem:s11], [sflag:$0x1], $0x80, s10, s10, $0xb8;
	[tilespmem:$0x1A100] =	vst v63  }
0x75: {  	s19 =	sadd.s32 $0x2000, s19;
	_ =	swait.ge [sflag:s9], $0x4000  }
0x76: {  	s20 =	sshrl.u32 s19, $0x3;
	[sflag:s9] =	ssyncset.done $0x0  }
.LBB2_6:
0x77: {  	s18 =	sadd.s32 s16, s20;
	[sflag:s9] =	ssyncadd.s32 @p0 $0xFFFFC000  }
0x78: {  	[tilespmem:s12], [sflag:$0x1] =	stream.linear.gather [hbm4b:s18+s12], $0x100, $0x38;
	[tilespmem:$0x1A100] =	vst v63  }
0x79: {  	_ =	swait.ge [sflag:s9], $0x100  }
0x7a: {  	[sflag:s9] =	ssyncset.done $0x0  }
0x7b: {  	[sflag:s9] =	ssyncadd.s32 $0xFFFFFF00  }
0x7c: {  	[tilespmem:s11], [sflag:$0x1] =	stream.indirect.gather [hbm4b:s15+s10], $0x80, s12, s10, $0xb8;
	[tilespmem:$0x1A100] =	vst v63  }
0x7d: {  	_ =	swait.ge [sflag:s9], $0x4000  }
0x7e: {  	[sflag:s9] =	ssyncset.done $0x0  }
0x7f: {  	[sflag:s9] =	ssyncadd.s32 $0xFFFFC000  }
0x80: {  	[spmem:s2] =	stream.indirect.scatter.add.f32 [tilespmem:s11], [sflag:$0x1], $0x80, s10, s10, $0xb8;
	[tilespmem:$0x1A100] =	vst v63  }
0x81: {  	_ =	swait.ge [sflag:s9], $0x4000  }
0x82: {  	[sflag:s9] =	ssyncset.done $0x0  }
0x83: {  	[sflag:s9] =	ssyncadd.s32 $0xFFFFC000  }
0x84: {  	[bflag:$0x0] =	sbarrier.arrive $0xFFFF  }
0x85: {  	[tilespmem:s8], [sflag:$0x1] =	stream.linear.gather [spmem:s17], $0x2000, $0x38;
	[tilespmem:$0x1A100] =	vst v63  }
0x86: {  	_ =	swait.ge [sflag:s9], $0x2000  }
0x87: {  	[sflag:s9] =	ssyncset.done $0x0  }
0x88: {  	s20 =	rddreg [dreg:$0x3];
	[sflag:s9] =	ssyncadd.s32 $0xFFFFE000  }
0x89: {  	[hbm4b:s20+s12] =	stream.linear.scatter [tilespmem:s8], [sflag:$0x1], $0x2000, $0x38;
	[tilespmem:$0x1A100] =	vst v63  }
0x8a: {  	_ =	swait.ge [sflag:s9], $0x2000  }
0x8b: {  	[sflag:s9] =	ssyncset.done $0x0  }
0x8c: {  	s19 =	rddreg [dreg:$0xe];
	[sflag:s9] =	ssyncadd.s32 $0xFFFFE000  }
0x8d: {  	[tilespmem:s8], [sflag:$0x1] =	stream.linear.gather [spmem:s19], $0x2000, $0x38;
	[tilespmem:$0x1A100] =	vst v63  }
0x8e: {  	_ =	swait.ge [sflag:s9], $0x2000  }
0x8f: {  	[sflag:s9] =	ssyncset.done $0x0  }
0x90: {  	s20 =	rddreg [dreg:$0x4];
	[sflag:s9] =	ssyncadd.s32 $0xFFFFE000  }
0x91: {  	[hbm4b:s20+s12] =	stream.linear.scatter [tilespmem:s8], [sflag:$0x1], $0x2000, $0x38;
	[tilespmem:$0x1A100] =	vst v63  }
0x92: {  	_ =	swait.ge [sflag:s9], $0x2000  }
0x93: {  	[sflag:s9] =	ssyncset.done $0x0  }
0x94: {  	s19 =	rddreg [dreg:$0xf];
	[sflag:s9] =	ssyncadd.s32 $0xFFFFE000  }
0x95: {  	[tilespmem:s8], [sflag:$0x1] =	stream.linear.gather [spmem:s19], $0x2000, $0x38;
	[tilespmem:$0x1A100] =	vst v63  }
0x96: {  	_ =	swait.ge [sflag:s9], $0x2000  }
0x97: {  	[sflag:s9] =	ssyncset.done $0x0  }
0x98: {  	s20 =	rddreg [dreg:$0x5];
	[sflag:s9] =	ssyncadd.s32 $0xFFFFE000  }
0x99: {  	[hbm4b:s20+s12] =	stream.linear.scatter [tilespmem:s8], [sflag:$0x1], $0x2000, $0x38;
	[tilespmem:$0x1A100] =	vst v63  }
0x9a: {  	_ =	swait.ge [sflag:s9], $0x2000  }
0x9b: {  	[sflag:s9] =	ssyncset.done $0x0  }
0x9c: {  	[sflag:s9] =	ssyncadd.s32 $0xFFFFE000  }
0x9d: {  	[tilespmem:s8], [sflag:$0x1] =	stream.linear.gather [spmem:s21], $0x2000, $0x38;
	[tilespmem:$0x1A100] =	vst v63  }
0x9e: {  	_ =	swait.ge [sflag:s9], $0x2000  }
0x9f: {  	[sflag:s9] =	ssyncset.done $0x0  }
0xa0: {  	s19 =	rddreg [dreg:$0x6];
	[sflag:s9] =	ssyncadd.s32 $0xFFFFE000  }
0xa1: {  	[hbm4b:s19+s12] =	stream.linear.scatter [tilespmem:s8], [sflag:$0x1], $0x2000, $0x38;
	[tilespmem:$0x1A100] =	vst v63  }
0xa2: {  	_ =	swait.ge [sflag:s9], $0x2000  }
0xa3: {  	[sflag:s9] =	ssyncset.done $0x0  }
0xa4: {  	[sflag:s9] =	ssyncadd.s32 $0xFFFFE000  }
0xa5: {  	[tilespmem:s8], [sflag:$0x1] =	stream.linear.gather [spmem:s22], $0x2000, $0x38;
	[tilespmem:$0x1A100] =	vst v63  }
0xa6: {  	_ =	swait.ge [sflag:s9], $0x2000  }
0xa7: {  	[sflag:s9] =	ssyncset.done $0x0  }
0xa8: {  	s20 =	rddreg [dreg:$0x7];
	[sflag:s9] =	ssyncadd.s32 $0xFFFFE000  }
0xa9: {  	[hbm4b:s20+s12] =	stream.linear.scatter [tilespmem:s8], [sflag:$0x1], $0x2000, $0x38;
	[tilespmem:$0x1A100] =	vst v63  }
0xaa: {  	_ =	swait.ge [sflag:s9], $0x2000  }
0xab: {  	[sflag:s9] =	ssyncset.done $0x0  }
0xac: {  	[sflag:s9] =	ssyncadd.s32 $0xFFFFE000  }
0xad: {  	[tilespmem:s8], [sflag:$0x1] =	stream.linear.gather [spmem:s23], $0x2000, $0x38;
	[tilespmem:$0x1A100] =	vst v63  }
0xae: {  	_ =	swait.ge [sflag:s9], $0x2000  }
0xaf: {  	[sflag:s9] =	ssyncset.done $0x0  }
0xb0: {  	s19 =	rddreg [dreg:$0x8];
	[sflag:s9] =	ssyncadd.s32 $0xFFFFE000  }
0xb1: {  	[hbm4b:s19+s12] =	stream.linear.scatter [tilespmem:s8], [sflag:$0x1], $0x2000, $0x38;
	[tilespmem:$0x1A100] =	vst v63  }
0xb2: {  	_ =	swait.ge [sflag:s9], $0x2000  }
0xb3: {  	[sflag:s9] =	ssyncset.done $0x0  }
0xb4: {  	[sflag:s9] =	ssyncadd.s32 $0xFFFFE000  }
0xb5: {  	[tilespmem:s8], [sflag:$0x1] =	stream.linear.gather [spmem:s24], $0x2000, $0x38;
	[tilespmem:$0x1A100] =	vst v63  }
0xb6: {  	_ =	swait.ge [sflag:s9], $0x2000  }
0xb7: {  	[sflag:s9] =	ssyncset.done $0x0  }
0xb8: {  	s20 =	rddreg [dreg:$0x9];
	[sflag:s9] =	ssyncadd.s32 $0xFFFFE000  }
0xb9: {  	[hbm4b:s20+s12] =	stream.linear.scatter [tilespmem:s8], [sflag:$0x1], $0x2000, $0x38;
	[tilespmem:$0x1A100] =	vst v63  }
0xba: {  	_ =	swait.ge [sflag:s9], $0x2000  }
0xbb: {  	[sflag:s9] =	ssyncset.done $0x0  }
0xbc: {  	[sflag:s9] =	ssyncadd.s32 $0xFFFFE000  }
0xbd: {  	[tilespmem:s8], [sflag:$0x1] =	stream.linear.gather [spmem:s25], $0x2000, $0x38;
	[tilespmem:$0x1A100] =	vst v63  }
0xbe: {  	_ =	swait.ge [sflag:s9], $0x2000  }
0xbf: {  	[sflag:s9] =	ssyncset.done $0x0  }
0xc0: {  	s19 =	rddreg [dreg:$0xa];
	[sflag:s9] =	ssyncadd.s32 $0xFFFFE000  }
0xc1: {  	[hbm4b:s19+s12] =	stream.linear.scatter [tilespmem:s8], [sflag:$0x1], $0x2000, $0x38;
	[tilespmem:$0x1A100] =	vst v63  }
0xc2: {  	_ =	swait.ge [sflag:s9], $0x2000  }
0xc3: {  	[sflag:s9] =	ssyncset.done $0x0  }
0xc4: {  	[sflag:s9] =	ssyncadd.s32 $0xFFFFE000  }
0xc5: {  	[tilespmem:s8], [sflag:$0x1] =	stream.linear.gather [spmem:s26], $0x2000, $0x38;
	[tilespmem:$0x1A100] =	vst v63  }
0xc6: {  	_ =	swait.ge [sflag:s9], $0x2000  }
0xc7: {  	[sflag:s9] =	ssyncset.done $0x0  }
0xc8: {  	s20 =	rddreg [dreg:$0xb];
	[sflag:s9] =	ssyncadd.s32 $0xFFFFE000  }
0xc9: {  	[hbm4b:s20+s12] =	stream.linear.scatter [tilespmem:s8], [sflag:$0x1], $0x2000, $0x38;
	[tilespmem:$0x1A100] =	vst v63  }
0xca: {  	_ =	swait.ge [sflag:s9], $0x2000  }
0xcb: {  	[sflag:s9] =	ssyncset.done $0x0  }
0xcc: {  	[sflag:s9] =	ssyncadd.s32 $0xFFFFE000  }
0xcd: {  	[tilespmem:s8], [sflag:$0x1] =	stream.linear.gather [spmem:s28], $0x2000, $0x38;
	[tilespmem:$0x1A100] =	vst v63  }
0xce: {  	_ =	swait.ge [sflag:s9], $0x2000  }
0xcf: {  	[sflag:s9] =	ssyncset.done $0x0  }
0xd0: {  	s19 =	rddreg [dreg:$0xc];
	[sflag:s9] =	ssyncadd.s32 $0xFFFFE000  }
0xd1: {  	[hbm4b:s19+s12] =	stream.linear.scatter [tilespmem:s8], [sflag:$0x1], $0x2000, $0x38;
	[tilespmem:$0x1A100] =	vst v63  }
0xd2: {  	_ =	swait.ge [sflag:s9], $0x2000  }
0xd3: {  	s13 =	sadd.s32 $0x1, s13;
	s20 =	rddreg [dreg:$0xd]  }
0xd4: {  	p0 =	sne.s32 s13, s20  }
.Ltmp4:
0xd5: {  	_ = 	snop;
	(pc) =	sbr.rel @p0 .LBB2_1-.Ltmp4, $3  }
0xd6: {  	_ =	sdelay $0x1  }
0xd7: {  	[sflag:s9] =	ssyncset.done $0x0  }
0xd8: {  	[sflag:s9] =	ssyncadd.s32 $0xFFFFE000  }
0xd9: {  	_ =	sfence.sel $0x180000  }
0xda: {  	[bflag:$0x0] =	sbarrier.arrive $0xFFFF  }
0xdb: {  	_ =	strace $0x9000004A  }
0xdc: {  	s0 =	stileid.u32;
	[bflag:$0x2] =	sbarrier.arrive $0xFFFF  }
0xdd: {  	p0 =	sne.s32 s0, $0x0;
	s0 =	rddreg [dreg:$0x2]  }
0xde: {  	s0 =	sadd.s32 @!p0 $0x100000, s0  }
0xdf: {  	[sflag:s0] =	ssyncadd.tile.s32 @!p0 $0x1;
	_ =	shalt  }
.Lfunc_end2:
_tile_overlayer_lowered:
.L_overlay_start_2:
0xe0: {  	(tag) =	ssettag $0x2  }
0xe1: {  	s0 =	rddreg [dreg:$0x0];
	s2 =	stileid.u32  }
0xe2: {  	s1 =	rddreg [dreg:$0x1];
	p0 =	sne.s32 s2, $0x0  }
0xe3: {  	s3 =	rddreg [dreg:$0x2];
	[bflag:$0x3] =	sbarrier.arrive $0xFFFF;
	s2 =	simm.s32 @!p0 $0x1C01  }
0xe4: {  	[timem:s3], [sflag:s2] =	dma.local @!p0 [hbm:s0], s1  }
0xe5: {  	s0 =	simm.s32 @!p0 $0x1  }
0xe6: {  	_ =	swait.ge @!p0 [sflag:s0], s1  }
0xe7: {  	s1 =	ssub.s32 @!p0 $0x0, s1;
	[sflag:s0] =	ssyncset.done @!p0 $0x0  }
0xe8: {  	[sflag:s0] =	ssyncadd.s32 @!p0 s1  }
0xe9: {  	[bflag:$0x3] =	sbarrier.arrive $0xFFFF  }
0xea: {  	_ =	shalt  }

// kernel: kernel.16.cloned.1.call-start
scs
__scs_entry_jumppad:
0x0: {  	(pc) =	sbr.rel $0x88, $3  }
0x1: {  	(tag) =	ssettag $0x0;
	lr =	simm.s32 $0x1  }
0x2: {  	[smem:$0x3F97] =	sst lr;
	_ =	strace $0xD0000000  }
0x3: {  	_ = 	snop  }
0x4: {  	_ = 	snop  }
0x5: {  	_ = 	snop  }
0x6: {  	_ = 	snop  }
0x7: {  	_ = 	snop  }
__scs_overlays_trampoline_lowered:
0x8: {  	[smem:$0x3FA6] =	sst s0  }
0x9: {  	[smem:$0x3FA7] =	sst s1  }
0xa: {  	[smem:$0x3FA8] =	sst s2  }
0xb: {  	[smem:$0x3FA9] =	sst s3  }
0xc: {  	[smem:$0x3FAA] =	sst s4  }
0xd: {  	[smem:$0x3FAB] =	sst s5  }
0xe: {  	[smem:$0x3FAC] =	sst s6  }
0xf: {  	[smem:$0x3FAD] =	sst s7  }
0x10: {  	[smem:$0x3FAE] =	sst s8  }
0x11: {  	[smem:$0x3FAF] =	sst s9;
	s0 =	simm.s32 @!p0 $0x0  }
0x12: {  	s1 =	sld [smem:$0x3F95];
	s0 =	simm.s32 @p0 $0x1  }
0x13: {  	[smem:$0x3FB0] =	sst s0;
	s0 =	simm.s32 @!p1 $0x0  }
0x14: {  	s2 =	sld [smem:$0x3F94];
	s0 =	simm.s32 @p1 $0x1  }
0x15: {  	[smem:$0x3FB1] =	sst s0;
	s0 =	simm.s32 @!p2 $0x0  }
0x16: {  	s3 =	sld [smem:$0x3FDB];
	s0 =	simm.s32 @p2 $0x1  }
0x17: {  	s4 =	simm.s32 $0x1BF5;
	[smem:$0x3FB3] =	sst s0  }
0x18: {  	s0 =	sld [smem:$0x3F96];
	_ =	swait.ge [sflag:s4], $0x0  }
0x19: {  	s7 =	sld [smem:$0x3F97]  }
0x1a: {  	s8 =	sadd.s32 $0xFFFFE003, lr  }
0x1b: {  	s9 =	sadd.s32 $0xFFFFFEF7, lr;
	s5 =	simm.s32 $0xFFFFFFFF;
	p2 =	slt.u32 s8, $0xFFFFF086  }
0x1c: {  	p1 =	slt.u32 s9, $0xF7A;
	s5 =	simm.s32 @!p2 $0x0  }
0x1d: {  	s5 =	simm.s32 @p1 $0x1;
	p0 =	seq.s32 s7, s2  }
0x1e: {  	s7 =	smul.u32 @!p0 $0xF7A, s2;
	p2 =	seq.s32 @!p0 s5, $0x0  }
0x1f: {  	s9 =	smul.u32 $0xF7A, s1;
	s8 =	simm.s32 @!p0 $0x1BF5;
	p2 =	por !p2, p0  }
0x20: {  	[sflag:s8] =	ssyncset.s32 @!p0 $0xFFFFF086;
	s6 =	sadd.s32 @!p0 s3, s7;
	s7 =	simm.s32 @!p0 $0x108  }
0x21: {  	s3 =	sadd.s32 s3, s9;
	s6 =	sadd.s32 @!p0 $0x88, s6;
	s7 =	simm.s32 @p2 $0x1082  }
0x22: {  	[simem:s7], [sflag:s8] =	dma.local @!p0 [hbm:s6], $0xF7A  }
0x23: {  	s9 =	sor.u32 $0xD0000000, s2;
	s6 =	simm.s32 $0x108;
	_ =	swait.ge @!p0 [sflag:s8], $0x0  }
0x24: {  	s3 =	sadd.s32 $0x88, s3;
	s6 =	simm.s32 @!p1 $0x1082;
	[sflag:s4] =	ssyncset.s32 $0xFFFFF086  }
0x25: {  	[simem:s6], [sflag:s4] =	dma.local [hbm:s3], $0xF7A  }
0x26: {  	[smem:$0x3F97] =	sst s1;
	(tag) =	ssettag s2;
	_ =	strace s9  }
0x27: {  	s1 =	sld [smem:$0x3FA7]  }
0x28: {  	s2 =	sld [smem:$0x3FA8]  }
0x29: {  	s4 =	sld [smem:$0x3FAA]  }
0x2a: {  	p0 =	seq.s32 s5, $0x0;
	s5 =	sld [smem:$0x3FAB]  }
0x2b: {  	s6 =	sld [smem:$0x3FAC]  }
0x2c: {  	s7 =	sld [smem:$0x3FAD]  }
0x2d: {  	s3 =	simm.s32 $0x108;
	s8 =	sld [smem:$0x3FAE]  }
0x2e: {  	s3 =	simm.s32 @!p0 $0x1082;
	s9 =	sld [smem:$0x3FAF]  }
0x2f: {  	lr =	sadd.s32 s0, s3;
	s0 =	sld [smem:$0x3FA6]  }
0x30: {  	s3 =	sld [smem:$0x3FA9]  }
0x31: {  	[smem:$0x3FB2] =	sst s10  }
0x32: {  	s10 =	sld [smem:$0x3FB0];
	_ =	sdelay $0x3  }
0x33: {  	p0 =	seq.s32 s10, $0x1;
	s10 =	sld [smem:$0x3FB2];
	_ =	sdelay $0x3  }
0x34: {  	[smem:$0x3FB2] =	sst s10  }
0x35: {  	s10 =	sld [smem:$0x3FB1];
	_ =	sdelay $0x3  }
0x36: {  	p1 =	seq.s32 s10, $0x1;
	s10 =	sld [smem:$0x3FB2];
	_ =	sdelay $0x3  }
0x37: {  	[smem:$0x3FB2] =	sst s10  }
0x38: {  	s10 =	sld [smem:$0x3FB3]  }
0x39: {  	_ = 	snop;
	(pc) =	sbr.ind lr, $3  }
0x3a: {  	_ = 	snop  }
0x3b: {  	_ = 	snop  }
0x3c: {  	p2 =	seq.s32 s10, $0x1;
	s10 =	sld [smem:$0x3FB2]  }
0x3d: {  	_ =	shalt  }
0x3e: {  	_ =	shalt  }
0x3f: {  	_ =	shalt  }
0x40: {  	_ =	shalt  }
0x41: {  	_ =	shalt  }
0x42: {  	_ =	shalt  }
0x43: {  	_ =	shalt  }
0x44: {  	_ =	shalt  }
0x45: {  	_ =	shalt  }
0x46: {  	_ =	shalt  }
0x47: {  	_ =	shalt  }
0x48: {  	_ =	shalt  }
0x49: {  	_ =	shalt  }
0x4a: {  	_ =	shalt  }
0x4b: {  	_ =	shalt  }
0x4c: {  	_ =	shalt  }
0x4d: {  	_ =	shalt  }
0x4e: {  	_ =	shalt  }
0x4f: {  	_ =	shalt  }
0x50: {  	_ =	shalt  }
0x51: {  	_ =	shalt  }
0x52: {  	_ =	shalt  }
0x53: {  	_ =	shalt  }
0x54: {  	_ =	shalt  }
0x55: {  	_ =	shalt  }
0x56: {  	_ =	shalt  }
0x57: {  	_ =	shalt  }
0x58: {  	_ =	shalt  }
0x59: {  	_ =	shalt  }
0x5a: {  	_ =	shalt  }
0x5b: {  	_ =	shalt  }
0x5c: {  	_ =	shalt  }
0x5d: {  	_ =	shalt  }
0x5e: {  	_ =	shalt  }
0x5f: {  	_ =	shalt  }
0x60: {  	_ =	shalt  }
0x61: {  	_ =	shalt  }
0x62: {  	_ =	shalt  }
0x63: {  	_ =	shalt  }
0x64: {  	_ =	shalt  }
0x65: {  	_ =	shalt  }
0x66: {  	_ =	shalt  }
0x67: {  	_ =	shalt  }
0x68: {  	_ =	shalt  }
0x69: {  	_ =	shalt  }
0x6a: {  	_ =	shalt  }
0x6b: {  	_ =	shalt  }
0x6c: {  	_ =	shalt  }
0x6d: {  	_ =	shalt  }
0x6e: {  	_ =	shalt  }
0x6f: {  	_ =	shalt  }
0x70: {  	_ =	shalt  }
0x71: {  	_ =	shalt  }
0x72: {  	_ =	shalt  }
0x73: {  	_ =	shalt  }
0x74: {  	_ =	shalt  }
0x75: {  	_ =	shalt  }
0x76: {  	_ =	shalt  }
0x77: {  	_ =	shalt  }
0x78: {  	_ =	shalt  }
0x79: {  	_ =	shalt  }
0x7a: {  	_ =	shalt  }
0x7b: {  	_ =	shalt  }
0x7c: {  	_ =	shalt  }
0x7d: {  	_ =	shalt  }
0x7e: {  	_ =	shalt  }
0x7f: {  	_ =	shalt  }
0x80: {  	_ =	shalt  }
0x81: {  	_ =	shalt  }
0x82: {  	_ =	shalt  }
0x83: {  	_ =	shalt  }
0x84: {  	_ =	shalt  }
0x85: {  	_ =	shalt  }
0x86: {  	_ =	shalt  }
0x87: {  	_ =	shalt  }
.Lfunc_end0:
.L_simem_size_0:
called_computation.2_lowered:
.L_overlay_start_0:
0x88: {  	s2 =	sld [smem:$0x3FD9]  }
0x89: {  	s3 =	sld [smem:$0x3FFE];
	_ =	sdelay $0x1  }
0x8a: {  	s1 =	srdreg.scid  }
0x8b: {  	s0 =	sand.u32 $0x1, s1  }
0x8c: {  	s16 =	sshll.u32 s0, $0xA;
	s2 =	sadd.s32 s3, s2  }
0x8d: {  	s2 =	sadd.s32 s2, s16  }
0x8e: {  	[smem:$0x3FBE] =	sst s2  }
0x8f: {  	_ = 	snop  }
0x90: {  	(tm) =	ssettm $0x1  }
0x91: {  	s17 =	sld [smem:$0x3FFB];
	_ =	sdelay $0x3  }
0x92: {  	_ =	strace s17  }
0x93: {  	s2 =	sld [smem:$0x3FFC];
	_ =	sdelay $0x3  }
0x94: {  	_ =	strace s2  }
0x95: {  	s2 =	sld [smem:$0x3FFD];
	_ =	sdelay $0x3  }
0x96: {  	_ =	strace s2  }
0x97: {  	_ =	strace $0x8FFFFFFF  }
0x98: {  	s18 =	sld [smem:$0x3FDB];
	_ =	sdelay $0x1  }
0x99: {  	s19 =	simm.s32 $_scs_section_size  }
0x9a: {  	s4 =	simm.s32 $_size__tile_overlayer_lowered;
	s5 =	simm.s32 $_tile_overlayer_lowered  }
0x9b: {  	s22 =	simm.s32 $0x1BFF;
	s21 =	sshll.u32 s5, $0x1;
	s2 =	sadd.s32 s19, s18  }
0x9c: {  	s6 =	simm.s32 $0x0;
	s20 =	sshll.u32 s4, $0x1;
	s4 =	sadd.s32 s21, s2  }
0x9d: {  	[timem:s6], [sflag:s22] =	dma.local [hbm:s4], s20  }
0x9e: {  	_ =	swait.ge [sflag:s22], s20  }
0x9f: {  	s3 =	ssub.s32 $0x0, s20;
	[sflag:s22] =	ssyncset.done $0x0  }
0xa0: {  	[sflag:s22] =	ssyncadd.s32 s3;
	_ =	sdelay $0x1  }
0xa1: {  	s23 =	simm.s32 $0x1B8B  }
0xa2: {  	_ =	swait.ge [sflag:s23], $0x1  }
0xa3: {  	[sflag:s23] =	ssyncset.done $0x0  }
0xa4: {  	s25 =	simm.s32 $0x1B8E;
	s24 =	sld [smem:$0x3FFE];
	[sflag:s23] =	ssyncadd.s32 $0xFFFFFFFF  }
0xa5: {  	s26 =	simm.s32 $execute0_lowered;
	[smem:$0x3FD2] =	sst s25  }
0xa6: {  	s4 =	sshll.u32 s26, $0x1;
	_ =	strace $0x8000004C;
	[dreg:$0x1] =	wrdreg $0xFFFFFFFF  }
0xa7: {  	s28 =	simm.s32 $_size_execute0_lowered;
	s2 =	sadd.s32 s2, s4;
	[dreg:$0x0] =	wrdreg $0x0  }
0xa8: {  	s4 =	sshll.u32 s28, $0x1;
	[dreg:$0x2] =	wrdreg s2  }
0xa9: {  	[dreg:$0x3] =	wrdreg s4  }
0xaa: {  	[dreg:$0x4] =	wrdreg $0xC0  }
0xab: {  	_ =	task [dreg:s6], $0x5FFFF  }
0xac: {  	[dreg:$0x1] =	wrdreg $0xFFFFFFFF  }
0xad: {  	[dreg:$0x0] =	wrdreg $0x60  }
0xae: {  	[dreg:$0x2] =	wrdreg s24  }
0xaf: {  	[dreg:$0x3] =	wrdreg $0x61000  }
0xb0: {  	[dreg:$0x4] =	wrdreg $0x9  }
0xb1: {  	_ =	task.clear_ibuf [dreg:s6], $0x5FFFF;
	_ =	strace $0x9000004C  }
0xb2: {  	s29 =	simm.s32 $0x9;
	_ =	strace $0x8000004E  }
0xb3: {  	_ =	swait.ge [sflag:s29], $0x1  }
0xb4: {  	[sflag:s29] =	ssyncadd.s32 $0xFFFFFFFF  }
0xb5: {  	_ =	strace $0x9000004E  }
0xb6: {  	_ =	sfence  }
0xb7: {  	s30 =	sld [smem:$0x0];
	_ =	sdelay $0x2  }
0xb8: {  	s31 =	sshll.u32 s1, $0xD;
	s1 =	sshrl.u32 s1, $0x2  }
0xb9: {  	s3 =	sand.u32 $0x4000, s31;
	s1 =	sadd.s32 s1, s30  }
0xba: {  	s0 =	sor.u32 s3, s0;
	s1 =	sshll.u32 s1, $0x11  }
0xbb: {  	s0 =	sor.u32 s1, s0  }
0xbc: {  	s0 =	sadd.s32 $0x8F2B, s0  }
0xbd: {  	[sflag:s0] =	ssyncadd.remote.s32 $0x1  }
0xbe: {  	_ =	sfence.sel $0xFFFF  }
0xbf: {  	[dreg:$0x0] =	wrdreg $0xFFFFFFFF;
	(pc) =	sbr.abs _section_cstart, $3  }
0xc0: {  	[dreg:$0x1] =	wrdreg $0xFFFFFFFF  }
0xc1: {  	_ =	task.clear_ibuf [dreg:s6], $0x2FFFF;
	_ =	strace $0x9FFFFFFF  }
0xc2: {  	(tm) =	ssettm $0x7FFFFFFF  }
0xc3: {  	_ =	shalt  }
tec
execute0_lowered:
.L_overlay_start_1:
0x0: {  	(tag) =	ssettag $0x1  }
0x1: {  	s0 =	srdreg.scid  }
0x2: {  	s1 =	rddreg [dreg:$0x0];
	s14 =	stileid.u32  }
0x3: {  	s2 =	rddreg [dreg:$0x1];
	s0 =	sand.u32 $0x1, s0;
	s4 =	smul.u32 $0x14000, s14  }
0x4: {  	s6 =	sadd.s32 $0x3F200, s1;
	s3 =	smul.u32 $0x140000, s0;
	s5 =	ssub.s32 $0x2, s0  }
0x5: {  	s7 =	sshrl.u32 s5, $0x1;
	s9 =	sadd.s32 $0x4000, s4;
	s11 =	sadd.s32 $0x6000, s4  }
0x6: {  	s13 =	sadd.s32 $0xA000, s4;
	s8 =	sadd.s32 s3, s4;
	s5 =	ssub.s32 s5, s7  }
0x7: {  	s10 =	sadd.s32 s3, s9;
	s19 =	sadd.s32 s3, s11;
	s12 =	sadd.s32 s3, s13  }
0x8: {  	s16 =	sshrl.u32 s8, $0x3;
	s8 =	sor.u32 $0x2000, s4;
	s18 =	sshrl.u32 s10, $0x3  }
0x9: {  	s20 =	sshrl.u32 s19, $0x3;
	s10 =	sadd.s32 $0x8000, s4;
	s22 =	sshrl.u32 s12, $0x3  }
0xa: {  	s19 =	sadd.s32 $0xE000, s4;
	s12 =	simm.s32 $0x0;
	s7 =	sadd.s32 s6, s16  }
0xb: {  	s17 =	sadd.s32 s3, s8;
	s21 =	sadd.s32 s3, s10;
	[smem:$0x7FF] =	sst s12  }
0xc: {  	s25 =	sadd.s32 s3, s19;
	[dreg:$0x3] =	wrdreg s7;
	s7 =	sshrl.u32 s17, $0x3  }
0xd: {  	s16 =	sshll.u32 s14, $0x1;
	s17 =	smul.u32 $0x50000, s14;
	s7 =	sadd.s32 s6, s7  }
0xe: {  	[dreg:$0x4] =	wrdreg s7;
	s7 =	sadd.s32 s6, s18;
	s18 =	sadd.s32 $0xC000, s4  }
0xf: {  	[dreg:$0x5] =	wrdreg s7;
	s7 =	sadd.s32 s6, s20;
	s23 =	sadd.s32 s3, s18  }
0x10: {  	s20 =	sadd.s32 $0x10000, s4;
	s4 =	sadd.s32 $0x12000, s4;
	[dreg:$0x6] =	wrdreg s7  }
0x11: {  	s7 =	sshrl.u32 s21, $0x3;
	s24 =	sshrl.u32 s23, $0x3;
	s26 =	sadd.s32 s3, s20  }
0x12: {  	s3 =	sadd.s32 s3, s4;
	s21 =	sshll.u32 s14, $0x9;
	s23 =	sshrl.u32 s17, $0x2  }
0x13: {  	s28 =	sadd.s32 s4, s2;
	s7 =	sadd.s32 s6, s7;
	s15 =	sshrl.u32 s26, $0x3  }
0x14: {  	s3 =	sshrl.u32 s3, $0x3;
	s17 =	sadd.s32 s23, s2;
	s26 =	sadd.s32 s9, s2  }
0x15: {  	s23 =	sadd.s32 s13, s2;
	s9 =	simm.s32 $0x1;
	s13 =	simm.s32 $0x0  }
0x16: {  	[dreg:$0x7] =	wrdreg s7;
	s7 =	sadd.s32 s6, s22;
	s3 =	sadd.s32 s6, s3  }
0x17: {  	s22 =	sshll.u32 s0, $0x8;
	s0 =	sor.u32 s16, s0;
	s16 =	sadd.s32 $0x3800, s1  }
0x18: {  	s30 =	sadd.s32 $0x2000, s17;
	s31 =	sadd.s32 $0x4000, s17;
	[dreg:$0x8] =	wrdreg s7  }
0x19: {  	s4 =	sadd.s32 $0xC000, s17;
	s7 =	sadd.s32 s6, s24;
	[dreg:$0xc] =	wrdreg s3  }
0x1a: {  	s14 =	sor.u32 s22, s21;
	s24 =	smax.u32 s5, $0x1;
	s21 =	sadd.s32 s11, s2  }
0x1b: {  	s22 =	sadd.s32 s10, s2;
	s0 =	ssub.s32 $0x9E3, s0;
	s3 =	sadd.s32 $0xA000, s17  }
0x1c: {  	s5 =	sadd.s32 $0xE000, s17;
	[dreg:$0x9] =	wrdreg s7;
	s7 =	sshrl.u32 s25, $0x3  }
0x1d: {  	s10 =	simm.s32 $0x80;
	s11 =	simm.s32 $0x100;
	s7 =	sadd.s32 s6, s7  }
0x1e: {  	s25 =	sadd.s32 s8, s2;
	[dreg:$0xa] =	wrdreg s7;
	s7 =	sadd.s32 s6, s15  }
0x1f: {  	s29 =	sshrl.u32 s0, $0x5;
	s0 =	sadd.s32 $0x8000, s17;
	[dreg:$0xb] =	wrdreg s7  }
0x20: {  	s8 =	simm.s32 $0x4100;
	_ =	strace $0x8000004D;
	[dreg:$0xd] =	wrdreg s24  }
0x21: {  	s15 =	sadd.s32 $0x17200, s1;
	s1 =	sadd.s32 $0x6000, s17;
	[dreg:$0xe] =	wrdreg s25  }
0x22: {  	s6 =	sadd.s32 $0x10000, s17;
	s7 =	sadd.s32 $0x12000, s17;
	[dreg:$0xf] =	wrdreg s26  }
0x23: {  	v0 =	vimm.f32 $0.0e+00;
	s24 =	sadd.s32 s18, s2;
	s25 =	sadd.s32 s19, s2;
	s26 =	sadd.s32 s20, s2  }
.LBB2_1:
0x24: {  	s18 =	simm.s32 $0x0;
	s19 =	simm.s32 $0x200  }
.LBB2_2:
0x25: {  	p0 =	sne.s32 s19, $0x7E00;
	[tilespmem:s18+$0x4170] =	vst v0  }
0x26: {  	[tilespmem:s18+$0x4100] =	vst v0  }
0x27: {  	[tilespmem:s18+$0x4110] =	vst v0  }
.Ltmp0:
0x28: {  	[tilespmem:s18+$0x4120] =	vst v0;
	(pc) =	sbr.rel @p0 .LBB2_2-.Ltmp0, $4  }
0x29: {  	[tilespmem:s18+$0x4130] =	vst v0  }
0x2a: {  	[tilespmem:s18+$0x4140] =	vst v0  }
0x2b: {  	[tilespmem:s18+$0x4150] =	vst v0  }
0x2c: {  	[tilespmem:s18+$0x4160] =	vst v0;
	s18 =	sshra.s32 s19, $0x2;
	s19 =	sadd.s32 $0x200, s19  }
0x2d: {  	[tilespmem:s18+$0x4170] =	vst v0  }
0x2e: {  	[tilespmem:s18+$0x4100] =	vst v0  }
0x2f: {  	[tilespmem:s18+$0x4110] =	vst v0  }
0x30: {  	[tilespmem:s18+$0x4120] =	vst v0  }
0x31: {  	[tilespmem:s18+$0x4130] =	vst v0  }
0x32: {  	[tilespmem:s18+$0x4140] =	vst v0  }
0x33: {  	[tilespmem:s18+$0x4150] =	vst v0  }
0x34: {  	[tilespmem:s18+$0x4160] =	vst v0  }
0x35: {  	[spmem:s17] =	stream.linear.scatter [tilespmem:s8], [sflag:$0x1], $0x2000, $0x38;
	[tilespmem:$0x1A100] =	vst v63  }
0x36: {  	_ =	swait.ge [sflag:s9], $0x2000  }
0x37: {  	[sflag:s9] =	ssyncset.done $0x0  }
0x38: {  	[sflag:s9] =	ssyncadd.s32 $0xFFFFE000  }
0x39: {  	[spmem:s30] =	stream.linear.scatter [tilespmem:s8], [sflag:$0x1], $0x2000, $0x38;
	[tilespmem:$0x1A100] =	vst v63  }
0x3a: {  	_ =	swait.ge [sflag:s9], $0x2000  }
0x3b: {  	[sflag:s9] =	ssyncset.done $0x0  }
0x3c: {  	[sflag:s9] =	ssyncadd.s32 $0xFFFFE000  }
0x3d: {  	[spmem:s31] =	stream.linear.scatter [tilespmem:s8], [sflag:$0x1], $0x2000, $0x38;
	[tilespmem:$0x1A100] =	vst v63  }
0x3e: {  	_ =	swait.ge [sflag:s9], $0x2000  }
0x3f: {  	[sflag:s9] =	ssyncset.done $0x0  }
0x40: {  	[sflag:s9] =	ssyncadd.s32 $0xFFFFE000  }
0x41: {  	[spmem:s1] =	stream.linear.scatter [tilespmem:s8], [sflag:$0x1], $0x2000, $0x38;
	[tilespmem:$0x1A100] =	vst v63  }
0x42: {  	_ =	swait.ge [sflag:s9], $0x2000  }
0x43: {  	[sflag:s9] =	ssyncset.done $0x0  }
0x44: {  	[sflag:s9] =	ssyncadd.s32 $0xFFFFE000  }
0x45: {  	[spmem:s0] =	stream.linear.scatter [tilespmem:s8], [sflag:$0x1], $0x2000, $0x38;
	[tilespmem:$0x1A100] =	vst v63  }
0x46: {  	_ =	swait.ge [sflag:s9], $0x2000  }
0x47: {  	[sflag:s9] =	ssyncset.done $0x0  }
0x48: {  	[sflag:s9] =	ssyncadd.s32 $0xFFFFE000  }
0x49: {  	[spmem:s3] =	stream.linear.scatter [tilespmem:s8], [sflag:$0x1], $0x2000, $0x38;
	[tilespmem:$0x1A100] =	vst v63  }
0x4a: {  	_ =	swait.ge [sflag:s9], $0x2000  }
0x4b: {  	[sflag:s9] =	ssyncset.done $0x0  }
0x4c: {  	[sflag:s9] =	ssyncadd.s32 $0xFFFFE000  }
0x4d: {  	[spmem:s4] =	stream.linear.scatter [tilespmem:s8], [sflag:$0x1], $0x2000, $0x38;
	[tilespmem:$0x1A100] =	vst v63  }
0x4e: {  	_ =	swait.ge [sflag:s9], $0x2000  }
0x4f: {  	[sflag:s9] =	ssyncset.done $0x0  }
0x50: {  	[sflag:s9] =	ssyncadd.s32 $0xFFFFE000  }
0x51: {  	[spmem:s5] =	stream.linear.scatter [tilespmem:s8], [sflag:$0x1], $0x2000, $0x38;
	[tilespmem:$0x1A100] =	vst v63  }
0x52: {  	_ =	swait.ge [sflag:s9], $0x2000  }
0x53: {  	[sflag:s9] =	ssyncset.done $0x0  }
0x54: {  	[sflag:s9] =	ssyncadd.s32 $0xFFFFE000  }
0x55: {  	[spmem:s6] =	stream.linear.scatter [tilespmem:s8], [sflag:$0x1], $0x2000, $0x38;
	[tilespmem:$0x1A100] =	vst v63  }
0x56: {  	_ =	swait.ge [sflag:s9], $0x2000  }
0x57: {  	[sflag:s9] =	ssyncset.done $0x0  }
0x58: {  	p1 =	sne.s32 s29, $0x1;
	[sflag:s9] =	ssyncadd.s32 $0xFFFFE000  }
0x59: {  	[spmem:s7] =	stream.linear.scatter [tilespmem:s8], [sflag:$0x1], $0x2000, $0x38;
	[tilespmem:$0x1A100] =	vst v63  }
.Ltmp1:
0x5a: {  	_ =	swait.ge [sflag:s9], $0x2000;
	(pc) =	sbr.rel @!p1 .LBB2_6-.Ltmp1, $4  }
0x5b: {  	[sflag:s9] =	ssyncset.done $0x0  }
0x5c: {  	[sflag:s9] =	ssyncadd.s32 $0xFFFFE000  }
0x5d: {  	[bflag:$0x0] =	sbarrier.arrive $0xFFFF  }
0x5e: {  	s18 =	sadd.s32 $0xFFFFFFFF, s29;
	s20 =	sshrl.u32 s14, $0x3;
	p0 =	por $0x0, $0x0  }
0x5f: {  	s19 =	sadd.s32 s16, s20  }
0x60: {  	[tilespmem:s12], [sflag:$0x1] =	stream.linear.gather [hbm4b:s19+s12], $0x100, $0x38;
	[tilespmem:$0x1A100] =	vst v63  }
0x61: {  	_ =	swait.ge [sflag:s9], $0x100  }
0x62: {  	[sflag:s9] =	ssyncset.done $0x0  }
0x63: {  	[sflag:s9] =	ssyncadd.s32 $0xFFFFFF00  }
0x64: {  	[tilespmem:s11], [sflag:$0x1] =	stream.indirect.gather [hbm4b:s15+s10], $0x80, s12, s10, $0xb8;
	[tilespmem:$0x1A100] =	vst v63  }
0x65: {  	p1 =	sne.s32 s18, $0x1;
	_ =	swait.ge [sflag:s9], $0x4000  }
.Ltmp2:
0x66: {  	[sflag:s9] =	ssyncset.done $0x0;
	(pc) =	sbr.rel @!p1 .LBB2_6-.Ltmp2, $4  }
0x67: {  	[sflag:s9] =	ssyncadd.s32 $0xFFFFC000  }
0x68: {  	[spmem:s2] =	stream.indirect.scatter.add.f32 [tilespmem:s11], [sflag:$0x1], $0x80, s10, s10, $0xb8;
	[tilespmem:$0x1A100] =	vst v63  }
0x69: {  	s18 =	sadd.s32 $0xFFFFFFFF, s18;
	s19 =	sadd.s32 $0x2000, s14;
	_ =	swait.ge [sflag:s9], $0x4000  }
0x6a: {  	p0 =	por $0x1, $0x1;
	s20 =	sshrl.u32 s19, $0x3;
	[sflag:s9] =	ssyncset.done $0x0  }
.LBB2_5:
0x6b: {  	p1 =	sne.s32 s18, $0x1;
	s20 =	sadd.s32 s16, s20;
	[sflag:s9] =	ssyncadd.s32 $0xFFFFC000  }
0x6c: {  	[tilespmem:s12], [sflag:$0x1] =	stream.linear.gather [hbm4b:s20+s12], $0x100, $0x38;
	[tilespmem:$0x1A100] =	vst v63  }
0x6d: {  	s18 =	sadd.s32 $0xFFFFFFFF, s18;
	_ =	swait.ge [sflag:s9], $0x100  }
0x6e: {  	[sflag:s9] =	ssyncset.done $0x0  }
0x6f: {  	[sflag:s9] =	ssyncadd.s32 $0xFFFFFF00  }
0x70: {  	[tilespmem:s11], [sflag:$0x1] =	stream.indirect.gather [hbm4b:s15+s10], $0x80, s12, s10, $0xb8;
	[tilespmem:$0x1A100] =	vst v63  }
0x71: {  	_ =	swait.ge [sflag:s9], $0x4000  }
.Ltmp3:
0x72: {  	[sflag:s9] =	ssyncset.done $0x0;
	(pc) =	sbr.rel @p1 .LBB2_5-.Ltmp3, $4  }
0x73: {  	[sflag:s9] =	ssyncadd.s32 $0xFFFFC000  }
0x74: {  	[spmem:s2] =	stream.indirect.scatter.add.f32 [tilespmem:s11], [sflag:$0x1], $0x80, s10, s10, $0xb8;
	[tilespmem:$0x1A100] =	vst v63  }
0x75: {  	s19 =	sadd.s32 $0x2000, s19;
	_ =	swait.ge [sflag:s9], $0x4000  }
0x76: {  	s20 =	sshrl.u32 s19, $0x3;
	[sflag:s9] =	ssyncset.done $0x0  }
.LBB2_6:
0x77: {  	s18 =	sadd.s32 s16, s20;
	[sflag:s9] =	ssyncadd.s32 @p0 $0xFFFFC000  }
0x78: {  	[tilespmem:s12], [sflag:$0x1] =	stream.linear.gather [hbm4b:s18+s12], $0x100, $0x38;
	[tilespmem:$0x1A100] =	vst v63  }
0x79: {  	_ =	swait.ge [sflag:s9], $0x100  }
0x7a: {  	[sflag:s9] =	ssyncset.done $0x0  }
0x7b: {  	[sflag:s9] =	ssyncadd.s32 $0xFFFFFF00  }
0x7c: {  	[tilespmem:s11], [sflag:$0x1] =	stream.indirect.gather [hbm4b:s15+s10], $0x80, s12, s10, $0xb8;
	[tilespmem:$0x1A100] =	vst v63  }
0x7d: {  	_ =	swait.ge [sflag:s9], $0x4000  }
0x7e: {  	[sflag:s9] =	ssyncset.done $0x0  }
0x7f: {  	[sflag:s9] =	ssyncadd.s32 $0xFFFFC000  }
0x80: {  	[spmem:s2] =	stream.indirect.scatter.add.f32 [tilespmem:s11], [sflag:$0x1], $0x80, s10, s10, $0xb8;
	[tilespmem:$0x1A100] =	vst v63  }
0x81: {  	_ =	swait.ge [sflag:s9], $0x4000  }
0x82: {  	[sflag:s9] =	ssyncset.done $0x0  }
0x83: {  	[sflag:s9] =	ssyncadd.s32 $0xFFFFC000  }
0x84: {  	[bflag:$0x0] =	sbarrier.arrive $0xFFFF  }
0x85: {  	[tilespmem:s8], [sflag:$0x1] =	stream.linear.gather [spmem:s17], $0x2000, $0x38;
	[tilespmem:$0x1A100] =	vst v63  }
0x86: {  	_ =	swait.ge [sflag:s9], $0x2000  }
0x87: {  	[sflag:s9] =	ssyncset.done $0x0  }
0x88: {  	s20 =	rddreg [dreg:$0x3];
	[sflag:s9] =	ssyncadd.s32 $0xFFFFE000  }
0x89: {  	[hbm4b:s20+s12] =	stream.linear.scatter [tilespmem:s8], [sflag:$0x1], $0x2000, $0x38;
	[tilespmem:$0x1A100] =	vst v63  }
0x8a: {  	_ =	swait.ge [sflag:s9], $0x2000  }
0x8b: {  	[sflag:s9] =	ssyncset.done $0x0  }
0x8c: {  	s19 =	rddreg [dreg:$0xe];
	[sflag:s9] =	ssyncadd.s32 $0xFFFFE000  }
0x8d: {  	[tilespmem:s8], [sflag:$0x1] =	stream.linear.gather [spmem:s19], $0x2000, $0x38;
	[tilespmem:$0x1A100] =	vst v63  }
0x8e: {  	_ =	swait.ge [sflag:s9], $0x2000  }
0x8f: {  	[sflag:s9] =	ssyncset.done $0x0  }
0x90: {  	s20 =	rddreg [dreg:$0x4];
	[sflag:s9] =	ssyncadd.s32 $0xFFFFE000  }
0x91: {  	[hbm4b:s20+s12] =	stream.linear.scatter [tilespmem:s8], [sflag:$0x1], $0x2000, $0x38;
	[tilespmem:$0x1A100] =	vst v63  }
0x92: {  	_ =	swait.ge [sflag:s9], $0x2000  }
0x93: {  	[sflag:s9] =	ssyncset.done $0x0  }
0x94: {  	s19 =	rddreg [dreg:$0xf];
	[sflag:s9] =	ssyncadd.s32 $0xFFFFE000  }
0x95: {  	[tilespmem:s8], [sflag:$0x1] =	stream.linear.gather [spmem:s19], $0x2000, $0x38;
	[tilespmem:$0x1A100] =	vst v63  }
0x96: {  	_ =	swait.ge [sflag:s9], $0x2000  }
0x97: {  	[sflag:s9] =	ssyncset.done $0x0  }
0x98: {  	s20 =	rddreg [dreg:$0x5];
	[sflag:s9] =	ssyncadd.s32 $0xFFFFE000  }
0x99: {  	[hbm4b:s20+s12] =	stream.linear.scatter [tilespmem:s8], [sflag:$0x1], $0x2000, $0x38;
	[tilespmem:$0x1A100] =	vst v63  }
0x9a: {  	_ =	swait.ge [sflag:s9], $0x2000  }
0x9b: {  	[sflag:s9] =	ssyncset.done $0x0  }
0x9c: {  	[sflag:s9] =	ssyncadd.s32 $0xFFFFE000  }
0x9d: {  	[tilespmem:s8], [sflag:$0x1] =	stream.linear.gather [spmem:s21], $0x2000, $0x38;
	[tilespmem:$0x1A100] =	vst v63  }
0x9e: {  	_ =	swait.ge [sflag:s9], $0x2000  }
0x9f: {  	[sflag:s9] =	ssyncset.done $0x0  }
0xa0: {  	s19 =	rddreg [dreg:$0x6];
	[sflag:s9] =	ssyncadd.s32 $0xFFFFE000  }
0xa1: {  	[hbm4b:s19+s12] =	stream.linear.scatter [tilespmem:s8], [sflag:$0x1], $0x2000, $0x38;
	[tilespmem:$0x1A100] =	vst v63  }
0xa2: {  	_ =	swait.ge [sflag:s9], $0x2000  }
0xa3: {  	[sflag:s9] =	ssyncset.done $0x0  }
0xa4: {  	[sflag:s9] =	ssyncadd.s32 $0xFFFFE000  }
0xa5: {  	[tilespmem:s8], [sflag:$0x1] =	stream.linear.gather [spmem:s22], $0x2000, $0x38;
	[tilespmem:$0x1A100] =	vst v63  }
0xa6: {  	_ =	swait.ge [sflag:s9], $0x2000  }
0xa7: {  	[sflag:s9] =	ssyncset.done $0x0  }
0xa8: {  	s20 =	rddreg [dreg:$0x7];
	[sflag:s9] =	ssyncadd.s32 $0xFFFFE000  }
0xa9: {  	[hbm4b:s20+s12] =	stream.linear.scatter [tilespmem:s8], [sflag:$0x1], $0x2000, $0x38;
	[tilespmem:$0x1A100] =	vst v63  }
0xaa: {  	_ =	swait.ge [sflag:s9], $0x2000  }
0xab: {  	[sflag:s9] =	ssyncset.done $0x0  }
0xac: {  	[sflag:s9] =	ssyncadd.s32 $0xFFFFE000  }
0xad: {  	[tilespmem:s8], [sflag:$0x1] =	stream.linear.gather [spmem:s23], $0x2000, $0x38;
	[tilespmem:$0x1A100] =	vst v63  }
0xae: {  	_ =	swait.ge [sflag:s9], $0x2000  }
0xaf: {  	[sflag:s9] =	ssyncset.done $0x0  }
0xb0: {  	s19 =	rddreg [dreg:$0x8];
	[sflag:s9] =	ssyncadd.s32 $0xFFFFE000  }
0xb1: {  	[hbm4b:s19+s12] =	stream.linear.scatter [tilespmem:s8], [sflag:$0x1], $0x2000, $0x38;
	[tilespmem:$0x1A100] =	vst v63  }
0xb2: {  	_ =	swait.ge [sflag:s9], $0x2000  }
0xb3: {  	[sflag:s9] =	ssyncset.done $0x0  }
0xb4: {  	[sflag:s9] =	ssyncadd.s32 $0xFFFFE000  }
0xb5: {  	[tilespmem:s8], [sflag:$0x1] =	stream.linear.gather [spmem:s24], $0x2000, $0x38;
	[tilespmem:$0x1A100] =	vst v63  }
0xb6: {  	_ =	swait.ge [sflag:s9], $0x2000  }
0xb7: {  	[sflag:s9] =	ssyncset.done $0x0  }
0xb8: {  	s20 =	rddreg [dreg:$0x9];
	[sflag:s9] =	ssyncadd.s32 $0xFFFFE000  }
0xb9: {  	[hbm4b:s20+s12] =	stream.linear.scatter [tilespmem:s8], [sflag:$0x1], $0x2000, $0x38;
	[tilespmem:$0x1A100] =	vst v63  }
0xba: {  	_ =	swait.ge [sflag:s9], $0x2000  }
0xbb: {  	[sflag:s9] =	ssyncset.done $0x0  }
0xbc: {  	[sflag:s9] =	ssyncadd.s32 $0xFFFFE000  }
0xbd: {  	[tilespmem:s8], [sflag:$0x1] =	stream.linear.gather [spmem:s25], $0x2000, $0x38;
	[tilespmem:$0x1A100] =	vst v63  }
0xbe: {  	_ =	swait.ge [sflag:s9], $0x2000  }
0xbf: {  	[sflag:s9] =	ssyncset.done $0x0  }
0xc0: {  	s19 =	rddreg [dreg:$0xa];
	[sflag:s9] =	ssyncadd.s32 $0xFFFFE000  }
0xc1: {  	[hbm4b:s19+s12] =	stream.linear.scatter [tilespmem:s8], [sflag:$0x1], $0x2000, $0x38;
	[tilespmem:$0x1A100] =	vst v63  }
0xc2: {  	_ =	swait.ge [sflag:s9], $0x2000  }
0xc3: {  	[sflag:s9] =	ssyncset.done $0x0  }
0xc4: {  	[sflag:s9] =	ssyncadd.s32 $0xFFFFE000  }
0xc5: {  	[tilespmem:s8], [sflag:$0x1] =	stream.linear.gather [spmem:s26], $0x2000, $0x38;
	[tilespmem:$0x1A100] =	vst v63  }
0xc6: {  	_ =	swait.ge [sflag:s9], $0x2000  }
0xc7: {  	[sflag:s9] =	ssyncset.done $0x0  }
0xc8: {  	s20 =	rddreg [dreg:$0xb];
	[sflag:s9] =	ssyncadd.s32 $0xFFFFE000  }
0xc9: {  	[hbm4b:s20+s12] =	stream.linear.scatter [tilespmem:s8], [sflag:$0x1], $0x2000, $0x38;
	[tilespmem:$0x1A100] =	vst v63  }
0xca: {  	_ =	swait.ge [sflag:s9], $0x2000  }
0xcb: {  	[sflag:s9] =	ssyncset.done $0x0  }
0xcc: {  	[sflag:s9] =	ssyncadd.s32 $0xFFFFE000  }
0xcd: {  	[tilespmem:s8], [sflag:$0x1] =	stream.linear.gather [spmem:s28], $0x2000, $0x38;
	[tilespmem:$0x1A100] =	vst v63  }
0xce: {  	_ =	swait.ge [sflag:s9], $0x2000  }
0xcf: {  	[sflag:s9] =	ssyncset.done $0x0  }
0xd0: {  	s19 =	rddreg [dreg:$0xc];
	[sflag:s9] =	ssyncadd.s32 $0xFFFFE000  }
0xd1: {  	[hbm4b:s19+s12] =	stream.linear.scatter [tilespmem:s8], [sflag:$0x1], $0x2000, $0x38;
	[tilespmem:$0x1A100] =	vst v63  }
0xd2: {  	_ =	swait.ge [sflag:s9], $0x2000  }
0xd3: {  	s13 =	sadd.s32 $0x1, s13;
	s20 =	rddreg [dreg:$0xd]  }
0xd4: {  	p0 =	sne.s32 s13, s20  }
.Ltmp4:
0xd5: {  	_ = 	snop;
	(pc) =	sbr.rel @p0 .LBB2_1-.Ltmp4, $3  }
0xd6: {  	_ =	sdelay $0x1  }
0xd7: {  	[sflag:s9] =	ssyncset.done $0x0  }
0xd8: {  	[sflag:s9] =	ssyncadd.s32 $0xFFFFE000  }
0xd9: {  	_ =	sfence.sel $0x180000  }
0xda: {  	[bflag:$0x0] =	sbarrier.arrive $0xFFFF  }
0xdb: {  	_ =	strace $0x9000004D  }
0xdc: {  	s0 =	stileid.u32;
	[bflag:$0x2] =	sbarrier.arrive $0xFFFF  }
0xdd: {  	p0 =	sne.s32 s0, $0x0;
	s0 =	rddreg [dreg:$0x2]  }
0xde: {  	s0 =	sadd.s32 @!p0 $0x100000, s0  }
0xdf: {  	[sflag:s0] =	ssyncadd.tile.s32 @!p0 $0x1;
	_ =	shalt  }
.Lfunc_end2:
_tile_overlayer_lowered:
.L_overlay_start_2:
0xe0: {  	(tag) =	ssettag $0x2  }
0xe1: {  	s0 =	rddreg [dreg:$0x0];
	s2 =	stileid.u32  }
0xe2: {  	s1 =	rddreg [dreg:$0x1];
	p0 =	sne.s32 s2, $0x0  }
0xe3: {  	s3 =	rddreg [dreg:$0x2];
	[bflag:$0x3] =	sbarrier.arrive $0xFFFF;
	s2 =	simm.s32 @!p0 $0x1C01  }
0xe4: {  	[timem:s3], [sflag:s2] =	dma.local @!p0 [hbm:s0], s1  }
0xe5: {  	s0 =	simm.s32 @!p0 $0x1  }
0xe6: {  	_ =	swait.ge @!p0 [sflag:s0], s1  }
0xe7: {  	s1 =	ssub.s32 @!p0 $0x0, s1;
	[sflag:s0] =	ssyncset.done @!p0 $0x0  }
0xe8: {  	[sflag:s0] =	ssyncadd.s32 @!p0 s1  }
0xe9: {  	[bflag:$0x3] =	sbarrier.arrive $0xFFFF  }
0xea: {  	_ =	shalt  }

// kernel: kernel.19.cloned.1.call-start
scs
__scs_entry_jumppad:
0x0: {  	(pc) =	sbr.rel $0x88, $3  }
0x1: {  	(tag) =	ssettag $0x0;
	lr =	simm.s32 $0x1  }
0x2: {  	[smem:$0x3F97] =	sst lr;
	_ =	strace $0xD0000000  }
0x3: {  	_ = 	snop  }
0x4: {  	_ = 	snop  }
0x5: {  	_ = 	snop  }
0x6: {  	_ = 	snop  }
0x7: {  	_ = 	snop  }
__scs_overlays_trampoline_lowered:
0x8: {  	[smem:$0x3FA6] =	sst s0  }
0x9: {  	[smem:$0x3FA7] =	sst s1  }
0xa: {  	[smem:$0x3FA8] =	sst s2  }
0xb: {  	[smem:$0x3FA9] =	sst s3  }
0xc: {  	[smem:$0x3FAA] =	sst s4  }
0xd: {  	[smem:$0x3FAB] =	sst s5  }
0xe: {  	[smem:$0x3FAC] =	sst s6  }
0xf: {  	[smem:$0x3FAD] =	sst s7  }
0x10: {  	[smem:$0x3FAE] =	sst s8  }
0x11: {  	[smem:$0x3FAF] =	sst s9;
	s0 =	simm.s32 @!p0 $0x0  }
0x12: {  	s1 =	sld [smem:$0x3F95];
	s0 =	simm.s32 @p0 $0x1  }
0x13: {  	[smem:$0x3FB0] =	sst s0;
	s0 =	simm.s32 @!p1 $0x0  }
0x14: {  	s2 =	sld [smem:$0x3F94];
	s0 =	simm.s32 @p1 $0x1  }
0x15: {  	[smem:$0x3FB1] =	sst s0;
	s0 =	simm.s32 @!p2 $0x0  }
0x16: {  	s3 =	sld [smem:$0x3FDB];
	s0 =	simm.s32 @p2 $0x1  }
0x17: {  	s4 =	simm.s32 $0x1BF5;
	[smem:$0x3FB3] =	sst s0  }
0x18: {  	s0 =	sld [smem:$0x3F96];
	_ =	swait.ge [sflag:s4], $0x0  }
0x19: {  	s7 =	sld [smem:$0x3F97]  }
0x1a: {  	s8 =	sadd.s32 $0xFFFFE003, lr  }
0x1b: {  	s9 =	sadd.s32 $0xFFFFFEF7, lr;
	s5 =	simm.s32 $0xFFFFFFFF;
	p2 =	slt.u32 s8, $0xFFFFF086  }
0x1c: {  	p1 =	slt.u32 s9, $0xF7A;
	s5 =	simm.s32 @!p2 $0x0  }
0x1d: {  	s5 =	simm.s32 @p1 $0x1;
	p0 =	seq.s32 s7, s2  }
0x1e: {  	s7 =	smul.u32 @!p0 $0xF7A, s2;
	p2 =	seq.s32 @!p0 s5, $0x0  }
0x1f: {  	s9 =	smul.u32 $0xF7A, s1;
	s8 =	simm.s32 @!p0 $0x1BF5;
	p2 =	por !p2, p0  }
0x20: {  	[sflag:s8] =	ssyncset.s32 @!p0 $0xFFFFF086;
	s6 =	sadd.s32 @!p0 s3, s7;
	s7 =	simm.s32 @!p0 $0x108  }
0x21: {  	s3 =	sadd.s32 s3, s9;
	s6 =	sadd.s32 @!p0 $0x88, s6;
	s7 =	simm.s32 @p2 $0x1082  }
0x22: {  	[simem:s7], [sflag:s8] =	dma.local @!p0 [hbm:s6], $0xF7A  }
0x23: {  	s9 =	sor.u32 $0xD0000000, s2;
	s6 =	simm.s32 $0x108;
	_ =	swait.ge @!p0 [sflag:s8], $0x0  }
0x24: {  	s3 =	sadd.s32 $0x88, s3;
	s6 =	simm.s32 @!p1 $0x1082;
	[sflag:s4] =	ssyncset.s32 $0xFFFFF086  }
0x25: {  	[simem:s6], [sflag:s4] =	dma.local [hbm:s3], $0xF7A  }
0x26: {  	[smem:$0x3F97] =	sst s1;
	(tag) =	ssettag s2;
	_ =	strace s9  }
0x27: {  	s1 =	sld [smem:$0x3FA7]  }
0x28: {  	s2 =	sld [smem:$0x3FA8]  }
0x29: {  	s4 =	sld [smem:$0x3FAA]  }
0x2a: {  	p0 =	seq.s32 s5, $0x0;
	s5 =	sld [smem:$0x3FAB]  }
0x2b: {  	s6 =	sld [smem:$0x3FAC]  }
0x2c: {  	s7 =	sld [smem:$0x3FAD]  }
0x2d: {  	s3 =	simm.s32 $0x108;
	s8 =	sld [smem:$0x3FAE]  }
0x2e: {  	s3 =	simm.s32 @!p0 $0x1082;
	s9 =	sld [smem:$0x3FAF]  }
0x2f: {  	lr =	sadd.s32 s0, s3;
	s0 =	sld [smem:$0x3FA6]  }
0x30: {  	s3 =	sld [smem:$0x3FA9]  }
0x31: {  	[smem:$0x3FB2] =	sst s10  }
0x32: {  	s10 =	sld [smem:$0x3FB0];
	_ =	sdelay $0x3  }
0x33: {  	p0 =	seq.s32 s10, $0x1;
	s10 =	sld [smem:$0x3FB2];
	_ =	sdelay $0x3  }
0x34: {  	[smem:$0x3FB2] =	sst s10  }
0x35: {  	s10 =	sld [smem:$0x3FB1];
	_ =	sdelay $0x3  }
0x36: {  	p1 =	seq.s32 s10, $0x1;
	s10 =	sld [smem:$0x3FB2];
	_ =	sdelay $0x3  }
0x37: {  	[smem:$0x3FB2] =	sst s10  }
0x38: {  	s10 =	sld [smem:$0x3FB3]  }
0x39: {  	_ = 	snop;
	(pc) =	sbr.ind lr, $3  }
0x3a: {  	_ = 	snop  }
0x3b: {  	_ = 	snop  }
0x3c: {  	p2 =	seq.s32 s10, $0x1;
	s10 =	sld [smem:$0x3FB2]  }
0x3d: {  	_ =	shalt  }
0x3e: {  	_ =	shalt  }
0x3f: {  	_ =	shalt  }
0x40: {  	_ =	shalt  }
0x41: {  	_ =	shalt  }
0x42: {  	_ =	shalt  }
0x43: {  	_ =	shalt  }
0x44: {  	_ =	shalt  }
0x45: {  	_ =	shalt  }
0x46: {  	_ =	shalt  }
0x47: {  	_ =	shalt  }
0x48: {  	_ =	shalt  }
0x49: {  	_ =	shalt  }
0x4a: {  	_ =	shalt  }
0x4b: {  	_ =	shalt  }
0x4c: {  	_ =	shalt  }
0x4d: {  	_ =	shalt  }
0x4e: {  	_ =	shalt  }
0x4f: {  	_ =	shalt  }
0x50: {  	_ =	shalt  }
0x51: {  	_ =	shalt  }
0x52: {  	_ =	shalt  }
0x53: {  	_ =	shalt  }
0x54: {  	_ =	shalt  }
0x55: {  	_ =	shalt  }
0x56: {  	_ =	shalt  }
0x57: {  	_ =	shalt  }
0x58: {  	_ =	shalt  }
0x59: {  	_ =	shalt  }
0x5a: {  	_ =	shalt  }
0x5b: {  	_ =	shalt  }
0x5c: {  	_ =	shalt  }
0x5d: {  	_ =	shalt  }
0x5e: {  	_ =	shalt  }
0x5f: {  	_ =	shalt  }
0x60: {  	_ =	shalt  }
0x61: {  	_ =	shalt  }
0x62: {  	_ =	shalt  }
0x63: {  	_ =	shalt  }
0x64: {  	_ =	shalt  }
0x65: {  	_ =	shalt  }
0x66: {  	_ =	shalt  }
0x67: {  	_ =	shalt  }
0x68: {  	_ =	shalt  }
0x69: {  	_ =	shalt  }
0x6a: {  	_ =	shalt  }
0x6b: {  	_ =	shalt  }
0x6c: {  	_ =	shalt  }
0x6d: {  	_ =	shalt  }
0x6e: {  	_ =	shalt  }
0x6f: {  	_ =	shalt  }
0x70: {  	_ =	shalt  }
0x71: {  	_ =	shalt  }
0x72: {  	_ =	shalt  }
0x73: {  	_ =	shalt  }
0x74: {  	_ =	shalt  }
0x75: {  	_ =	shalt  }
0x76: {  	_ =	shalt  }
0x77: {  	_ =	shalt  }
0x78: {  	_ =	shalt  }
0x79: {  	_ =	shalt  }
0x7a: {  	_ =	shalt  }
0x7b: {  	_ =	shalt  }
0x7c: {  	_ =	shalt  }
0x7d: {  	_ =	shalt  }
0x7e: {  	_ =	shalt  }
0x7f: {  	_ =	shalt  }
0x80: {  	_ =	shalt  }
0x81: {  	_ =	shalt  }
0x82: {  	_ =	shalt  }
0x83: {  	_ =	shalt  }
0x84: {  	_ =	shalt  }
0x85: {  	_ =	shalt  }
0x86: {  	_ =	shalt  }
0x87: {  	_ =	shalt  }
.Lfunc_end0:
.L_simem_size_0:
called_computation.3_lowered:
.L_overlay_start_0:
0x88: {  	s2 =	sld [smem:$0x3FD9]  }
0x89: {  	s3 =	sld [smem:$0x3FFE];
	_ =	sdelay $0x1  }
0x8a: {  	s1 =	srdreg.scid  }
0x8b: {  	s0 =	sand.u32 $0x1, s1  }
0x8c: {  	s16 =	sshll.u32 s0, $0xA;
	s2 =	sadd.s32 s3, s2  }
0x8d: {  	s2 =	sadd.s32 s2, s16  }
0x8e: {  	[smem:$0x3FBE] =	sst s2  }
0x8f: {  	_ = 	snop  }
0x90: {  	(tm) =	ssettm $0x1  }
0x91: {  	s17 =	sld [smem:$0x3FFB];
	_ =	sdelay $0x3  }
0x92: {  	_ =	strace s17  }
0x93: {  	s2 =	sld [smem:$0x3FFC];
	_ =	sdelay $0x3  }
0x94: {  	_ =	strace s2  }
0x95: {  	s2 =	sld [smem:$0x3FFD];
	_ =	sdelay $0x3  }
0x96: {  	_ =	strace s2  }
0x97: {  	_ =	strace $0x8FFFFFFF  }
0x98: {  	s18 =	sld [smem:$0x3FDB];
	_ =	sdelay $0x1  }
0x99: {  	s19 =	simm.s32 $_scs_section_size  }
0x9a: {  	s4 =	simm.s32 $_size__tile_overlayer_lowered;
	s5 =	simm.s32 $_tile_overlayer_lowered  }
0x9b: {  	s22 =	simm.s32 $0x1BFF;
	s21 =	sshll.u32 s5, $0x1;
	s2 =	sadd.s32 s19, s18  }
0x9c: {  	s6 =	simm.s32 $0x0;
	s20 =	sshll.u32 s4, $0x1;
	s4 =	sadd.s32 s21, s2  }
0x9d: {  	[timem:s6], [sflag:s22] =	dma.local [hbm:s4], s20  }
0x9e: {  	_ =	swait.ge [sflag:s22], s20  }
0x9f: {  	s3 =	ssub.s32 $0x0, s20;
	[sflag:s22] =	ssyncset.done $0x0  }
0xa0: {  	[sflag:s22] =	ssyncadd.s32 s3;
	_ =	sdelay $0x1  }
0xa1: {  	s23 =	simm.s32 $0x1B8B  }
0xa2: {  	_ =	swait.ge [sflag:s23], $0x1  }
0xa3: {  	[sflag:s23] =	ssyncset.done $0x0  }
0xa4: {  	s25 =	simm.s32 $0x1B8E;
	s24 =	sld [smem:$0x3FFE];
	[sflag:s23] =	ssyncadd.s32 $0xFFFFFFFF  }
0xa5: {  	s26 =	simm.s32 $execute0_lowered;
	[smem:$0x3FD2] =	sst s25  }
0xa6: {  	s4 =	sshll.u32 s26, $0x1;
	_ =	strace $0x8000004F;
	[dreg:$0x1] =	wrdreg $0xFFFFFFFF  }
0xa7: {  	s28 =	simm.s32 $_size_execute0_lowered;
	s2 =	sadd.s32 s2, s4;
	[dreg:$0x0] =	wrdreg $0x0  }
0xa8: {  	s4 =	sshll.u32 s28, $0x1;
	[dreg:$0x2] =	wrdreg s2  }
0xa9: {  	[dreg:$0x3] =	wrdreg s4  }
0xaa: {  	[dreg:$0x4] =	wrdreg $0xC0  }
0xab: {  	_ =	task [dreg:s6], $0x5FFFF  }
0xac: {  	[dreg:$0x1] =	wrdreg $0xFFFFFFFF  }
0xad: {  	[dreg:$0x0] =	wrdreg $0x60  }
0xae: {  	[dreg:$0x2] =	wrdreg s24  }
0xaf: {  	[dreg:$0x3] =	wrdreg $0x40800  }
0xb0: {  	[dreg:$0x4] =	wrdreg $0x9  }
0xb1: {  	_ =	task.clear_ibuf [dreg:s6], $0x5FFFF;
	_ =	strace $0x9000004F  }
0xb2: {  	s29 =	simm.s32 $0x9;
	_ =	strace $0x80000051  }
0xb3: {  	_ =	swait.ge [sflag:s29], $0x1  }
0xb4: {  	[sflag:s29] =	ssyncadd.s32 $0xFFFFFFFF  }
0xb5: {  	_ =	strace $0x90000051  }
0xb6: {  	_ =	sfence  }
0xb7: {  	s30 =	sld [smem:$0x0];
	_ =	sdelay $0x2  }
0xb8: {  	s31 =	sshll.u32 s1, $0xD;
	s1 =	sshrl.u32 s1, $0x2  }
0xb9: {  	s3 =	sand.u32 $0x4000, s31;
	s1 =	sadd.s32 s1, s30  }
0xba: {  	s0 =	sor.u32 s3, s0;
	s1 =	sshll.u32 s1, $0x11  }
0xbb: {  	s0 =	sor.u32 s1, s0  }
0xbc: {  	s0 =	sadd.s32 $0x8F2B, s0  }
0xbd: {  	[sflag:s0] =	ssyncadd.remote.s32 $0x1  }
0xbe: {  	_ =	sfence.sel $0xFFFF  }
0xbf: {  	[dreg:$0x0] =	wrdreg $0xFFFFFFFF;
	(pc) =	sbr.abs _section_cstart, $3  }
0xc0: {  	[dreg:$0x1] =	wrdreg $0xFFFFFFFF  }
0xc1: {  	_ =	task.clear_ibuf [dreg:s6], $0x2FFFF;
	_ =	strace $0x9FFFFFFF  }
0xc2: {  	(tm) =	ssettm $0x7FFFFFFF  }
0xc3: {  	_ =	shalt  }
tec
execute0_lowered:
.L_overlay_start_1:
0x0: {  	(tag) =	ssettag $0x1  }
0x1: {  	s0 =	srdreg.scid  }
0x2: {  	s2 =	rddreg [dreg:$0x0];
	s16 =	stileid.u32  }
0x3: {  	s1 =	simm.s32 $0x0;
	s0 =	sand.u32 $0x1, s0;
	s4 =	smul.u32 $0x280, s16  }
0x4: {  	[smem:$0x7FF] =	sst s1;
	s6 =	smul.u32 $0x2800, s16;
	s11 =	sadd.s32 $0x3800, s2  }
0x5: {  	s24 =	sshll.u32 s16, $0x1;
	s20 =	sshll.u32 s16, $0x8;
	s21 =	sshll.u32 s16, $0xC  }
0x6: {  	s23 =	smul.u32 $0x50000, s16;
	s16 =	sadd.s32 $0x8F200, s2;
	s3 =	ssub.s32 $0x2, s0  }
0x7: {  	s5 =	sshrl.u32 s3, $0x1;
	s6 =	sadd.s32 s11, s6;
	s12 =	sadd.s32 $0x80, s4  }
0x8: {  	s15 =	sadd.s32 $0xC0, s4;
	s22 =	sadd.s32 $0x100, s4;
	s25 =	sadd.s32 $0x140, s4  }
0x9: {  	s26 =	sadd.s32 $0x180, s4;
	s28 =	sadd.s32 $0x1C0, s4;
	s29 =	sadd.s32 $0x200, s4  }
0xa: {  	s30 =	sadd.s32 $0x240, s4;
	s3 =	ssub.s32 s3, s5;
	[dreg:$0x3] =	wrdreg s6  }
0xb: {  	s6 =	sor.u32 $0x40, s4;
	s8 =	sshll.u32 s12, $0x4;
	s13 =	sshll.u32 s15, $0x4  }
0xc: {  	s14 =	sshll.u32 s22, $0x4;
	s17 =	sshll.u32 s25, $0x4;
	s19 =	sshll.u32 s26, $0x4  }
0xd: {  	s9 =	sshll.u32 s28, $0x4;
	s4 =	sshll.u32 s30, $0x4;
	s5 =	sor.u32 s0, s24  }
0xe: {  	s12 =	sshll.u32 s12, $0x7;
	s7 =	sshll.u32 s6, $0x4;
	s10 =	sadd.s32 s11, s8  }
0xf: {  	s18 =	sadd.s32 s11, s17;
	s8 =	sadd.s32 s11, s19;
	s9 =	sadd.s32 s11, s9  }
0x10: {  	s17 =	sadd.s32 $0x95400, s2;
	s24 =	sshll.u32 s5, $0x7;
	s19 =	smax.u32 s3, $0x1  }
0x11: {  	s2 =	sshll.u32 s25, $0x7;
	s3 =	sshll.u32 s26, $0x7;
	[dreg:$0x5] =	wrdreg s10  }
0x12: {  	s7 =	sadd.s32 s11, s7;
	[dreg:$0x8] =	wrdreg s18;
	s10 =	sshll.u32 s29, $0x4  }
0x13: {  	s18 =	sand.u32 $0x380, s24;
	s24 =	sshll.u32 s22, $0x7;
	[dreg:$0x4] =	wrdreg s7  }
0x14: {  	s7 =	sadd.s32 s11, s13;
	s10 =	sadd.s32 s11, s10;
	s13 =	sshll.u32 s0, $0x7  }
0x15: {  	s0 =	sshll.u32 s0, $0xB;
	[dreg:$0x6] =	wrdreg s7;
	s7 =	sadd.s32 s11, s14  }
0x16: {  	s11 =	sadd.s32 s11, s4;
	s13 =	sor.u32 s13, s20;
	s14 =	rddreg [dreg:$0x1]  }
0x17: {  	s4 =	sor.u32 s0, s21;
	s0 =	sshrl.u32 s23, $0x2;
	s23 =	sshll.u32 s15, $0x7  }
0x18: {  	s15 =	ssub.s32 $0x63A, s5;
	[dreg:$0x7] =	wrdreg s7;
	s7 =	sshll.u32 s6, $0x7  }
0x19: {  	s20 =	sadd.s32 s0, s14;
	s22 =	sadd.s32 s12, s14;
	s23 =	sadd.s32 s23, s14  }
0x1a: {  	s24 =	sadd.s32 s24, s14;
	s6 =	sshll.u32 s28, $0x7;
	s25 =	sadd.s32 s2, s14  }
0x1b: {  	s26 =	sadd.s32 s3, s14;
	s12 =	sshll.u32 s30, $0x7;
	s31 =	sshrl.u32 s15, $0x5  }
0x1c: {  	s0 =	simm.s32 $0x1;
	s2 =	simm.s32 $0x0;
	_ =	strace $0x80000050  }
0x1d: {  	s21 =	sadd.s32 s7, s14;
	s28 =	sadd.s32 s6, s14;
	s7 =	sshll.u32 s29, $0x7  }
0x1e: {  	s30 =	sadd.s32 s12, s14;
	s12 =	simm.s32 $0x80;
	s29 =	sadd.s32 s7, s14  }
.LBB2_1:
0x1f: {  	s3 =	rddreg [dreg:$0x3]  }
0x20: {  	[tilespmem:s12], [sflag:$0x1] =	stream.linear.gather [hbm4b:s3+s1], $0x2000, $0x38;
	[tilespmem:$0x18080] =	vst v63  }
0x21: {  	_ =	swait.ge [sflag:s0], $0x2000  }
0x22: {  	[sflag:s0] =	ssyncset.done $0x0  }
0x23: {  	[sflag:s0] =	ssyncadd.s32 $0xFFFFE000  }
0x24: {  	[spmem:s20] =	stream.linear.scatter [tilespmem:s12], [sflag:$0x1], $0x2000, $0x38;
	[tilespmem:$0x18080] =	vst v63  }
0x25: {  	_ =	swait.ge [sflag:s0], $0x2000  }
0x26: {  	[sflag:s0] =	ssyncset.done $0x0  }
0x27: {  	s7 =	rddreg [dreg:$0x4];
	[sflag:s0] =	ssyncadd.s32 $0xFFFFE000  }
0x28: {  	[tilespmem:s12], [sflag:$0x1] =	stream.linear.gather [hbm4b:s7+s1], $0x2000, $0x38;
	[tilespmem:$0x18080] =	vst v63  }
0x29: {  	_ =	swait.ge [sflag:s0], $0x2000  }
0x2a: {  	[sflag:s0] =	ssyncset.done $0x0  }
0x2b: {  	[sflag:s0] =	ssyncadd.s32 $0xFFFFE000  }
0x2c: {  	[spmem:s21] =	stream.linear.scatter [tilespmem:s12], [sflag:$0x1], $0x2000, $0x38;
	[tilespmem:$0x18080] =	vst v63  }
0x2d: {  	_ =	swait.ge [sflag:s0], $0x2000  }
0x2e: {  	[sflag:s0] =	ssyncset.done $0x0  }
0x2f: {  	s15 =	rddreg [dreg:$0x5];
	[sflag:s0] =	ssyncadd.s32 $0xFFFFE000  }
0x30: {  	[tilespmem:s12], [sflag:$0x1] =	stream.linear.gather [hbm4b:s15+s1], $0x2000, $0x38;
	[tilespmem:$0x18080] =	vst v63  }
0x31: {  	_ =	swait.ge [sflag:s0], $0x2000  }
0x32: {  	[sflag:s0] =	ssyncset.done $0x0  }
0x33: {  	[sflag:s0] =	ssyncadd.s32 $0xFFFFE000  }
0x34: {  	[spmem:s22] =	stream.linear.scatter [tilespmem:s12], [sflag:$0x1], $0x2000, $0x38;
	[tilespmem:$0x18080] =	vst v63  }
0x35: {  	_ =	swait.ge [sflag:s0], $0x2000  }
0x36: {  	[sflag:s0] =	ssyncset.done $0x0  }
0x37: {  	s5 =	rddreg [dreg:$0x6];
	[sflag:s0] =	ssyncadd.s32 $0xFFFFE000  }
0x38: {  	[tilespmem:s12], [sflag:$0x1] =	stream.linear.gather [hbm4b:s5+s1], $0x2000, $0x38;
	[tilespmem:$0x18080] =	vst v63  }
0x39: {  	_ =	swait.ge [sflag:s0], $0x2000  }
0x3a: {  	[sflag:s0] =	ssyncset.done $0x0  }
0x3b: {  	[sflag:s0] =	ssyncadd.s32 $0xFFFFE000  }
0x3c: {  	[spmem:s23] =	stream.linear.scatter [tilespmem:s12], [sflag:$0x1], $0x2000, $0x38;
	[tilespmem:$0x18080] =	vst v63  }
0x3d: {  	_ =	swait.ge [sflag:s0], $0x2000  }
0x3e: {  	[sflag:s0] =	ssyncset.done $0x0  }
0x3f: {  	s6 =	rddreg [dreg:$0x7];
	[sflag:s0] =	ssyncadd.s32 $0xFFFFE000  }
0x40: {  	[tilespmem:s12], [sflag:$0x1] =	stream.linear.gather [hbm4b:s6+s1], $0x2000, $0x38;
	[tilespmem:$0x18080] =	vst v63  }
0x41: {  	_ =	swait.ge [sflag:s0], $0x2000  }
0x42: {  	[sflag:s0] =	ssyncset.done $0x0  }
0x43: {  	[sflag:s0] =	ssyncadd.s32 $0xFFFFE000  }
0x44: {  	[spmem:s24] =	stream.linear.scatter [tilespmem:s12], [sflag:$0x1], $0x2000, $0x38;
	[tilespmem:$0x18080] =	vst v63  }
0x45: {  	_ =	swait.ge [sflag:s0], $0x2000  }
0x46: {  	[sflag:s0] =	ssyncset.done $0x0  }
0x47: {  	s7 =	rddreg [dreg:$0x8];
	[sflag:s0] =	ssyncadd.s32 $0xFFFFE000  }
0x48: {  	[tilespmem:s12], [sflag:$0x1] =	stream.linear.gather [hbm4b:s7+s1], $0x2000, $0x38;
	[tilespmem:$0x18080] =	vst v63  }
0x49: {  	_ =	swait.ge [sflag:s0], $0x2000  }
0x4a: {  	[sflag:s0] =	ssyncset.done $0x0  }
0x4b: {  	[sflag:s0] =	ssyncadd.s32 $0xFFFFE000  }
0x4c: {  	[spmem:s25] =	stream.linear.scatter [tilespmem:s12], [sflag:$0x1], $0x2000, $0x38;
	[tilespmem:$0x18080] =	vst v63  }
0x4d: {  	_ =	swait.ge [sflag:s0], $0x2000  }
0x4e: {  	[sflag:s0] =	ssyncset.done $0x0  }
0x4f: {  	[sflag:s0] =	ssyncadd.s32 $0xFFFFE000  }
0x50: {  	[tilespmem:s12], [sflag:$0x1] =	stream.linear.gather [hbm4b:s8+s1], $0x2000, $0x38;
	[tilespmem:$0x18080] =	vst v63  }
0x51: {  	_ =	swait.ge [sflag:s0], $0x2000  }
0x52: {  	[sflag:s0] =	ssyncset.done $0x0  }
0x53: {  	[sflag:s0] =	ssyncadd.s32 $0xFFFFE000  }
0x54: {  	[spmem:s26] =	stream.linear.scatter [tilespmem:s12], [sflag:$0x1], $0x2000, $0x38;
	[tilespmem:$0x18080] =	vst v63  }
0x55: {  	_ =	swait.ge [sflag:s0], $0x2000  }
0x56: {  	[sflag:s0] =	ssyncset.done $0x0  }
0x57: {  	[sflag:s0] =	ssyncadd.s32 $0xFFFFE000  }
0x58: {  	[tilespmem:s12], [sflag:$0x1] =	stream.linear.gather [hbm4b:s9+s1], $0x2000, $0x38;
	[tilespmem:$0x18080] =	vst v63  }
0x59: {  	_ =	swait.ge [sflag:s0], $0x2000  }
0x5a: {  	[sflag:s0] =	ssyncset.done $0x0  }
0x5b: {  	[sflag:s0] =	ssyncadd.s32 $0xFFFFE000  }
0x5c: {  	[spmem:s28] =	stream.linear.scatter [tilespmem:s12], [sflag:$0x1], $0x2000, $0x38;
	[tilespmem:$0x18080] =	vst v63  }
0x5d: {  	_ =	swait.ge [sflag:s0], $0x2000  }
0x5e: {  	[sflag:s0] =	ssyncset.done $0x0  }
0x5f: {  	[sflag:s0] =	ssyncadd.s32 $0xFFFFE000  }
0x60: {  	[tilespmem:s12], [sflag:$0x1] =	stream.linear.gather [hbm4b:s10+s1], $0x2000, $0x38;
	[tilespmem:$0x18080] =	vst v63  }
0x61: {  	_ =	swait.ge [sflag:s0], $0x2000  }
0x62: {  	[sflag:s0] =	ssyncset.done $0x0  }
0x63: {  	[sflag:s0] =	ssyncadd.s32 $0xFFFFE000  }
0x64: {  	[spmem:s29] =	stream.linear.scatter [tilespmem:s12], [sflag:$0x1], $0x2000, $0x38;
	[tilespmem:$0x18080] =	vst v63  }
0x65: {  	_ =	swait.ge [sflag:s0], $0x2000  }
0x66: {  	[sflag:s0] =	ssyncset.done $0x0  }
0x67: {  	[sflag:s0] =	ssyncadd.s32 $0xFFFFE000  }
0x68: {  	[tilespmem:s12], [sflag:$0x1] =	stream.linear.gather [hbm4b:s11+s1], $0x2000, $0x38;
	[tilespmem:$0x18080] =	vst v63  }
0x69: {  	_ =	swait.ge [sflag:s0], $0x2000  }
0x6a: {  	[sflag:s0] =	ssyncset.done $0x0  }
0x6b: {  	p1 =	sne.s32 s31, $0x1;
	[sflag:s0] =	ssyncadd.s32 $0xFFFFE000  }
0x6c: {  	[spmem:s30] =	stream.linear.scatter [tilespmem:s12], [sflag:$0x1], $0x2000, $0x38;
	[tilespmem:$0x18080] =	vst v63  }
.Ltmp0:
0x6d: {  	_ =	swait.ge [sflag:s0], $0x2000;
	(pc) =	sbr.rel @!p1 .LBB2_2-.Ltmp0, $4  }
0x6e: {  	[sflag:s0] =	ssyncset.done $0x0  }
0x6f: {  	s15 =	sand.u32 $0xFFFFFC00, s13;
	[sflag:s0] =	ssyncadd.s32 $0xFFFFE000  }
0x70: {  	s3 =	sor.u32 s18, s15;
	[bflag:$0x0] =	sbarrier.arrive $0xFFFF  }
0x71: {  	p0 =	por $0x0, $0x0;
	s5 =	sadd.s32 $0xFFFFFFFF, s31;
	s6 =	sshrl.u32 s3, $0x3  }
0x72: {  	s3 =	sadd.s32 s16, s6  }
0x73: {  	[tilespmem:s1], [sflag:$0x1] =	stream.linear.gather [hbm4b:s3+s1], $0x80, $0x38;
	[tilespmem:$0x18080] =	vst v63  }
0x74: {  	_ =	swait.ge [sflag:s0], $0x80  }
0x75: {  	[sflag:s0] =	ssyncset.done $0x0  }
0x76: {  	p1 =	sne.s32 s5, $0x1;
	[sflag:s0] =	ssyncadd.s32 $0xFFFFFF80  }
0x77: {  	[tilespmem:s12], [sflag:$0x1] =	stream.indirect.gather [spmem:s14], $0x80, s1, s12, $0xb8;
	[tilespmem:$0x18080] =	vst v63  }
0x78: {  	s7 =	sand.u32 $0x1FFFF800, s4;
	s5 =	sadd.s32 $0xFFFFFFFF, s5;
	_ =	swait.ge [sflag:s0], $0x4000  }
.Ltmp1:
0x79: {  	s3 =	sadd.s32 $0x1000, s13;
	[sflag:s0] =	ssyncset.done $0x0;
	(pc) =	sbr.rel @!p1 .LBB2_4-.Ltmp1, $4  }
0x7a: {  	s6 =	sadd.s32 s17, s7;
	s15 =	sand.u32 $0xFFFFFC00, s3;
	[sflag:s0] =	ssyncadd.s32 $0xFFFFC000  }
0x7b: {  	[hbm4b:s6+s1] =	stream.linear.scatter [tilespmem:s12], [sflag:$0x1], $0x4000, $0x38;
	[tilespmem:$0x18080] =	vst v63  }
0x7c: {  	p0 =	por $0x1, $0x1;
	s15 =	sor.u32 s18, s15;
	_ =	swait.ge [sflag:s0], $0x4000  }
0x7d: {  	s6 =	sshrl.u32 s15, $0x3;
	s15 =	smov.u32 s4;
	[sflag:s0] =	ssyncset.done $0x0  }
.LBB2_5:
0x7e: {  	s6 =	sadd.s32 s16, s6;
	[sflag:s0] =	ssyncadd.s32 $0xFFFFC000;
	s15 =	sadd.s32 $0x10000, s15  }
0x7f: {  	[tilespmem:s1], [sflag:$0x1] =	stream.linear.gather [hbm4b:s6+s1], $0x80, $0x38;
	[tilespmem:$0x18080] =	vst v63  }
0x80: {  	p1 =	sne.s32 s5, $0x1;
	s5 =	sadd.s32 $0xFFFFFFFF, s5;
	_ =	swait.ge [sflag:s0], $0x80  }
0x81: {  	[sflag:s0] =	ssyncset.done $0x0  }
0x82: {  	[sflag:s0] =	ssyncadd.s32 $0xFFFFFF80  }
0x83: {  	[tilespmem:s12], [sflag:$0x1] =	stream.indirect.gather [spmem:s14], $0x80, s1, s12, $0xb8;
	[tilespmem:$0x18080] =	vst v63  }
0x84: {  	s3 =	sadd.s32 $0x1000, s3;
	_ =	swait.ge [sflag:s0], $0x4000  }
.Ltmp2:
0x85: {  	s6 =	sand.u32 $0x1FFFF800, s15;
	[sflag:s0] =	ssyncset.done $0x0;
	(pc) =	sbr.rel @p1 .LBB2_5-.Ltmp2, $4  }
0x86: {  	s7 =	sand.u32 $0xFFFFFC00, s3;
	s6 =	sadd.s32 s17, s6;
	[sflag:s0] =	ssyncadd.s32 $0xFFFFC000  }
0x87: {  	[hbm4b:s6+s1] =	stream.linear.scatter [tilespmem:s12], [sflag:$0x1], $0x4000, $0x38;
	[tilespmem:$0x18080] =	vst v63  }
0x88: {  	s6 =	sor.u32 s18, s7;
	_ =	swait.ge [sflag:s0], $0x4000  }
0x89: {  	s6 =	sshrl.u32 s6, $0x3;
	[sflag:s0] =	ssyncset.done $0x0  }
.LBB2_6:
0x8a: {  	s3 =	sadd.s32 s16, s6;
	[sflag:s0] =	ssyncadd.s32 @p0 $0xFFFFC000  }
0x8b: {  	[tilespmem:s1], [sflag:$0x1] =	stream.linear.gather [hbm4b:s3+s1], $0x80, $0x38;
	[tilespmem:$0x18080] =	vst v63  }
0x8c: {  	_ =	swait.ge [sflag:s0], $0x80  }
0x8d: {  	[sflag:s0] =	ssyncset.done $0x0  }
0x8e: {  	s5 =	smov.u32 s4;
	s3 =	sadd.s32 @p0 $0x10000, s15;
	[sflag:s0] =	ssyncadd.s32 $0xFFFFFF80  }
0x8f: {  	[tilespmem:s12], [sflag:$0x1] =	stream.indirect.gather [spmem:s14], $0x80, s1, s12, $0xb8;
	[tilespmem:$0x18080] =	vst v63  }
0x90: {  	s5 =	smov.u32 @p0 s3;
	_ =	swait.ge [sflag:s0], $0x4000  }
0x91: {  	s2 =	sadd.s32 $0x1, s2;
	s3 =	sand.u32 $0x1FFFF800, s5;
	[sflag:s0] =	ssyncset.done $0x0  }
0x92: {  	p0 =	sne.s32 s2, s19;
	s3 =	sadd.s32 s17, s3;
	[sflag:s0] =	ssyncadd.s32 $0xFFFFC000  }
0x93: {  	[hbm4b:s3+s1] =	stream.linear.scatter [tilespmem:s12], [sflag:$0x1], $0x4000, $0x38;
	[tilespmem:$0x18080] =	vst v63  }
.Ltmp3:
0x94: {  	_ = 	snop;
	(pc) =	sbr.rel @p0 .LBB2_1-.Ltmp3, $4  }
.Ltmp4:
0x95: {  	_ = 	snop;
	(pc) =	sbr.rel @!p0 .LBB2_7-.Ltmp4, $4  }
0x96: {  	_ =	swait.ge [sflag:s0], $0x4000  }
0x97: {  	[sflag:s0] =	ssyncset.done $0x0  }
0x98: {  	[sflag:s0] =	ssyncadd.s32 $0xFFFFC000  }
0x99: {  	_ = 	snop  }
.LBB2_2:
.Ltmp5:
0x9a: {  	(pc) =	sbr.rel .LBB2_6-.Ltmp5, $2  }
0x9b: {  	_ =	sdelay $0x2  }
0x9c: {  	s15 =	smov.u32 s4  }
.LBB2_4:
.Ltmp6:
0x9d: {  	(pc) =	sbr.rel .LBB2_6-.Ltmp6, $2  }
0x9e: {  	_ =	sdelay $0x2  }
0x9f: {  	s15 =	smov.u32 s4  }
.LBB2_7:
0xa0: {  	_ =	sfence.sel $0x180000  }
0xa1: {  	[bflag:$0x0] =	sbarrier.arrive $0xFFFF  }
0xa2: {  	_ =	strace $0x90000050  }
0xa3: {  	s0 =	stileid.u32;
	[bflag:$0x2] =	sbarrier.arrive $0xFFFF  }
0xa4: {  	p0 =	sne.s32 s0, $0x0;
	s0 =	rddreg [dreg:$0x2]  }
0xa5: {  	s0 =	sadd.s32 @!p0 $0x100000, s0  }
0xa6: {  	[sflag:s0] =	ssyncadd.tile.s32 @!p0 $0x1;
	_ =	shalt  }
.Lfunc_end2:
_tile_overlayer_lowered:
.L_overlay_start_2:
0xa7: {  	(tag) =	ssettag $0x2  }
0xa8: {  	s0 =	rddreg [dreg:$0x0];
	s2 =	stileid.u32  }
0xa9: {  	s1 =	rddreg [dreg:$0x1];
	p0 =	sne.s32 s2, $0x0  }
0xaa: {  	s3 =	rddreg [dreg:$0x2];
	[bflag:$0x3] =	sbarrier.arrive $0xFFFF;
	s2 =	simm.s32 @!p0 $0x1C01  }
0xab: {  	[timem:s3], [sflag:s2] =	dma.local @!p0 [hbm:s0], s1  }
0xac: {  	s0 =	simm.s32 @!p0 $0x1  }
0xad: {  	_ =	swait.ge @!p0 [sflag:s0], s1  }
0xae: {  	s1 =	ssub.s32 @!p0 $0x0, s1;
	[sflag:s0] =	ssyncset.done @!p0 $0x0  }
0xaf: {  	[sflag:s0] =	ssyncadd.s32 @!p0 s1  }
0xb0: {  	[bflag:$0x3] =	sbarrier.arrive $0xFFFF  }
0xb1: {  	_ =	shalt  }

</sc_bundles>
